<compile_context>
chip_gen: v7x
topology: tpu7x:2x2x1
jax: 0.10.2.dev20260603
libtpu: 0.0.44.dev20260713+nightly
codegen_flags: <defaults>
</compile_context>

<pallas_src>
import jax
import jax.numpy as jnp
from jax import lax
from jax.experimental import pallas as pl
from jax.experimental.pallas import tpu as pltpu
from jax.experimental.pallas import tpu_sc as plsc

B, L, D = 1024, 200, 128
NC, NS = 2, 16
NW = NC * NS
BPW = B // NW
HALF = L // 2
NCH = D // 16


def _lane_sum(v):
    for sh in (1, 2, 4, 8):
        idx = jnp.bitwise_xor(lax.iota(jnp.int32, 16), sh)
        perm = lax.gather(
            v, idx[:, None],
            dimension_numbers=lax.GatherDimensionNumbers(
                offset_dims=(), collapsed_slice_dims=(0,),
                start_index_map=(0,)),
            slice_sizes=(1,), mode=lax.GatherScatterMode.PROMISE_IN_BOUNDS)
        v = v + perm
    return v


def _sc_embed(ids_hbm, word_hbm, pos_hbm, gamma_hbm, beta_hbm, out_hbm,
              idx_all, rows2, pos_v, gsem0, gsem1, wsem0, wsem1):
    c = lax.axis_index("c")
    s = lax.axis_index("s")
    wid = s * NC + c
    b0 = wid * BPW
    gsem = (gsem0, gsem1)
    wsem = (wsem0, wsem1)

    def fire_gather(i, slot):
        pltpu.async_copy(word_hbm.at[idx_all.at[i, 0]],
                         rows2.at[slot, pl.ds(0, HALF)], gsem[slot])
        pltpu.async_copy(word_hbm.at[idx_all.at[i, 1]],
                         rows2.at[slot, pl.ds(HALF, HALF)], gsem[slot])

    def wait_gather(slot):
        pltpu.make_async_copy(word_hbm.at[pl.ds(0, L)], rows2.at[slot],
                              gsem[slot]).wait()

    def fire_write(i, slot):
        pltpu.async_copy(rows2.at[slot], out_hbm.at[b0 + i], wsem[slot])

    def wait_write(slot):
        pltpu.make_async_copy(rows2.at[slot], out_hbm.at[0],
                              wsem[slot]).wait()

    def compute(slot, lo, hi):
        @plsc.parallel_loop(lo, hi, unroll=2)
        def row_body(l):
            for k in range(NCH):
                x = rows2[slot, l, pl.ds(k * 16, 16)] \
                    + pos_v[l, pl.ds(k * 16, 16)]
                rows2[slot, l, pl.ds(k * 16, 16)] = x
        del row_body

    pltpu.sync_copy(ids_hbm.at[pl.ds(b0, BPW)], idx_all)
    fire_gather(0, 0)
    pltpu.sync_copy(pos_hbm.at[pl.ds(0, L)], pos_v)
    wait_gather(0)
    compute(0, 0, HALF)
    fire_gather(1, 1)
    compute(0, HALF, L)
    fire_write(0, 0)

    def pair_body(j, carry):
        for slot in (1, 0):
            i = 2 * j + (1 if slot == 1 else 2)
            other = 1 - slot
            wait_gather(slot)
            compute(slot, 0, HALF)
            wait_write(other)
            fire_gather(i + 1, other)
            compute(slot, HALF, L)
            fire_write(i, slot)
        return carry

    lax.fori_loop(0, (BPW - 2) // 2, pair_body, 0)

    wait_gather(1)
    compute(1, 0, L)
    fire_write(BPW - 1, 1)
    wait_write(0)
    wait_write(1)


def kernel(input_ids, word_table, pos_table, ln_gamma, ln_beta):
    ids2 = input_ids.astype(jnp.int32).reshape(B, 2, HALF)
    mesh = plsc.VectorSubcoreMesh(core_axis_name="c", subcore_axis_name="s")
    f = pl.kernel(
        _sc_embed,
        out_type=jax.ShapeDtypeStruct((B, L, D), jnp.float32),
        mesh=mesh,
        scratch_types=[
            pltpu.VMEM((BPW, 2, HALF), jnp.int32),
            pltpu.VMEM((2, L, D), jnp.float32),
            pltpu.VMEM((L, D), jnp.float32),
            pltpu.SemaphoreType.DMA,
            pltpu.SemaphoreType.DMA,
            pltpu.SemaphoreType.DMA,
            pltpu.SemaphoreType.DMA,
        ],
    )
    return f(ids2, word_table, pos_table, ln_gamma, ln_beta)

# --- scband reference (transcript-rebuilt; emitter-appended) ---
"""Pipeline reference for scband-embeddings-29850022708147 (READ-ONLY COPY).

The authoritative reference and input builder live on the scoring server;
editing this copy changes nothing except your own understanding.
"""

import jax, jax.numpy as jnp
import numpy as np

VOCAB = 100000
DIM = 128
PAD = 0
MAX_POS = 512
B = 1024
L = 200


def setup_inputs(seed: int = 0) -> dict:
    key = jax.random.key(seed)
    k1, k2, k3 = jax.random.split(key, 3)
    input_ids = jax.random.randint(k1, (B, L), 0, VOCAB, dtype=jnp.int64 if jax.config.jax_enable_x64 else jnp.int32)
    word_table = jax.random.normal(k2, (VOCAB, DIM), dtype=jnp.float32) * 0.02
    # nn.Embedding with padding_idx zeros that row at init
    word_table = word_table.at[PAD].set(0.0)
    pos_table = jax.random.normal(k3, (MAX_POS, DIM), dtype=jnp.float32) * 0.02
    ln_gamma = jnp.ones((DIM,), dtype=jnp.float32)
    ln_beta = jnp.zeros((DIM,), dtype=jnp.float32)
    return {"input_ids": input_ids, "word_table": word_table, "pos_table": pos_table,
            "ln_gamma": ln_gamma, "ln_beta": ln_beta}


def reference(input_ids, word_table, pos_table, ln_gamma, ln_beta):
    seq_length = input_ids.shape[1]
    position_ids = jnp.arange(seq_length, dtype=input_ids.dtype)
    position_ids = jnp.broadcast_to(position_ids[None, :], input_ids.shape)
    word_embeddings = jnp.take(word_table, input_ids, axis=0)
    position_embeddings = jnp.take(pos_table, position_ids, axis=0)
    embeddings = word_embeddings + position_embeddings
    # LayerNorm(eps=1e-12) over last dim
    mean = jnp.mean(embeddings, axis=-1, keepdims=True)
    var = jnp.mean(jnp.square(embeddings - mean), axis=-1, keepdims=True)
    normed = (embeddings - mean) / jnp.sqrt(var + 1e-12)
    out = normed * ln_gamma + ln_beta
    # dropout(p=0.1) is identity at inference
    return out

if __name__ == "__main__":
    import jax
    _d = setup_inputs()
    print(jax.jit(kernel)(*tuple(_d.values())))

</pallas_src>

<mosaic_0001>
#map = affine_map<(d0, d1) -> (0, 0, 0)>
#map1 = affine_map<(d0, d1) -> (0, 0)>
#map2 = affine_map<(d0, d1) -> (0)>
module attributes {stable_mosaic.version = 14 : i64} {
  func.func @_sc_embed(%arg0: i32, %arg1: i32, %arg2: memref<1024x2x100xi32, #tpu.memory_space<hbm>>, %arg3: memref<100000x128xf32, #tpu.memory_space<hbm>>, %arg4: memref<512x128xf32, #tpu.memory_space<hbm>>, %arg5: memref<128xf32, #tpu.memory_space<hbm>>, %arg6: memref<128xf32, #tpu.memory_space<hbm>>, %arg7: memref<1024x200x128xf32, #tpu.memory_space<hbm>>, %arg8: memref<32x2x100xi32, #tpu.memory_space<vmem>>, %arg9: memref<2x200x128xf32, #tpu.memory_space<vmem>>, %arg10: memref<200x128xf32, #tpu.memory_space<vmem>>, %arg11: memref<!tpu.dma_semaphore, #tpu.memory_space<semaphore_mem>>, %arg12: memref<!tpu.dma_semaphore, #tpu.memory_space<semaphore_mem>>, %arg13: memref<!tpu.dma_semaphore, #tpu.memory_space<semaphore_mem>>, %arg14: memref<!tpu.dma_semaphore, #tpu.memory_space<semaphore_mem>>) attributes {dimension_semantics = [#tpu.dimension_semantics<core_parallel>, #tpu.dimension_semantics<subcore_parallel>], iteration_bounds = array<i64: 2, 16>, scalar_prefetch = 0 : i64, scratch_operands = 7 : i64, tpu.core_type = #tpu.core_type<sc_vector_subcore>, window_params = [{transform_indices = #map}, {transform_indices = #map1}, {transform_indices = #map1}, {transform_indices = #map2}, {transform_indices = #map2}, {transform_indices = #map}]} {
    %mul3A = arith.constant 2 : i32
    %mul3A_0 = arith.muli %arg1, %mul3A : i32
    %add3A = arith.addi %mul3A_0, %arg0 : i32
    %mul3A_1 = arith.constant 32 : i32
    %mul3A_2 = arith.muli %add3A, %mul3A_1 : i32
    "tpu.region"() ({
      %run_scoped3A = tpu.sem_alloc : memref<!tpu.dma_semaphore, #tpu.memory_space<semaphore_mem>>
      %dma_start3A_170 = arith.constant 0 : i32
      %dma_start3A_171 = arith.constant 0 : i32
      %dma_start3A_172 = tpu.memref_slice %arg2[%mul3A_2, %dma_start3A_170, %dma_start3A_171] : memref<1024x2x100xi32, #tpu.memory_space<hbm>> -> memref<32x2x100xi32, #tpu.memory_space<hbm>>
      %dma_start3A_173 = arith.constant 0 : i32
      %dma_start3A_174 = arith.constant 0 : i32
      %dma_start3A_175 = tpu.memref_slice %arg2[%mul3A_2, %dma_start3A_173, %dma_start3A_174] : memref<1024x2x100xi32, #tpu.memory_space<hbm>> -> memref<32x2x100xi32, #tpu.memory_space<hbm>>
      tpu.enqueue_dma source(%dma_start3A_175 : memref<32x2x100xi32, #tpu.memory_space<hbm>>) target(%arg8 : memref<32x2x100xi32, #tpu.memory_space<vmem>>) target_semaphore(%run_scoped3A : memref<!tpu.dma_semaphore, #tpu.memory_space<semaphore_mem>>)
      %dma_wait3A_176 = arith.constant 0 : i32
      %dma_wait3A_177 = arith.constant 0 : i32
      %dma_wait3A_178 = tpu.memref_slice %arg2[%mul3A_2, %dma_wait3A_176, %dma_wait3A_177] : memref<1024x2x100xi32, #tpu.memory_space<hbm>> -> memref<32x2x100xi32, #tpu.memory_space<hbm>>
      %dma_wait3A_179 = arith.constant 0 : i32
      %dma_wait3A_180 = arith.constant 0 : i32
      %dma_wait3A_181 = tpu.memref_slice %arg2[%mul3A_2, %dma_wait3A_179, %dma_wait3A_180] : memref<1024x2x100xi32, #tpu.memory_space<hbm>> -> memref<32x2x100xi32, #tpu.memory_space<hbm>>
      tpu.wait_dma2 semaphore(%run_scoped3A : memref<!tpu.dma_semaphore, #tpu.memory_space<semaphore_mem>>) src(%dma_wait3A_181 : memref<32x2x100xi32, #tpu.memory_space<hbm>>) dst(%arg8 : memref<32x2x100xi32, #tpu.memory_space<vmem>>)
      tpu.yield
    }) : () -> ()
    %dma_start3A = arith.constant 0 : i32
    %dma_start3A_3 = arith.constant 0 : i32
    %dma_start3A_4 = arith.constant 0 : i32
    %dma_start3A_5 = arith.constant 0 : i32
    %dma_start3A_6 = arith.constant 0 : i32
    %dma_start3A_7 = tpu.memref_slice %arg9[%dma_start3A_4, %dma_start3A_5, %dma_start3A_6] : memref<2x200x128xf32, #tpu.memory_space<vmem>> -> memref<1x100x128xf32, #tpu.memory_space<vmem>>
    %dma_start3A_8 = tpu.memref_squeeze %dma_start3A_7 : memref<1x100x128xf32, #tpu.memory_space<vmem>> -> memref<100x128xf32, #tpu.memory_space<vmem>>
    %dma_start3A_9 = arith.constant 0 : i32
    %dma_start3A_10 = tpu.memref_slice %arg8[%dma_start3A, %dma_start3A_3, %dma_start3A_9] : memref<32x2x100xi32, #tpu.memory_space<vmem>> -> memref<1x1x100xi32, #tpu.memory_space<vmem>>
    %dma_start3A_11 = tpu.memref_squeeze %dma_start3A_10 : memref<1x1x100xi32, #tpu.memory_space<vmem>> -> memref<100xi32, #tpu.memory_space<vmem>>
    %dma_start3A_12 = arith.constant 0 : i32
    %dma_start3A_13 = arith.constant 0 : i32
    %dma_start3A_14 = tpu.memref_slice %arg3[%dma_start3A_12, %dma_start3A_13] : memref<100000x128xf32, #tpu.memory_space<hbm>> -> memref<100000x128xf32, #tpu.memory_space<hbm>>
    tpu.enqueue_indirect_dma source(%dma_start3A_14 : memref<100000x128xf32, #tpu.memory_space<hbm>>) target(%dma_start3A_8 : memref<100x128xf32, #tpu.memory_space<vmem>>) offsets(%dma_start3A_11 : memref<100xi32, #tpu.memory_space<vmem>>) semaphore(%arg11 : memref<!tpu.dma_semaphore, #tpu.memory_space<semaphore_mem>>)
    %dma_start3A_15 = arith.constant 0 : i32
    %dma_start3A_16 = arith.constant 1 : i32
    %dma_start3A_17 = arith.constant 0 : i32
    %dma_start3A_18 = arith.constant 100 : i32
    %dma_start3A_19 = arith.constant 0 : i32
    %dma_start3A_20 = tpu.memref_slice %arg9[%dma_start3A_17, %dma_start3A_18, %dma_start3A_19] : memref<2x200x128xf32, #tpu.memory_space<vmem>> -> memref<1x100x128xf32, #tpu.memory_space<vmem>>
    %dma_start3A_21 = tpu.memref_squeeze %dma_start3A_20 : memref<1x100x128xf32, #tpu.memory_space<vmem>> -> memref<100x128xf32, #tpu.memory_space<vmem>>
    %dma_start3A_22 = arith.constant 0 : i32
    %dma_start3A_23 = tpu.memref_slice %arg8[%dma_start3A_15, %dma_start3A_16, %dma_start3A_22] : memref<32x2x100xi32, #tpu.memory_space<vmem>> -> memref<1x1x100xi32, #tpu.memory_space<vmem>>
    %dma_start3A_24 = tpu.memref_squeeze %dma_start3A_23 : memref<1x1x100xi32, #tpu.memory_space<vmem>> -> memref<100xi32, #tpu.memory_space<vmem>>
    %dma_start3A_25 = arith.constant 0 : i32
    %dma_start3A_26 = arith.constant 0 : i32
    %dma_start3A_27 = tpu.memref_slice %arg3[%dma_start3A_25, %dma_start3A_26] : memref<100000x128xf32, #tpu.memory_space<hbm>> -> memref<100000x128xf32, #tpu.memory_space<hbm>>
    tpu.enqueue_indirect_dma source(%dma_start3A_27 : memref<100000x128xf32, #tpu.memory_space<hbm>>) target(%dma_start3A_21 : memref<100x128xf32, #tpu.memory_space<vmem>>) offsets(%dma_start3A_24 : memref<100xi32, #tpu.memory_space<vmem>>) semaphore(%arg11 : memref<!tpu.dma_semaphore, #tpu.memory_space<semaphore_mem>>)
    "tpu.region"() ({
      %run_scoped3A = tpu.sem_alloc : memref<!tpu.dma_semaphore, #tpu.memory_space<semaphore_mem>>
      %dma_start3A_170 = arith.constant 0 : i32
      %dma_start3A_171 = arith.constant 0 : i32
      %dma_start3A_172 = tpu.memref_slice %arg4[%dma_start3A_170, %dma_start3A_171] : memref<512x128xf32, #tpu.memory_space<hbm>> -> memref<200x128xf32, #tpu.memory_space<hbm>>
      %dma_start3A_173 = arith.constant 0 : i32
      %dma_start3A_174 = arith.constant 0 : i32
      %dma_start3A_175 = tpu.memref_slice %arg4[%dma_start3A_173, %dma_start3A_174] : memref<512x128xf32, #tpu.memory_space<hbm>> -> memref<200x128xf32, #tpu.memory_space<hbm>>
      tpu.enqueue_dma source(%dma_start3A_175 : memref<200x128xf32, #tpu.memory_space<hbm>>) target(%arg10 : memref<200x128xf32, #tpu.memory_space<vmem>>) target_semaphore(%run_scoped3A : memref<!tpu.dma_semaphore, #tpu.memory_space<semaphore_mem>>)
      %dma_wait3A_176 = arith.constant 0 : i32
      %dma_wait3A_177 = arith.constant 0 : i32
      %dma_wait3A_178 = tpu.memref_slice %arg4[%dma_wait3A_176, %dma_wait3A_177] : memref<512x128xf32, #tpu.memory_space<hbm>> -> memref<200x128xf32, #tpu.memory_space<hbm>>
      %dma_wait3A_179 = arith.constant 0 : i32
      %dma_wait3A_180 = arith.constant 0 : i32
      %dma_wait3A_181 = tpu.memref_slice %arg4[%dma_wait3A_179, %dma_wait3A_180] : memref<512x128xf32, #tpu.memory_space<hbm>> -> memref<200x128xf32, #tpu.memory_space<hbm>>
      tpu.wait_dma2 semaphore(%run_scoped3A : memref<!tpu.dma_semaphore, #tpu.memory_space<semaphore_mem>>) src(%dma_wait3A_181 : memref<200x128xf32, #tpu.memory_space<hbm>>) dst(%arg10 : memref<200x128xf32, #tpu.memory_space<vmem>>)
      tpu.yield
    }) : () -> ()
    %dma_wait3A = arith.constant 0 : i32
    %dma_wait3A_28 = arith.constant 0 : i32
    %dma_wait3A_29 = arith.constant 0 : i32
    %dma_wait3A_30 = tpu.memref_slice %arg9[%dma_wait3A, %dma_wait3A_28, %dma_wait3A_29] : memref<2x200x128xf32, #tpu.memory_space<vmem>> -> memref<1x200x128xf32, #tpu.memory_space<vmem>>
    %dma_wait3A_31 = tpu.memref_squeeze %dma_wait3A_30 : memref<1x200x128xf32, #tpu.memory_space<vmem>> -> memref<200x128xf32, #tpu.memory_space<vmem>>
    %dma_wait3A_32 = arith.constant 0 : i32
    %dma_wait3A_33 = arith.constant 0 : i32
    %dma_wait3A_34 = tpu.memref_slice %arg3[%dma_wait3A_32, %dma_wait3A_33] : memref<100000x128xf32, #tpu.memory_space<hbm>> -> memref<200x128xf32, #tpu.memory_space<hbm>>
    %dma_wait3A_35 = arith.constant 0 : i32
    %dma_wait3A_36 = arith.constant 0 : i32
    %dma_wait3A_37 = tpu.memref_slice %arg9[%dma_wait3A, %dma_wait3A_35, %dma_wait3A_36] : memref<2x200x128xf32, #tpu.memory_space<vmem>> -> memref<1x200x128xf32, #tpu.memory_space<vmem>>
    %dma_wait3A_38 = tpu.memref_squeeze %dma_wait3A_37 : memref<1x200x128xf32, #tpu.memory_space<vmem>> -> memref<200x128xf32, #tpu.memory_space<vmem>>
    %dma_wait3A_39 = arith.constant 0 : i32
    %dma_wait3A_40 = arith.constant 0 : i32
    %dma_wait3A_41 = tpu.memref_slice %arg3[%dma_wait3A_39, %dma_wait3A_40] : memref<100000x128xf32, #tpu.memory_space<hbm>> -> memref<200x128xf32, #tpu.memory_space<hbm>>
    tpu.wait_dma2 semaphore(%arg11 : memref<!tpu.dma_semaphore, #tpu.memory_space<semaphore_mem>>) src(%dma_wait3A_41 : memref<200x128xf32, #tpu.memory_space<hbm>>) dst(%dma_wait3A_38 : memref<200x128xf32, #tpu.memory_space<vmem>>)
    %parallel_loop3A = arith.constant 0 : i32
    %parallel_loop3A_42 = arith.constant 100 : i32
    %parallel_loop3A_43 = arith.constant 1 : i32
    scf.for %parallel_loop3A_170 = %parallel_loop3A to %parallel_loop3A_42 step %parallel_loop3A_43  : i32 {
      %parallel_loop3A_171 = arith.constant 0 : i32
      %parallel_loop3A_172 = arith.index_cast %parallel_loop3A_171 : i32 to index
      %parallel_loop3A_173 = arith.index_cast %parallel_loop3A_170 : i32 to index
      %parallel_loop3A_174 = arith.constant 0 : index
      %parallel_loop3A_175 = tpu.vector_load %arg9[%parallel_loop3A_172, %parallel_loop3A_173, %parallel_loop3A_174] {strides = array<i32>} : memref<2x200x128xf32, #tpu.memory_space<vmem>>, vector<1x1x16xf32>,
      %parallel_loop3A_176 = vector.shape_cast %parallel_loop3A_175 : vector<1x1x16xf32> to vector<16xf32>
      %parallel_loop3A_177 = arith.index_cast %parallel_loop3A_170 : i32 to index
      %parallel_loop3A_178 = arith.constant 0 : index
      %parallel_loop3A_179 = tpu.vector_load %arg10[%parallel_loop3A_177, %parallel_loop3A_178] {strides = array<i32>} : memref<200x128xf32, #tpu.memory_space<vmem>>, vector<1x16xf32>,
      %parallel_loop3A_180 = vector.shape_cast %parallel_loop3A_179 : vector<1x16xf32> to vector<16xf32>
      %parallel_loop3A_181 = arith.addf %parallel_loop3A_176, %parallel_loop3A_180 : vector<16xf32>
      %parallel_loop3A_182 = arith.constant 0 : i32
      %parallel_loop3A_183 = arith.index_cast %parallel_loop3A_182 : i32 to index
      %parallel_loop3A_184 = arith.index_cast %parallel_loop3A_170 : i32 to index
      %parallel_loop3A_185 = arith.constant 0 : index
      %parallel_loop3A_186 = tpu.vector_load %arg9[%parallel_loop3A_183, %parallel_loop3A_184, %parallel_loop3A_185] {strides = array<i32>} : memref<2x200x128xf32, #tpu.memory_space<vmem>>, vector<1x1x16xf32>,
      %parallel_loop3A_187 = vector.shape_cast %parallel_loop3A_186 : vector<1x1x16xf32> to vector<16xf32>
      %parallel_loop3A_188 = vector.shape_cast %parallel_loop3A_181 : vector<16xf32> to vector<1x1x16xf32>
      tpu.vector_store %arg9[%parallel_loop3A_183, %parallel_loop3A_184, %parallel_loop3A_185], %parallel_loop3A_188 {strides = array<i32>} : memref<2x200x128xf32, #tpu.memory_space<vmem>>, vector<1x1x16xf32>,
      %parallel_loop3A_189 = arith.constant 0 : i32
      %parallel_loop3A_190 = arith.index_cast %parallel_loop3A_189 : i32 to index
      %parallel_loop3A_191 = arith.index_cast %parallel_loop3A_170 : i32 to index
      %parallel_loop3A_192 = arith.constant 16 : index
      %parallel_loop3A_193 = tpu.vector_load %arg9[%parallel_loop3A_190, %parallel_loop3A_191, %parallel_loop3A_192] {strides = array<i32>} : memref<2x200x128xf32, #tpu.memory_space<vmem>>, vector<1x1x16xf32>,
      %parallel_loop3A_194 = vector.shape_cast %parallel_loop3A_193 : vector<1x1x16xf32> to vector<16xf32>
      %parallel_loop3A_195 = arith.index_cast %parallel_loop3A_170 : i32 to index
      %parallel_loop3A_196 = arith.constant 16 : index
      %parallel_loop3A_197 = tpu.vector_load %arg10[%parallel_loop3A_195, %parallel_loop3A_196] {strides = array<i32>} : memref<200x128xf32, #tpu.memory_space<vmem>>, vector<1x16xf32>,
      %parallel_loop3A_198 = vector.shape_cast %parallel_loop3A_197 : vector<1x16xf32> to vector<16xf32>
      %parallel_loop3A_199 = arith.addf %parallel_loop3A_194, %parallel_loop3A_198 : vector<16xf32>
      %parallel_loop3A_200 = arith.constant 0 : i32
      %parallel_loop3A_201 = arith.index_cast %parallel_loop3A_200 : i32 to index
      %parallel_loop3A_202 = arith.index_cast %parallel_loop3A_170 : i32 to index
      %parallel_loop3A_203 = arith.constant 16 : index
      %parallel_loop3A_204 = tpu.vector_load %arg9[%parallel_loop3A_201, %parallel_loop3A_202, %parallel_loop3A_203] {strides = array<i32>} : memref<2x200x128xf32, #tpu.memory_space<vmem>>, vector<1x1x16xf32>,
      %parallel_loop3A_205 = vector.shape_cast %parallel_loop3A_204 : vector<1x1x16xf32> to vector<16xf32>
      %parallel_loop3A_206 = vector.shape_cast %parallel_loop3A_199 : vector<16xf32> to vector<1x1x16xf32>
      tpu.vector_store %arg9[%parallel_loop3A_201, %parallel_loop3A_202, %parallel_loop3A_203], %parallel_loop3A_206 {strides = array<i32>} : memref<2x200x128xf32, #tpu.memory_space<vmem>>, vector<1x1x16xf32>,
      %parallel_loop3A_207 = arith.constant 0 : i32
      %parallel_loop3A_208 = arith.index_cast %parallel_loop3A_207 : i32 to index
      %parallel_loop3A_209 = arith.index_cast %parallel_loop3A_170 : i32 to index
      %parallel_loop3A_210 = arith.constant 32 : index
      %parallel_loop3A_211 = tpu.vector_load %arg9[%parallel_loop3A_208, %parallel_loop3A_209, %parallel_loop3A_210] {strides = array<i32>} : memref<2x200x128xf32, #tpu.memory_space<vmem>>, vector<1x1x16xf32>,
      %parallel_loop3A_212 = vector.shape_cast %parallel_loop3A_211 : vector<1x1x16xf32> to vector<16xf32>
      %parallel_loop3A_213 = arith.index_cast %parallel_loop3A_170 : i32 to index
      %parallel_loop3A_214 = arith.constant 32 : index
      %parallel_loop3A_215 = tpu.vector_load %arg10[%parallel_loop3A_213, %parallel_loop3A_214] {strides = array<i32>} : memref<200x128xf32, #tpu.memory_space<vmem>>, vector<1x16xf32>,
      %parallel_loop3A_216 = vector.shape_cast %parallel_loop3A_215 : vector<1x16xf32> to vector<16xf32>
      %parallel_loop3A_217 = arith.addf %parallel_loop3A_212, %parallel_loop3A_216 : vector<16xf32>
      %parallel_loop3A_218 = arith.constant 0 : i32
      %parallel_loop3A_219 = arith.index_cast %parallel_loop3A_218 : i32 to index
      %parallel_loop3A_220 = arith.index_cast %parallel_loop3A_170 : i32 to index
      %parallel_loop3A_221 = arith.constant 32 : index
      %parallel_loop3A_222 = tpu.vector_load %arg9[%parallel_loop3A_219, %parallel_loop3A_220, %parallel_loop3A_221] {strides = array<i32>} : memref<2x200x128xf32, #tpu.memory_space<vmem>>, vector<1x1x16xf32>,
      %parallel_loop3A_223 = vector.shape_cast %parallel_loop3A_222 : vector<1x1x16xf32> to vector<16xf32>
      %parallel_loop3A_224 = vector.shape_cast %parallel_loop3A_217 : vector<16xf32> to vector<1x1x16xf32>
      tpu.vector_store %arg9[%parallel_loop3A_219, %parallel_loop3A_220, %parallel_loop3A_221], %parallel_loop3A_224 {strides = array<i32>} : memref<2x200x128xf32, #tpu.memory_space<vmem>>, vector<1x1x16xf32>,
      %parallel_loop3A_225 = arith.constant 0 : i32
      %parallel_loop3A_226 = arith.index_cast %parallel_loop3A_225 : i32 to index
      %parallel_loop3A_227 = arith.index_cast %parallel_loop3A_170 : i32 to index
      %parallel_loop3A_228 = arith.constant 48 : index
      %parallel_loop3A_229 = tpu.vector_load %arg9[%parallel_loop3A_226, %parallel_loop3A_227, %parallel_loop3A_228] {strides = array<i32>} : memref<2x200x128xf32, #tpu.memory_space<vmem>>, vector<1x1x16xf32>,
      %parallel_loop3A_230 = vector.shape_cast %parallel_loop3A_229 : vector<1x1x16xf32> to vector<16xf32>
      %parallel_loop3A_231 = arith.index_cast %parallel_loop3A_170 : i32 to index
      %parallel_loop3A_232 = arith.constant 48 : index
      %parallel_loop3A_233 = tpu.vector_load %arg10[%parallel_loop3A_231, %parallel_loop3A_232] {strides = array<i32>} : memref<200x128xf32, #tpu.memory_space<vmem>>, vector<1x16xf32>,
      %parallel_loop3A_234 = vector.shape_cast %parallel_loop3A_233 : vector<1x16xf32> to vector<16xf32>
      %parallel_loop3A_235 = arith.addf %parallel_loop3A_230, %parallel_loop3A_234 : vector<16xf32>
      %parallel_loop3A_236 = arith.constant 0 : i32
      %parallel_loop3A_237 = arith.index_cast %parallel_loop3A_236 : i32 to index
      %parallel_loop3A_238 = arith.index_cast %parallel_loop3A_170 : i32 to index
      %parallel_loop3A_239 = arith.constant 48 : index
      %parallel_loop3A_240 = tpu.vector_load %arg9[%parallel_loop3A_237, %parallel_loop3A_238, %parallel_loop3A_239] {strides = array<i32>} : memref<2x200x128xf32, #tpu.memory_space<vmem>>, vector<1x1x16xf32>,
      %parallel_loop3A_241 = vector.shape_cast %parallel_loop3A_240 : vector<1x1x16xf32> to vector<16xf32>
      %parallel_loop3A_242 = vector.shape_cast %parallel_loop3A_235 : vector<16xf32> to vector<1x1x16xf32>
      tpu.vector_store %arg9[%parallel_loop3A_237, %parallel_loop3A_238, %parallel_loop3A_239], %parallel_loop3A_242 {strides = array<i32>} : memref<2x200x128xf32, #tpu.memory_space<vmem>>, vector<1x1x16xf32>,
      %parallel_loop3A_243 = arith.constant 0 : i32
      %parallel_loop3A_244 = arith.index_cast %parallel_loop3A_243 : i32 to index
      %parallel_loop3A_245 = arith.index_cast %parallel_loop3A_170 : i32 to index
      %parallel_loop3A_246 = arith.constant 64 : index
      %parallel_loop3A_247 = tpu.vector_load %arg9[%parallel_loop3A_244, %parallel_loop3A_245, %parallel_loop3A_246] {strides = array<i32>} : memref<2x200x128xf32, #tpu.memory_space<vmem>>, vector<1x1x16xf32>,
      %parallel_loop3A_248 = vector.shape_cast %parallel_loop3A_247 : vector<1x1x16xf32> to vector<16xf32>
      %parallel_loop3A_249 = arith.index_cast %parallel_loop3A_170 : i32 to index
      %parallel_loop3A_250 = arith.constant 64 : index
      %parallel_loop3A_251 = tpu.vector_load %arg10[%parallel_loop3A_249, %parallel_loop3A_250] {strides = array<i32>} : memref<200x128xf32, #tpu.memory_space<vmem>>, vector<1x16xf32>,
      %parallel_loop3A_252 = vector.shape_cast %parallel_loop3A_251 : vector<1x16xf32> to vector<16xf32>
      %parallel_loop3A_253 = arith.addf %parallel_loop3A_248, %parallel_loop3A_252 : vector<16xf32>
      %parallel_loop3A_254 = arith.constant 0 : i32
      %parallel_loop3A_255 = arith.index_cast %parallel_loop3A_254 : i32 to index
      %parallel_loop3A_256 = arith.index_cast %parallel_loop3A_170 : i32 to index
      %parallel_loop3A_257 = arith.constant 64 : index
      %parallel_loop3A_258 = tpu.vector_load %arg9[%parallel_loop3A_255, %parallel_loop3A_256, %parallel_loop3A_257] {strides = array<i32>} : memref<2x200x128xf32, #tpu.memory_space<vmem>>, vector<1x1x16xf32>,
      %parallel_loop3A_259 = vector.shape_cast %parallel_loop3A_258 : vector<1x1x16xf32> to vector<16xf32>
      %parallel_loop3A_260 = vector.shape_cast %parallel_loop3A_253 : vector<16xf32> to vector<1x1x16xf32>
      tpu.vector_store %arg9[%parallel_loop3A_255, %parallel_loop3A_256, %parallel_loop3A_257], %parallel_loop3A_260 {strides = array<i32>} : memref<2x200x128xf32, #tpu.memory_space<vmem>>, vector<1x1x16xf32>,
      %parallel_loop3A_261 = arith.constant 0 : i32
      %parallel_loop3A_262 = arith.index_cast %parallel_loop3A_261 : i32 to index
      %parallel_loop3A_263 = arith.index_cast %parallel_loop3A_170 : i32 to index
      %parallel_loop3A_264 = arith.constant 80 : index
      %parallel_loop3A_265 = tpu.vector_load %arg9[%parallel_loop3A_262, %parallel_loop3A_263, %parallel_loop3A_264] {strides = array<i32>} : memref<2x200x128xf32, #tpu.memory_space<vmem>>, vector<1x1x16xf32>,
      %parallel_loop3A_266 = vector.shape_cast %parallel_loop3A_265 : vector<1x1x16xf32> to vector<16xf32>
      %parallel_loop3A_267 = arith.index_cast %parallel_loop3A_170 : i32 to index
      %parallel_loop3A_268 = arith.constant 80 : index
      %parallel_loop3A_269 = tpu.vector_load %arg10[%parallel_loop3A_267, %parallel_loop3A_268] {strides = array<i32>} : memref<200x128xf32, #tpu.memory_space<vmem>>, vector<1x16xf32>,
      %parallel_loop3A_270 = vector.shape_cast %parallel_loop3A_269 : vector<1x16xf32> to vector<16xf32>
      %parallel_loop3A_271 = arith.addf %parallel_loop3A_266, %parallel_loop3A_270 : vector<16xf32>
      %parallel_loop3A_272 = arith.constant 0 : i32
      %parallel_loop3A_273 = arith.index_cast %parallel_loop3A_272 : i32 to index
      %parallel_loop3A_274 = arith.index_cast %parallel_loop3A_170 : i32 to index
      %parallel_loop3A_275 = arith.constant 80 : index
      %parallel_loop3A_276 = tpu.vector_load %arg9[%parallel_loop3A_273, %parallel_loop3A_274, %parallel_loop3A_275] {strides = array<i32>} : memref<2x200x128xf32, #tpu.memory_space<vmem>>, vector<1x1x16xf32>,
      %parallel_loop3A_277 = vector.shape_cast %parallel_loop3A_276 : vector<1x1x16xf32> to vector<16xf32>
      %parallel_loop3A_278 = vector.shape_cast %parallel_loop3A_271 : vector<16xf32> to vector<1x1x16xf32>
      tpu.vector_store %arg9[%parallel_loop3A_273, %parallel_loop3A_274, %parallel_loop3A_275], %parallel_loop3A_278 {strides = array<i32>} : memref<2x200x128xf32, #tpu.memory_space<vmem>>, vector<1x1x16xf32>,
      %parallel_loop3A_279 = arith.constant 0 : i32
      %parallel_loop3A_280 = arith.index_cast %parallel_loop3A_279 : i32 to index
      %parallel_loop3A_281 = arith.index_cast %parallel_loop3A_170 : i32 to index
      %parallel_loop3A_282 = arith.constant 96 : index
      %parallel_loop3A_283 = tpu.vector_load %arg9[%parallel_loop3A_280, %parallel_loop3A_281, %parallel_loop3A_282] {strides = array<i32>} : memref<2x200x128xf32, #tpu.memory_space<vmem>>, vector<1x1x16xf32>,
      %parallel_loop3A_284 = vector.shape_cast %parallel_loop3A_283 : vector<1x1x16xf32> to vector<16xf32>
      %parallel_loop3A_285 = arith.index_cast %parallel_loop3A_170 : i32 to index
      %parallel_loop3A_286 = arith.constant 96 : index
      %parallel_loop3A_287 = tpu.vector_load %arg10[%parallel_loop3A_285, %parallel_loop3A_286] {strides = array<i32>} : memref<200x128xf32, #tpu.memory_space<vmem>>, vector<1x16xf32>,
      %parallel_loop3A_288 = vector.shape_cast %parallel_loop3A_287 : vector<1x16xf32> to vector<16xf32>
      %parallel_loop3A_289 = arith.addf %parallel_loop3A_284, %parallel_loop3A_288 : vector<16xf32>
      %parallel_loop3A_290 = arith.constant 0 : i32
      %parallel_loop3A_291 = arith.index_cast %parallel_loop3A_290 : i32 to index
      %parallel_loop3A_292 = arith.index_cast %parallel_loop3A_170 : i32 to index
      %parallel_loop3A_293 = arith.constant 96 : index
      %parallel_loop3A_294 = tpu.vector_load %arg9[%parallel_loop3A_291, %parallel_loop3A_292, %parallel_loop3A_293] {strides = array<i32>} : memref<2x200x128xf32, #tpu.memory_space<vmem>>, vector<1x1x16xf32>,
      %parallel_loop3A_295 = vector.shape_cast %parallel_loop3A_294 : vector<1x1x16xf32> to vector<16xf32>
      %parallel_loop3A_296 = vector.shape_cast %parallel_loop3A_289 : vector<16xf32> to vector<1x1x16xf32>
      tpu.vector_store %arg9[%parallel_loop3A_291, %parallel_loop3A_292, %parallel_loop3A_293], %parallel_loop3A_296 {strides = array<i32>} : memref<2x200x128xf32, #tpu.memory_space<vmem>>, vector<1x1x16xf32>,
      %parallel_loop3A_297 = arith.constant 0 : i32
      %parallel_loop3A_298 = arith.index_cast %parallel_loop3A_297 : i32 to index
      %parallel_loop3A_299 = arith.index_cast %parallel_loop3A_170 : i32 to index
      %parallel_loop3A_300 = arith.constant 112 : index
      %parallel_loop3A_301 = tpu.vector_load %arg9[%parallel_loop3A_298, %parallel_loop3A_299, %parallel_loop3A_300] {strides = array<i32>} : memref<2x200x128xf32, #tpu.memory_space<vmem>>, vector<1x1x16xf32>,
      %parallel_loop3A_302 = vector.shape_cast %parallel_loop3A_301 : vector<1x1x16xf32> to vector<16xf32>
      %parallel_loop3A_303 = arith.index_cast %parallel_loop3A_170 : i32 to index
      %parallel_loop3A_304 = arith.constant 112 : index
      %parallel_loop3A_305 = tpu.vector_load %arg10[%parallel_loop3A_303, %parallel_loop3A_304] {strides = array<i32>} : memref<200x128xf32, #tpu.memory_space<vmem>>, vector<1x16xf32>,
      %parallel_loop3A_306 = vector.shape_cast %parallel_loop3A_305 : vector<1x16xf32> to vector<16xf32>
      %parallel_loop3A_307 = arith.addf %parallel_loop3A_302, %parallel_loop3A_306 : vector<16xf32>
      %parallel_loop3A_308 = arith.constant 0 : i32
      %parallel_loop3A_309 = arith.index_cast %parallel_loop3A_308 : i32 to index
      %parallel_loop3A_310 = arith.index_cast %parallel_loop3A_170 : i32 to index
      %parallel_loop3A_311 = arith.constant 112 : index
      %parallel_loop3A_312 = tpu.vector_load %arg9[%parallel_loop3A_309, %parallel_loop3A_310, %parallel_loop3A_311] {strides = array<i32>} : memref<2x200x128xf32, #tpu.memory_space<vmem>>, vector<1x1x16xf32>,
      %parallel_loop3A_313 = vector.shape_cast %parallel_loop3A_312 : vector<1x1x16xf32> to vector<16xf32>
      %parallel_loop3A_314 = vector.shape_cast %parallel_loop3A_307 : vector<16xf32> to vector<1x1x16xf32>
      tpu.vector_store %arg9[%parallel_loop3A_309, %parallel_loop3A_310, %parallel_loop3A_311], %parallel_loop3A_314 {strides = array<i32>} : memref<2x200x128xf32, #tpu.memory_space<vmem>>, vector<1x1x16xf32>,
    } {sc.loop_unroll_factor = 2 : i64, sc.parallel_access}
    %dma_start3A_44 = arith.constant 1 : i32
    %dma_start3A_45 = arith.constant 0 : i32
    %dma_start3A_46 = arith.constant 1 : i32
    %dma_start3A_47 = arith.constant 0 : i32
    %dma_start3A_48 = arith.constant 0 : i32
    %dma_start3A_49 = tpu.memref_slice %arg9[%dma_start3A_46, %dma_start3A_47, %dma_start3A_48] : memref<2x200x128xf32, #tpu.memory_space<vmem>> -> memref<1x100x128xf32, #tpu.memory_space<vmem>>
    %dma_start3A_50 = tpu.memref_squeeze %dma_start3A_49 : memref<1x100x128xf32, #tpu.memory_space<vmem>> -> memref<100x128xf32, #tpu.memory_space<vmem>>
    %dma_start3A_51 = arith.constant 0 : i32
    %dma_start3A_52 = tpu.memref_slice %arg8[%dma_start3A_44, %dma_start3A_45, %dma_start3A_51] : memref<32x2x100xi32, #tpu.memory_space<vmem>> -> memref<1x1x100xi32, #tpu.memory_space<vmem>>
    %dma_start3A_53 = tpu.memref_squeeze %dma_start3A_52 : memref<1x1x100xi32, #tpu.memory_space<vmem>> -> memref<100xi32, #tpu.memory_space<vmem>>
    %dma_start3A_54 = arith.constant 0 : i32
    %dma_start3A_55 = arith.constant 0 : i32
    %dma_start3A_56 = tpu.memref_slice %arg3[%dma_start3A_54, %dma_start3A_55] : memref<100000x128xf32, #tpu.memory_space<hbm>> -> memref<100000x128xf32, #tpu.memory_space<hbm>>
    tpu.enqueue_indirect_dma source(%dma_start3A_56 : memref<100000x128xf32, #tpu.memory_space<hbm>>) target(%dma_start3A_50 : memref<100x128xf32, #tpu.memory_space<vmem>>) offsets(%dma_start3A_53 : memref<100xi32, #tpu.memory_space<vmem>>) semaphore(%arg12 : memref<!tpu.dma_semaphore, #tpu.memory_space<semaphore_mem>>)
    %dma_start3A_57 = arith.constant 1 : i32
    %dma_start3A_58 = arith.constant 1 : i32
    %dma_start3A_59 = arith.constant 1 : i32
    %dma_start3A_60 = arith.constant 100 : i32
    %dma_start3A_61 = arith.constant 0 : i32
    %dma_start3A_62 = tpu.memref_slice %arg9[%dma_start3A_59, %dma_start3A_60, %dma_start3A_61] : memref<2x200x128xf32, #tpu.memory_space<vmem>> -> memref<1x100x128xf32, #tpu.memory_space<vmem>>
    %dma_start3A_63 = tpu.memref_squeeze %dma_start3A_62 : memref<1x100x128xf32, #tpu.memory_space<vmem>> -> memref<100x128xf32, #tpu.memory_space<vmem>>
    %dma_start3A_64 = arith.constant 0 : i32
    %dma_start3A_65 = tpu.memref_slice %arg8[%dma_start3A_57, %dma_start3A_58, %dma_start3A_64] : memref<32x2x100xi32, #tpu.memory_space<vmem>> -> memref<1x1x100xi32, #tpu.memory_space<vmem>>
    %dma_start3A_66 = tpu.memref_squeeze %dma_start3A_65 : memref<1x1x100xi32, #tpu.memory_space<vmem>> -> memref<100xi32, #tpu.memory_space<vmem>>
    %dma_start3A_67 = arith.constant 0 : i32
    %dma_start3A_68 = arith.constant 0 : i32
    %dma_start3A_69 = tpu.memref_slice %arg3[%dma_start3A_67, %dma_start3A_68] : memref<100000x128xf32, #tpu.memory_space<hbm>> -> memref<100000x128xf32, #tpu.memory_space<hbm>>
    tpu.enqueue_indirect_dma source(%dma_start3A_69 : memref<100000x128xf32, #tpu.memory_space<hbm>>) target(%dma_start3A_63 : memref<100x128xf32, #tpu.memory_space<vmem>>) offsets(%dma_start3A_66 : memref<100xi32, #tpu.memory_space<vmem>>) semaphore(%arg12 : memref<!tpu.dma_semaphore, #tpu.memory_space<semaphore_mem>>)
    %parallel_loop3A_70 = arith.constant 100 : i32
    %parallel_loop3A_71 = arith.constant 200 : i32
    %parallel_loop3A_72 = arith.constant 1 : i32
    scf.for %parallel_loop3A_170 = %parallel_loop3A_70 to %parallel_loop3A_71 step %parallel_loop3A_72  : i32 {
      %parallel_loop3A_171 = arith.constant 0 : i32
      %parallel_loop3A_172 = arith.index_cast %parallel_loop3A_171 : i32 to index
      %parallel_loop3A_173 = arith.index_cast %parallel_loop3A_170 : i32 to index
      %parallel_loop3A_174 = arith.constant 0 : index
      %parallel_loop3A_175 = tpu.vector_load %arg9[%parallel_loop3A_172, %parallel_loop3A_173, %parallel_loop3A_174] {strides = array<i32>} : memref<2x200x128xf32, #tpu.memory_space<vmem>>, vector<1x1x16xf32>,
      %parallel_loop3A_176 = vector.shape_cast %parallel_loop3A_175 : vector<1x1x16xf32> to vector<16xf32>
      %parallel_loop3A_177 = arith.index_cast %parallel_loop3A_170 : i32 to index
      %parallel_loop3A_178 = arith.constant 0 : index
      %parallel_loop3A_179 = tpu.vector_load %arg10[%parallel_loop3A_177, %parallel_loop3A_178] {strides = array<i32>} : memref<200x128xf32, #tpu.memory_space<vmem>>, vector<1x16xf32>,
      %parallel_loop3A_180 = vector.shape_cast %parallel_loop3A_179 : vector<1x16xf32> to vector<16xf32>
      %parallel_loop3A_181 = arith.addf %parallel_loop3A_176, %parallel_loop3A_180 : vector<16xf32>
      %parallel_loop3A_182 = arith.constant 0 : i32
      %parallel_loop3A_183 = arith.index_cast %parallel_loop3A_182 : i32 to index
      %parallel_loop3A_184 = arith.index_cast %parallel_loop3A_170 : i32 to index
      %parallel_loop3A_185 = arith.constant 0 : index
      %parallel_loop3A_186 = tpu.vector_load %arg9[%parallel_loop3A_183, %parallel_loop3A_184, %parallel_loop3A_185] {strides = array<i32>} : memref<2x200x128xf32, #tpu.memory_space<vmem>>, vector<1x1x16xf32>,
      %parallel_loop3A_187 = vector.shape_cast %parallel_loop3A_186 : vector<1x1x16xf32> to vector<16xf32>
      %parallel_loop3A_188 = vector.shape_cast %parallel_loop3A_181 : vector<16xf32> to vector<1x1x16xf32>
      tpu.vector_store %arg9[%parallel_loop3A_183, %parallel_loop3A_184, %parallel_loop3A_185], %parallel_loop3A_188 {strides = array<i32>} : memref<2x200x128xf32, #tpu.memory_space<vmem>>, vector<1x1x16xf32>,
      %parallel_loop3A_189 = arith.constant 0 : i32
      %parallel_loop3A_190 = arith.index_cast %parallel_loop3A_189 : i32 to index
      %parallel_loop3A_191 = arith.index_cast %parallel_loop3A_170 : i32 to index
      %parallel_loop3A_192 = arith.constant 16 : index
      %parallel_loop3A_193 = tpu.vector_load %arg9[%parallel_loop3A_190, %parallel_loop3A_191, %parallel_loop3A_192] {strides = array<i32>} : memref<2x200x128xf32, #tpu.memory_space<vmem>>, vector<1x1x16xf32>,
      %parallel_loop3A_194 = vector.shape_cast %parallel_loop3A_193 : vector<1x1x16xf32> to vector<16xf32>
      %parallel_loop3A_195 = arith.index_cast %parallel_loop3A_170 : i32 to index
      %parallel_loop3A_196 = arith.constant 16 : index
      %parallel_loop3A_197 = tpu.vector_load %arg10[%parallel_loop3A_195, %parallel_loop3A_196] {strides = array<i32>} : memref<200x128xf32, #tpu.memory_space<vmem>>, vector<1x16xf32>,
      %parallel_loop3A_198 = vector.shape_cast %parallel_loop3A_197 : vector<1x16xf32> to vector<16xf32>
      %parallel_loop3A_199 = arith.addf %parallel_loop3A_194, %parallel_loop3A_198 : vector<16xf32>
      %parallel_loop3A_200 = arith.constant 0 : i32
      %parallel_loop3A_201 = arith.index_cast %parallel_loop3A_200 : i32 to index
      %parallel_loop3A_202 = arith.index_cast %parallel_loop3A_170 : i32 to index
      %parallel_loop3A_203 = arith.constant 16 : index
      %parallel_loop3A_204 = tpu.vector_load %arg9[%parallel_loop3A_201, %parallel_loop3A_202, %parallel_loop3A_203] {strides = array<i32>} : memref<2x200x128xf32, #tpu.memory_space<vmem>>, vector<1x1x16xf32>,
      %parallel_loop3A_205 = vector.shape_cast %parallel_loop3A_204 : vector<1x1x16xf32> to vector<16xf32>
      %parallel_loop3A_206 = vector.shape_cast %parallel_loop3A_199 : vector<16xf32> to vector<1x1x16xf32>
      tpu.vector_store %arg9[%parallel_loop3A_201, %parallel_loop3A_202, %parallel_loop3A_203], %parallel_loop3A_206 {strides = array<i32>} : memref<2x200x128xf32, #tpu.memory_space<vmem>>, vector<1x1x16xf32>,
      %parallel_loop3A_207 = arith.constant 0 : i32
      %parallel_loop3A_208 = arith.index_cast %parallel_loop3A_207 : i32 to index
      %parallel_loop3A_209 = arith.index_cast %parallel_loop3A_170 : i32 to index
      %parallel_loop3A_210 = arith.constant 32 : index
      %parallel_loop3A_211 = tpu.vector_load %arg9[%parallel_loop3A_208, %parallel_loop3A_209, %parallel_loop3A_210] {strides = array<i32>} : memref<2x200x128xf32, #tpu.memory_space<vmem>>, vector<1x1x16xf32>,
      %parallel_loop3A_212 = vector.shape_cast %parallel_loop3A_211 : vector<1x1x16xf32> to vector<16xf32>
      %parallel_loop3A_213 = arith.index_cast %parallel_loop3A_170 : i32 to index
      %parallel_loop3A_214 = arith.constant 32 : index
      %parallel_loop3A_215 = tpu.vector_load %arg10[%parallel_loop3A_213, %parallel_loop3A_214] {strides = array<i32>} : memref<200x128xf32, #tpu.memory_space<vmem>>, vector<1x16xf32>,
      %parallel_loop3A_216 = vector.shape_cast %parallel_loop3A_215 : vector<1x16xf32> to vector<16xf32>
      %parallel_loop3A_217 = arith.addf %parallel_loop3A_212, %parallel_loop3A_216 : vector<16xf32>
      %parallel_loop3A_218 = arith.constant 0 : i32
      %parallel_loop3A_219 = arith.index_cast %parallel_loop3A_218 : i32 to index
      %parallel_loop3A_220 = arith.index_cast %parallel_loop3A_170 : i32 to index
      %parallel_loop3A_221 = arith.constant 32 : index
      %parallel_loop3A_222 = tpu.vector_load %arg9[%parallel_loop3A_219, %parallel_loop3A_220, %parallel_loop3A_221] {strides = array<i32>} : memref<2x200x128xf32, #tpu.memory_space<vmem>>, vector<1x1x16xf32>,
      %parallel_loop3A_223 = vector.shape_cast %parallel_loop3A_222 : vector<1x1x16xf32> to vector<16xf32>
      %parallel_loop3A_224 = vector.shape_cast %parallel_loop3A_217 : vector<16xf32> to vector<1x1x16xf32>
      tpu.vector_store %arg9[%parallel_loop3A_219, %parallel_loop3A_220, %parallel_loop3A_221], %parallel_loop3A_224 {strides = array<i32>} : memref<2x200x128xf32, #tpu.memory_space<vmem>>, vector<1x1x16xf32>,
      %parallel_loop3A_225 = arith.constant 0 : i32
      %parallel_loop3A_226 = arith.index_cast %parallel_loop3A_225 : i32 to index
      %parallel_loop3A_227 = arith.index_cast %parallel_loop3A_170 : i32 to index
      %parallel_loop3A_228 = arith.constant 48 : index
      %parallel_loop3A_229 = tpu.vector_load %arg9[%parallel_loop3A_226, %parallel_loop3A_227, %parallel_loop3A_228] {strides = array<i32>} : memref<2x200x128xf32, #tpu.memory_space<vmem>>, vector<1x1x16xf32>,
      %parallel_loop3A_230 = vector.shape_cast %parallel_loop3A_229 : vector<1x1x16xf32> to vector<16xf32>
      %parallel_loop3A_231 = arith.index_cast %parallel_loop3A_170 : i32 to index
      %parallel_loop3A_232 = arith.constant 48 : index
      %parallel_loop3A_233 = tpu.vector_load %arg10[%parallel_loop3A_231, %parallel_loop3A_232] {strides = array<i32>} : memref<200x128xf32, #tpu.memory_space<vmem>>, vector<1x16xf32>,
      %parallel_loop3A_234 = vector.shape_cast %parallel_loop3A_233 : vector<1x16xf32> to vector<16xf32>
      %parallel_loop3A_235 = arith.addf %parallel_loop3A_230, %parallel_loop3A_234 : vector<16xf32>
      %parallel_loop3A_236 = arith.constant 0 : i32
      %parallel_loop3A_237 = arith.index_cast %parallel_loop3A_236 : i32 to index
      %parallel_loop3A_238 = arith.index_cast %parallel_loop3A_170 : i32 to index
      %parallel_loop3A_239 = arith.constant 48 : index
      %parallel_loop3A_240 = tpu.vector_load %arg9[%parallel_loop3A_237, %parallel_loop3A_238, %parallel_loop3A_239] {strides = array<i32>} : memref<2x200x128xf32, #tpu.memory_space<vmem>>, vector<1x1x16xf32>,
      %parallel_loop3A_241 = vector.shape_cast %parallel_loop3A_240 : vector<1x1x16xf32> to vector<16xf32>
      %parallel_loop3A_242 = vector.shape_cast %parallel_loop3A_235 : vector<16xf32> to vector<1x1x16xf32>
      tpu.vector_store %arg9[%parallel_loop3A_237, %parallel_loop3A_238, %parallel_loop3A_239], %parallel_loop3A_242 {strides = array<i32>} : memref<2x200x128xf32, #tpu.memory_space<vmem>>, vector<1x1x16xf32>,
      %parallel_loop3A_243 = arith.constant 0 : i32
      %parallel_loop3A_244 = arith.index_cast %parallel_loop3A_243 : i32 to index
      %parallel_loop3A_245 = arith.index_cast %parallel_loop3A_170 : i32 to index
      %parallel_loop3A_246 = arith.constant 64 : index
      %parallel_loop3A_247 = tpu.vector_load %arg9[%parallel_loop3A_244, %parallel_loop3A_245, %parallel_loop3A_246] {strides = array<i32>} : memref<2x200x128xf32, #tpu.memory_space<vmem>>, vector<1x1x16xf32>,
      %parallel_loop3A_248 = vector.shape_cast %parallel_loop3A_247 : vector<1x1x16xf32> to vector<16xf32>
      %parallel_loop3A_249 = arith.index_cast %parallel_loop3A_170 : i32 to index
      %parallel_loop3A_250 = arith.constant 64 : index
      %parallel_loop3A_251 = tpu.vector_load %arg10[%parallel_loop3A_249, %parallel_loop3A_250] {strides = array<i32>} : memref<200x128xf32, #tpu.memory_space<vmem>>, vector<1x16xf32>,
      %parallel_loop3A_252 = vector.shape_cast %parallel_loop3A_251 : vector<1x16xf32> to vector<16xf32>
      %parallel_loop3A_253 = arith.addf %parallel_loop3A_248, %parallel_loop3A_252 : vector<16xf32>
      %parallel_loop3A_254 = arith.constant 0 : i32
      %parallel_loop3A_255 = arith.index_cast %parallel_loop3A_254 : i32 to index
      %parallel_loop3A_256 = arith.index_cast %parallel_loop3A_170 : i32 to index
      %parallel_loop3A_257 = arith.constant 64 : index
      %parallel_loop3A_258 = tpu.vector_load %arg9[%parallel_loop3A_255, %parallel_loop3A_256, %parallel_loop3A_257] {strides = array<i32>} : memref<2x200x128xf32, #tpu.memory_space<vmem>>, vector<1x1x16xf32>,
      %parallel_loop3A_259 = vector.shape_cast %parallel_loop3A_258 : vector<1x1x16xf32> to vector<16xf32>
      %parallel_loop3A_260 = vector.shape_cast %parallel_loop3A_253 : vector<16xf32> to vector<1x1x16xf32>
      tpu.vector_store %arg9[%parallel_loop3A_255, %parallel_loop3A_256, %parallel_loop3A_257], %parallel_loop3A_260 {strides = array<i32>} : memref<2x200x128xf32, #tpu.memory_space<vmem>>, vector<1x1x16xf32>,
      %parallel_loop3A_261 = arith.constant 0 : i32
      %parallel_loop3A_262 = arith.index_cast %parallel_loop3A_261 : i32 to index
      %parallel_loop3A_263 = arith.index_cast %parallel_loop3A_170 : i32 to index
      %parallel_loop3A_264 = arith.constant 80 : index
      %parallel_loop3A_265 = tpu.vector_load %arg9[%parallel_loop3A_262, %parallel_loop3A_263, %parallel_loop3A_264] {strides = array<i32>} : memref<2x200x128xf32, #tpu.memory_space<vmem>>, vector<1x1x16xf32>,
      %parallel_loop3A_266 = vector.shape_cast %parallel_loop3A_265 : vector<1x1x16xf32> to vector<16xf32>
      %parallel_loop3A_267 = arith.index_cast %parallel_loop3A_170 : i32 to index
      %parallel_loop3A_268 = arith.constant 80 : index
      %parallel_loop3A_269 = tpu.vector_load %arg10[%parallel_loop3A_267, %parallel_loop3A_268] {strides = array<i32>} : memref<200x128xf32, #tpu.memory_space<vmem>>, vector<1x16xf32>,
      %parallel_loop3A_270 = vector.shape_cast %parallel_loop3A_269 : vector<1x16xf32> to vector<16xf32>
      %parallel_loop3A_271 = arith.addf %parallel_loop3A_266, %parallel_loop3A_270 : vector<16xf32>
      %parallel_loop3A_272 = arith.constant 0 : i32
      %parallel_loop3A_273 = arith.index_cast %parallel_loop3A_272 : i32 to index
      %parallel_loop3A_274 = arith.index_cast %parallel_loop3A_170 : i32 to index
      %parallel_loop3A_275 = arith.constant 80 : index
      %parallel_loop3A_276 = tpu.vector_load %arg9[%parallel_loop3A_273, %parallel_loop3A_274, %parallel_loop3A_275] {strides = array<i32>} : memref<2x200x128xf32, #tpu.memory_space<vmem>>, vector<1x1x16xf32>,
      %parallel_loop3A_277 = vector.shape_cast %parallel_loop3A_276 : vector<1x1x16xf32> to vector<16xf32>
      %parallel_loop3A_278 = vector.shape_cast %parallel_loop3A_271 : vector<16xf32> to vector<1x1x16xf32>
      tpu.vector_store %arg9[%parallel_loop3A_273, %parallel_loop3A_274, %parallel_loop3A_275], %parallel_loop3A_278 {strides = array<i32>} : memref<2x200x128xf32, #tpu.memory_space<vmem>>, vector<1x1x16xf32>,
      %parallel_loop3A_279 = arith.constant 0 : i32
      %parallel_loop3A_280 = arith.index_cast %parallel_loop3A_279 : i32 to index
      %parallel_loop3A_281 = arith.index_cast %parallel_loop3A_170 : i32 to index
      %parallel_loop3A_282 = arith.constant 96 : index
      %parallel_loop3A_283 = tpu.vector_load %arg9[%parallel_loop3A_280, %parallel_loop3A_281, %parallel_loop3A_282] {strides = array<i32>} : memref<2x200x128xf32, #tpu.memory_space<vmem>>, vector<1x1x16xf32>,
      %parallel_loop3A_284 = vector.shape_cast %parallel_loop3A_283 : vector<1x1x16xf32> to vector<16xf32>
      %parallel_loop3A_285 = arith.index_cast %parallel_loop3A_170 : i32 to index
      %parallel_loop3A_286 = arith.constant 96 : index
      %parallel_loop3A_287 = tpu.vector_load %arg10[%parallel_loop3A_285, %parallel_loop3A_286] {strides = array<i32>} : memref<200x128xf32, #tpu.memory_space<vmem>>, vector<1x16xf32>,
      %parallel_loop3A_288 = vector.shape_cast %parallel_loop3A_287 : vector<1x16xf32> to vector<16xf32>
      %parallel_loop3A_289 = arith.addf %parallel_loop3A_284, %parallel_loop3A_288 : vector<16xf32>
      %parallel_loop3A_290 = arith.constant 0 : i32
      %parallel_loop3A_291 = arith.index_cast %parallel_loop3A_290 : i32 to index
      %parallel_loop3A_292 = arith.index_cast %parallel_loop3A_170 : i32 to index
      %parallel_loop3A_293 = arith.constant 96 : index
      %parallel_loop3A_294 = tpu.vector_load %arg9[%parallel_loop3A_291, %parallel_loop3A_292, %parallel_loop3A_293] {strides = array<i32>} : memref<2x200x128xf32, #tpu.memory_space<vmem>>, vector<1x1x16xf32>,
      %parallel_loop3A_295 = vector.shape_cast %parallel_loop3A_294 : vector<1x1x16xf32> to vector<16xf32>
      %parallel_loop3A_296 = vector.shape_cast %parallel_loop3A_289 : vector<16xf32> to vector<1x1x16xf32>
      tpu.vector_store %arg9[%parallel_loop3A_291, %parallel_loop3A_292, %parallel_loop3A_293], %parallel_loop3A_296 {strides = array<i32>} : memref<2x200x128xf32, #tpu.memory_space<vmem>>, vector<1x1x16xf32>,
      %parallel_loop3A_297 = arith.constant 0 : i32
      %parallel_loop3A_298 = arith.index_cast %parallel_loop3A_297 : i32 to index
      %parallel_loop3A_299 = arith.index_cast %parallel_loop3A_170 : i32 to index
      %parallel_loop3A_300 = arith.constant 112 : index
      %parallel_loop3A_301 = tpu.vector_load %arg9[%parallel_loop3A_298, %parallel_loop3A_299, %parallel_loop3A_300] {strides = array<i32>} : memref<2x200x128xf32, #tpu.memory_space<vmem>>, vector<1x1x16xf32>,
      %parallel_loop3A_302 = vector.shape_cast %parallel_loop3A_301 : vector<1x1x16xf32> to vector<16xf32>
      %parallel_loop3A_303 = arith.index_cast %parallel_loop3A_170 : i32 to index
      %parallel_loop3A_304 = arith.constant 112 : index
      %parallel_loop3A_305 = tpu.vector_load %arg10[%parallel_loop3A_303, %parallel_loop3A_304] {strides = array<i32>} : memref<200x128xf32, #tpu.memory_space<vmem>>, vector<1x16xf32>,
      %parallel_loop3A_306 = vector.shape_cast %parallel_loop3A_305 : vector<1x16xf32> to vector<16xf32>
      %parallel_loop3A_307 = arith.addf %parallel_loop3A_302, %parallel_loop3A_306 : vector<16xf32>
      %parallel_loop3A_308 = arith.constant 0 : i32
      %parallel_loop3A_309 = arith.index_cast %parallel_loop3A_308 : i32 to index
      %parallel_loop3A_310 = arith.index_cast %parallel_loop3A_170 : i32 to index
      %parallel_loop3A_311 = arith.constant 112 : index
      %parallel_loop3A_312 = tpu.vector_load %arg9[%parallel_loop3A_309, %parallel_loop3A_310, %parallel_loop3A_311] {strides = array<i32>} : memref<2x200x128xf32, #tpu.memory_space<vmem>>, vector<1x1x16xf32>,
      %parallel_loop3A_313 = vector.shape_cast %parallel_loop3A_312 : vector<1x1x16xf32> to vector<16xf32>
      %parallel_loop3A_314 = vector.shape_cast %parallel_loop3A_307 : vector<16xf32> to vector<1x1x16xf32>
      tpu.vector_store %arg9[%parallel_loop3A_309, %parallel_loop3A_310, %parallel_loop3A_311], %parallel_loop3A_314 {strides = array<i32>} : memref<2x200x128xf32, #tpu.memory_space<vmem>>, vector<1x1x16xf32>,
    } {sc.loop_unroll_factor = 2 : i64, sc.parallel_access}
    %add3A_73 = arith.constant 0 : i32
    %add3A_74 = arith.addi %mul3A_2, %add3A_73 : i32
    %dma_start3A_75 = arith.constant 0 : i32
    %dma_start3A_76 = arith.constant 0 : i32
    %dma_start3A_77 = arith.constant 0 : i32
    %dma_start3A_78 = tpu.memref_slice %arg9[%dma_start3A_75, %dma_start3A_76, %dma_start3A_77] : memref<2x200x128xf32, #tpu.memory_space<vmem>> -> memref<1x200x128xf32, #tpu.memory_space<vmem>>
    %dma_start3A_79 = tpu.memref_squeeze %dma_start3A_78 : memref<1x200x128xf32, #tpu.memory_space<vmem>> -> memref<200x128xf32, #tpu.memory_space<vmem>>
    %dma_start3A_80 = arith.constant 0 : i32
    %dma_start3A_81 = arith.constant 0 : i32
    %dma_start3A_82 = tpu.memref_slice %arg7[%add3A_74, %dma_start3A_80, %dma_start3A_81] : memref<1024x200x128xf32, #tpu.memory_space<hbm>> -> memref<1x200x128xf32, #tpu.memory_space<hbm>>
    %dma_start3A_83 = tpu.memref_squeeze %dma_start3A_82 : memref<1x200x128xf32, #tpu.memory_space<hbm>> -> memref<200x128xf32, #tpu.memory_space<hbm>>
    %dma_start3A_84 = arith.constant 0 : i32
    %dma_start3A_85 = arith.constant 0 : i32
    %dma_start3A_86 = tpu.memref_slice %arg7[%add3A_74, %dma_start3A_84, %dma_start3A_85] : memref<1024x200x128xf32, #tpu.memory_space<hbm>> -> memref<1x200x128xf32, #tpu.memory_space<hbm>>
    %dma_start3A_87 = tpu.memref_squeeze %dma_start3A_86 : memref<1x200x128xf32, #tpu.memory_space<hbm>> -> memref<200x128xf32, #tpu.memory_space<hbm>>
    %dma_start3A_88 = arith.constant 0 : i32
    %dma_start3A_89 = arith.constant 0 : i32
    %dma_start3A_90 = tpu.memref_slice %arg9[%dma_start3A_75, %dma_start3A_88, %dma_start3A_89] : memref<2x200x128xf32, #tpu.memory_space<vmem>> -> memref<1x200x128xf32, #tpu.memory_space<vmem>>
    %dma_start3A_91 = tpu.memref_squeeze %dma_start3A_90 : memref<1x200x128xf32, #tpu.memory_space<vmem>> -> memref<200x128xf32, #tpu.memory_space<vmem>>
    tpu.enqueue_dma source(%dma_start3A_91 : memref<200x128xf32, #tpu.memory_space<vmem>>) target(%dma_start3A_87 : memref<200x128xf32, #tpu.memory_space<hbm>>) target_semaphore(%arg13 : memref<!tpu.dma_semaphore, #tpu.memory_space<semaphore_mem>>)
    %scan3A = arith.constant 0 : i32
    %scan3A_92 = arith.constant 0 : i32
    %scan3A_93 = arith.constant 15 : i32
    %scan3A_94 = arith.addi %scan3A_92, %scan3A_93 : i32
    %scan3A_95 = arith.constant 1 : i32
    scf.for %scan3A_170 = %scan3A_92 to %scan3A_94 step %scan3A_95  : i32 {
      %mul3A_171 = arith.constant 2 : i32
      %mul3A_172 = arith.muli %mul3A_171, %scan3A_170 : i32
      %add3A_173 = arith.constant 1 : i32
      %add3A_174 = arith.addi %mul3A_172, %add3A_173 : i32
      %dma_wait3A_175 = arith.constant 1 : i32
      %dma_wait3A_176 = arith.constant 0 : i32
      %dma_wait3A_177 = arith.constant 0 : i32
      %dma_wait3A_178 = tpu.memref_slice %arg9[%dma_wait3A_175, %dma_wait3A_176, %dma_wait3A_177] : memref<2x200x128xf32, #tpu.memory_space<vmem>> -> memref<1x200x128xf32, #tpu.memory_space<vmem>>
      %dma_wait3A_179 = tpu.memref_squeeze %dma_wait3A_178 : memref<1x200x128xf32, #tpu.memory_space<vmem>> -> memref<200x128xf32, #tpu.memory_space<vmem>>
      %dma_wait3A_180 = arith.constant 0 : i32
      %dma_wait3A_181 = arith.constant 0 : i32
      %dma_wait3A_182 = tpu.memref_slice %arg3[%dma_wait3A_180, %dma_wait3A_181] : memref<100000x128xf32, #tpu.memory_space<hbm>> -> memref<200x128xf32, #tpu.memory_space<hbm>>
      %dma_wait3A_183 = arith.constant 0 : i32
      %dma_wait3A_184 = arith.constant 0 : i32
      %dma_wait3A_185 = tpu.memref_slice %arg9[%dma_wait3A_175, %dma_wait3A_183, %dma_wait3A_184] : memref<2x200x128xf32, #tpu.memory_space<vmem>> -> memref<1x200x128xf32, #tpu.memory_space<vmem>>
      %dma_wait3A_186 = tpu.memref_squeeze %dma_wait3A_185 : memref<1x200x128xf32, #tpu.memory_space<vmem>> -> memref<200x128xf32, #tpu.memory_space<vmem>>
      %dma_wait3A_187 = arith.constant 0 : i32
      %dma_wait3A_188 = arith.constant 0 : i32
      %dma_wait3A_189 = tpu.memref_slice %arg3[%dma_wait3A_187, %dma_wait3A_188] : memref<100000x128xf32, #tpu.memory_space<hbm>> -> memref<200x128xf32, #tpu.memory_space<hbm>>
      tpu.wait_dma2 semaphore(%arg12 : memref<!tpu.dma_semaphore, #tpu.memory_space<semaphore_mem>>) src(%dma_wait3A_189 : memref<200x128xf32, #tpu.memory_space<hbm>>) dst(%dma_wait3A_186 : memref<200x128xf32, #tpu.memory_space<vmem>>)
      %parallel_loop3A_190 = arith.constant 0 : i32
      %parallel_loop3A_191 = arith.constant 100 : i32
      %parallel_loop3A_192 = arith.constant 1 : i32
      scf.for %parallel_loop3A_345 = %parallel_loop3A_190 to %parallel_loop3A_191 step %parallel_loop3A_192  : i32 {
        %parallel_loop3A_346 = arith.constant 1 : i32
        %parallel_loop3A_347 = arith.index_cast %parallel_loop3A_346 : i32 to index
        %parallel_loop3A_348 = arith.index_cast %parallel_loop3A_345 : i32 to index
        %parallel_loop3A_349 = arith.constant 0 : index
        %parallel_loop3A_350 = tpu.vector_load %arg9[%parallel_loop3A_347, %parallel_loop3A_348, %parallel_loop3A_349] {strides = array<i32>} : memref<2x200x128xf32, #tpu.memory_space<vmem>>, vector<1x1x16xf32>,
        %parallel_loop3A_351 = vector.shape_cast %parallel_loop3A_350 : vector<1x1x16xf32> to vector<16xf32>
        %parallel_loop3A_352 = arith.index_cast %parallel_loop3A_345 : i32 to index
        %parallel_loop3A_353 = arith.constant 0 : index
        %parallel_loop3A_354 = tpu.vector_load %arg10[%parallel_loop3A_352, %parallel_loop3A_353] {strides = array<i32>} : memref<200x128xf32, #tpu.memory_space<vmem>>, vector<1x16xf32>,
        %parallel_loop3A_355 = vector.shape_cast %parallel_loop3A_354 : vector<1x16xf32> to vector<16xf32>
        %parallel_loop3A_356 = arith.addf %parallel_loop3A_351, %parallel_loop3A_355 : vector<16xf32>
        %parallel_loop3A_357 = arith.constant 1 : i32
        %parallel_loop3A_358 = arith.index_cast %parallel_loop3A_357 : i32 to index
        %parallel_loop3A_359 = arith.index_cast %parallel_loop3A_345 : i32 to index
        %parallel_loop3A_360 = arith.constant 0 : index
        %parallel_loop3A_361 = tpu.vector_load %arg9[%parallel_loop3A_358, %parallel_loop3A_359, %parallel_loop3A_360] {strides = array<i32>} : memref<2x200x128xf32, #tpu.memory_space<vmem>>, vector<1x1x16xf32>,
        %parallel_loop3A_362 = vector.shape_cast %parallel_loop3A_361 : vector<1x1x16xf32> to vector<16xf32>
        %parallel_loop3A_363 = vector.shape_cast %parallel_loop3A_356 : vector<16xf32> to vector<1x1x16xf32>
        tpu.vector_store %arg9[%parallel_loop3A_358, %parallel_loop3A_359, %parallel_loop3A_360], %parallel_loop3A_363 {strides = array<i32>} : memref<2x200x128xf32, #tpu.memory_space<vmem>>, vector<1x1x16xf32>,
        %parallel_loop3A_364 = arith.constant 1 : i32
        %parallel_loop3A_365 = arith.index_cast %parallel_loop3A_364 : i32 to index
        %parallel_loop3A_366 = arith.index_cast %parallel_loop3A_345 : i32 to index
        %parallel_loop3A_367 = arith.constant 16 : index
        %parallel_loop3A_368 = tpu.vector_load %arg9[%parallel_loop3A_365, %parallel_loop3A_366, %parallel_loop3A_367] {strides = array<i32>} : memref<2x200x128xf32, #tpu.memory_space<vmem>>, vector<1x1x16xf32>,
        %parallel_loop3A_369 = vector.shape_cast %parallel_loop3A_368 : vector<1x1x16xf32> to vector<16xf32>
        %parallel_loop3A_370 = arith.index_cast %parallel_loop3A_345 : i32 to index
        %parallel_loop3A_371 = arith.constant 16 : index
        %parallel_loop3A_372 = tpu.vector_load %arg10[%parallel_loop3A_370, %parallel_loop3A_371] {strides = array<i32>} : memref<200x128xf32, #tpu.memory_space<vmem>>, vector<1x16xf32>,
        %parallel_loop3A_373 = vector.shape_cast %parallel_loop3A_372 : vector<1x16xf32> to vector<16xf32>
        %parallel_loop3A_374 = arith.addf %parallel_loop3A_369, %parallel_loop3A_373 : vector<16xf32>
        %parallel_loop3A_375 = arith.constant 1 : i32
        %parallel_loop3A_376 = arith.index_cast %parallel_loop3A_375 : i32 to index
        %parallel_loop3A_377 = arith.index_cast %parallel_loop3A_345 : i32 to index
        %parallel_loop3A_378 = arith.constant 16 : index
        %parallel_loop3A_379 = tpu.vector_load %arg9[%parallel_loop3A_376, %parallel_loop3A_377, %parallel_loop3A_378] {strides = array<i32>} : memref<2x200x128xf32, #tpu.memory_space<vmem>>, vector<1x1x16xf32>,
        %parallel_loop3A_380 = vector.shape_cast %parallel_loop3A_379 : vector<1x1x16xf32> to vector<16xf32>
        %parallel_loop3A_381 = vector.shape_cast %parallel_loop3A_374 : vector<16xf32> to vector<1x1x16xf32>
        tpu.vector_store %arg9[%parallel_loop3A_376, %parallel_loop3A_377, %parallel_loop3A_378], %parallel_loop3A_381 {strides = array<i32>} : memref<2x200x128xf32, #tpu.memory_space<vmem>>, vector<1x1x16xf32>,
        %parallel_loop3A_382 = arith.constant 1 : i32
        %parallel_loop3A_383 = arith.index_cast %parallel_loop3A_382 : i32 to index
        %parallel_loop3A_384 = arith.index_cast %parallel_loop3A_345 : i32 to index
        %parallel_loop3A_385 = arith.constant 32 : index
        %parallel_loop3A_386 = tpu.vector_load %arg9[%parallel_loop3A_383, %parallel_loop3A_384, %parallel_loop3A_385] {strides = array<i32>} : memref<2x200x128xf32, #tpu.memory_space<vmem>>, vector<1x1x16xf32>,
        %parallel_loop3A_387 = vector.shape_cast %parallel_loop3A_386 : vector<1x1x16xf32> to vector<16xf32>
        %parallel_loop3A_388 = arith.index_cast %parallel_loop3A_345 : i32 to index
        %parallel_loop3A_389 = arith.constant 32 : index
        %parallel_loop3A_390 = tpu.vector_load %arg10[%parallel_loop3A_388, %parallel_loop3A_389] {strides = array<i32>} : memref<200x128xf32, #tpu.memory_space<vmem>>, vector<1x16xf32>,
        %parallel_loop3A_391 = vector.shape_cast %parallel_loop3A_390 : vector<1x16xf32> to vector<16xf32>
        %parallel_loop3A_392 = arith.addf %parallel_loop3A_387, %parallel_loop3A_391 : vector<16xf32>
        %parallel_loop3A_393 = arith.constant 1 : i32
        %parallel_loop3A_394 = arith.index_cast %parallel_loop3A_393 : i32 to index
        %parallel_loop3A_395 = arith.index_cast %parallel_loop3A_345 : i32 to index
        %parallel_loop3A_396 = arith.constant 32 : index
        %parallel_loop3A_397 = tpu.vector_load %arg9[%parallel_loop3A_394, %parallel_loop3A_395, %parallel_loop3A_396] {strides = array<i32>} : memref<2x200x128xf32, #tpu.memory_space<vmem>>, vector<1x1x16xf32>,
        %parallel_loop3A_398 = vector.shape_cast %parallel_loop3A_397 : vector<1x1x16xf32> to vector<16xf32>
        %parallel_loop3A_399 = vector.shape_cast %parallel_loop3A_392 : vector<16xf32> to vector<1x1x16xf32>
        tpu.vector_store %arg9[%parallel_loop3A_394, %parallel_loop3A_395, %parallel_loop3A_396], %parallel_loop3A_399 {strides = array<i32>} : memref<2x200x128xf32, #tpu.memory_space<vmem>>, vector<1x1x16xf32>,
        %parallel_loop3A_400 = arith.constant 1 : i32
        %parallel_loop3A_401 = arith.index_cast %parallel_loop3A_400 : i32 to index
        %parallel_loop3A_402 = arith.index_cast %parallel_loop3A_345 : i32 to index
        %parallel_loop3A_403 = arith.constant 48 : index
        %parallel_loop3A_404 = tpu.vector_load %arg9[%parallel_loop3A_401, %parallel_loop3A_402, %parallel_loop3A_403] {strides = array<i32>} : memref<2x200x128xf32, #tpu.memory_space<vmem>>, vector<1x1x16xf32>,
        %parallel_loop3A_405 = vector.shape_cast %parallel_loop3A_404 : vector<1x1x16xf32> to vector<16xf32>
        %parallel_loop3A_406 = arith.index_cast %parallel_loop3A_345 : i32 to index
        %parallel_loop3A_407 = arith.constant 48 : index
        %parallel_loop3A_408 = tpu.vector_load %arg10[%parallel_loop3A_406, %parallel_loop3A_407] {strides = array<i32>} : memref<200x128xf32, #tpu.memory_space<vmem>>, vector<1x16xf32>,
        %parallel_loop3A_409 = vector.shape_cast %parallel_loop3A_408 : vector<1x16xf32> to vector<16xf32>
        %parallel_loop3A_410 = arith.addf %parallel_loop3A_405, %parallel_loop3A_409 : vector<16xf32>
        %parallel_loop3A_411 = arith.constant 1 : i32
        %parallel_loop3A_412 = arith.index_cast %parallel_loop3A_411 : i32 to index
        %parallel_loop3A_413 = arith.index_cast %parallel_loop3A_345 : i32 to index
        %parallel_loop3A_414 = arith.constant 48 : index
        %parallel_loop3A_415 = tpu.vector_load %arg9[%parallel_loop3A_412, %parallel_loop3A_413, %parallel_loop3A_414] {strides = array<i32>} : memref<2x200x128xf32, #tpu.memory_space<vmem>>, vector<1x1x16xf32>,
        %parallel_loop3A_416 = vector.shape_cast %parallel_loop3A_415 : vector<1x1x16xf32> to vector<16xf32>
        %parallel_loop3A_417 = vector.shape_cast %parallel_loop3A_410 : vector<16xf32> to vector<1x1x16xf32>
        tpu.vector_store %arg9[%parallel_loop3A_412, %parallel_loop3A_413, %parallel_loop3A_414], %parallel_loop3A_417 {strides = array<i32>} : memref<2x200x128xf32, #tpu.memory_space<vmem>>, vector<1x1x16xf32>,
        %parallel_loop3A_418 = arith.constant 1 : i32
        %parallel_loop3A_419 = arith.index_cast %parallel_loop3A_418 : i32 to index
        %parallel_loop3A_420 = arith.index_cast %parallel_loop3A_345 : i32 to index
        %parallel_loop3A_421 = arith.constant 64 : index
        %parallel_loop3A_422 = tpu.vector_load %arg9[%parallel_loop3A_419, %parallel_loop3A_420, %parallel_loop3A_421] {strides = array<i32>} : memref<2x200x128xf32, #tpu.memory_space<vmem>>, vector<1x1x16xf32>,
        %parallel_loop3A_423 = vector.shape_cast %parallel_loop3A_422 : vector<1x1x16xf32> to vector<16xf32>
        %parallel_loop3A_424 = arith.index_cast %parallel_loop3A_345 : i32 to index
        %parallel_loop3A_425 = arith.constant 64 : index
        %parallel_loop3A_426 = tpu.vector_load %arg10[%parallel_loop3A_424, %parallel_loop3A_425] {strides = array<i32>} : memref<200x128xf32, #tpu.memory_space<vmem>>, vector<1x16xf32>,
        %parallel_loop3A_427 = vector.shape_cast %parallel_loop3A_426 : vector<1x16xf32> to vector<16xf32>
        %parallel_loop3A_428 = arith.addf %parallel_loop3A_423, %parallel_loop3A_427 : vector<16xf32>
        %parallel_loop3A_429 = arith.constant 1 : i32
        %parallel_loop3A_430 = arith.index_cast %parallel_loop3A_429 : i32 to index
        %parallel_loop3A_431 = arith.index_cast %parallel_loop3A_345 : i32 to index
        %parallel_loop3A_432 = arith.constant 64 : index
        %parallel_loop3A_433 = tpu.vector_load %arg9[%parallel_loop3A_430, %parallel_loop3A_431, %parallel_loop3A_432] {strides = array<i32>} : memref<2x200x128xf32, #tpu.memory_space<vmem>>, vector<1x1x16xf32>,
        %parallel_loop3A_434 = vector.shape_cast %parallel_loop3A_433 : vector<1x1x16xf32> to vector<16xf32>
        %parallel_loop3A_435 = vector.shape_cast %parallel_loop3A_428 : vector<16xf32> to vector<1x1x16xf32>
        tpu.vector_store %arg9[%parallel_loop3A_430, %parallel_loop3A_431, %parallel_loop3A_432], %parallel_loop3A_435 {strides = array<i32>} : memref<2x200x128xf32, #tpu.memory_space<vmem>>, vector<1x1x16xf32>,
        %parallel_loop3A_436 = arith.constant 1 : i32
        %parallel_loop3A_437 = arith.index_cast %parallel_loop3A_436 : i32 to index
        %parallel_loop3A_438 = arith.index_cast %parallel_loop3A_345 : i32 to index
        %parallel_loop3A_439 = arith.constant 80 : index
        %parallel_loop3A_440 = tpu.vector_load %arg9[%parallel_loop3A_437, %parallel_loop3A_438, %parallel_loop3A_439] {strides = array<i32>} : memref<2x200x128xf32, #tpu.memory_space<vmem>>, vector<1x1x16xf32>,
        %parallel_loop3A_441 = vector.shape_cast %parallel_loop3A_440 : vector<1x1x16xf32> to vector<16xf32>
        %parallel_loop3A_442 = arith.index_cast %parallel_loop3A_345 : i32 to index
        %parallel_loop3A_443 = arith.constant 80 : index
        %parallel_loop3A_444 = tpu.vector_load %arg10[%parallel_loop3A_442, %parallel_loop3A_443] {strides = array<i32>} : memref<200x128xf32, #tpu.memory_space<vmem>>, vector<1x16xf32>,
        %parallel_loop3A_445 = vector.shape_cast %parallel_loop3A_444 : vector<1x16xf32> to vector<16xf32>
        %parallel_loop3A_446 = arith.addf %parallel_loop3A_441, %parallel_loop3A_445 : vector<16xf32>
        %parallel_loop3A_447 = arith.constant 1 : i32
        %parallel_loop3A_448 = arith.index_cast %parallel_loop3A_447 : i32 to index
        %parallel_loop3A_449 = arith.index_cast %parallel_loop3A_345 : i32 to index
        %parallel_loop3A_450 = arith.constant 80 : index
        %parallel_loop3A_451 = tpu.vector_load %arg9[%parallel_loop3A_448, %parallel_loop3A_449, %parallel_loop3A_450] {strides = array<i32>} : memref<2x200x128xf32, #tpu.memory_space<vmem>>, vector<1x1x16xf32>,
        %parallel_loop3A_452 = vector.shape_cast %parallel_loop3A_451 : vector<1x1x16xf32> to vector<16xf32>
        %parallel_loop3A_453 = vector.shape_cast %parallel_loop3A_446 : vector<16xf32> to vector<1x1x16xf32>
        tpu.vector_store %arg9[%parallel_loop3A_448, %parallel_loop3A_449, %parallel_loop3A_450], %parallel_loop3A_453 {strides = array<i32>} : memref<2x200x128xf32, #tpu.memory_space<vmem>>, vector<1x1x16xf32>,
        %parallel_loop3A_454 = arith.constant 1 : i32
        %parallel_loop3A_455 = arith.index_cast %parallel_loop3A_454 : i32 to index
        %parallel_loop3A_456 = arith.index_cast %parallel_loop3A_345 : i32 to index
        %parallel_loop3A_457 = arith.constant 96 : index
        %parallel_loop3A_458 = tpu.vector_load %arg9[%parallel_loop3A_455, %parallel_loop3A_456, %parallel_loop3A_457] {strides = array<i32>} : memref<2x200x128xf32, #tpu.memory_space<vmem>>, vector<1x1x16xf32>,
        %parallel_loop3A_459 = vector.shape_cast %parallel_loop3A_458 : vector<1x1x16xf32> to vector<16xf32>
        %parallel_loop3A_460 = arith.index_cast %parallel_loop3A_345 : i32 to index
        %parallel_loop3A_461 = arith.constant 96 : index
        %parallel_loop3A_462 = tpu.vector_load %arg10[%parallel_loop3A_460, %parallel_loop3A_461] {strides = array<i32>} : memref<200x128xf32, #tpu.memory_space<vmem>>, vector<1x16xf32>,
        %parallel_loop3A_463 = vector.shape_cast %parallel_loop3A_462 : vector<1x16xf32> to vector<16xf32>
        %parallel_loop3A_464 = arith.addf %parallel_loop3A_459, %parallel_loop3A_463 : vector<16xf32>
        %parallel_loop3A_465 = arith.constant 1 : i32
        %parallel_loop3A_466 = arith.index_cast %parallel_loop3A_465 : i32 to index
        %parallel_loop3A_467 = arith.index_cast %parallel_loop3A_345 : i32 to index
        %parallel_loop3A_468 = arith.constant 96 : index
        %parallel_loop3A_469 = tpu.vector_load %arg9[%parallel_loop3A_466, %parallel_loop3A_467, %parallel_loop3A_468] {strides = array<i32>} : memref<2x200x128xf32, #tpu.memory_space<vmem>>, vector<1x1x16xf32>,
        %parallel_loop3A_470 = vector.shape_cast %parallel_loop3A_469 : vector<1x1x16xf32> to vector<16xf32>
        %parallel_loop3A_471 = vector.shape_cast %parallel_loop3A_464 : vector<16xf32> to vector<1x1x16xf32>
        tpu.vector_store %arg9[%parallel_loop3A_466, %parallel_loop3A_467, %parallel_loop3A_468], %parallel_loop3A_471 {strides = array<i32>} : memref<2x200x128xf32, #tpu.memory_space<vmem>>, vector<1x1x16xf32>,
        %parallel_loop3A_472 = arith.constant 1 : i32
        %parallel_loop3A_473 = arith.index_cast %parallel_loop3A_472 : i32 to index
        %parallel_loop3A_474 = arith.index_cast %parallel_loop3A_345 : i32 to index
        %parallel_loop3A_475 = arith.constant 112 : index
        %parallel_loop3A_476 = tpu.vector_load %arg9[%parallel_loop3A_473, %parallel_loop3A_474, %parallel_loop3A_475] {strides = array<i32>} : memref<2x200x128xf32, #tpu.memory_space<vmem>>, vector<1x1x16xf32>,
        %parallel_loop3A_477 = vector.shape_cast %parallel_loop3A_476 : vector<1x1x16xf32> to vector<16xf32>
        %parallel_loop3A_478 = arith.index_cast %parallel_loop3A_345 : i32 to index
        %parallel_loop3A_479 = arith.constant 112 : index
        %parallel_loop3A_480 = tpu.vector_load %arg10[%parallel_loop3A_478, %parallel_loop3A_479] {strides = array<i32>} : memref<200x128xf32, #tpu.memory_space<vmem>>, vector<1x16xf32>,
        %parallel_loop3A_481 = vector.shape_cast %parallel_loop3A_480 : vector<1x16xf32> to vector<16xf32>
        %parallel_loop3A_482 = arith.addf %parallel_loop3A_477, %parallel_loop3A_481 : vector<16xf32>
        %parallel_loop3A_483 = arith.constant 1 : i32
        %parallel_loop3A_484 = arith.index_cast %parallel_loop3A_483 : i32 to index
        %parallel_loop3A_485 = arith.index_cast %parallel_loop3A_345 : i32 to index
        %parallel_loop3A_486 = arith.constant 112 : index
        %parallel_loop3A_487 = tpu.vector_load %arg9[%parallel_loop3A_484, %parallel_loop3A_485, %parallel_loop3A_486] {strides = array<i32>} : memref<2x200x128xf32, #tpu.memory_space<vmem>>, vector<1x1x16xf32>,
        %parallel_loop3A_488 = vector.shape_cast %parallel_loop3A_487 : vector<1x1x16xf32> to vector<16xf32>
        %parallel_loop3A_489 = vector.shape_cast %parallel_loop3A_482 : vector<16xf32> to vector<1x1x16xf32>
        tpu.vector_store %arg9[%parallel_loop3A_484, %parallel_loop3A_485, %parallel_loop3A_486], %parallel_loop3A_489 {strides = array<i32>} : memref<2x200x128xf32, #tpu.memory_space<vmem>>, vector<1x1x16xf32>,
      } {sc.loop_unroll_factor = 2 : i64, sc.parallel_access}
      %dma_wait3A_193 = arith.constant 0 : i32
      %dma_wait3A_194 = arith.constant 0 : i32
      %dma_wait3A_195 = arith.constant 0 : i32
      %dma_wait3A_196 = arith.constant 0 : i32
      %dma_wait3A_197 = tpu.memref_slice %arg9[%dma_wait3A_193, %dma_wait3A_195, %dma_wait3A_196] : memref<2x200x128xf32, #tpu.memory_space<vmem>> -> memref<1x200x128xf32, #tpu.memory_space<vmem>>
      %dma_wait3A_198 = tpu.memref_squeeze %dma_wait3A_197 : memref<1x200x128xf32, #tpu.memory_space<vmem>> -> memref<200x128xf32, #tpu.memory_space<vmem>>
      %dma_wait3A_199 = arith.constant 0 : i32
      %dma_wait3A_200 = arith.constant 0 : i32
      %dma_wait3A_201 = tpu.memref_slice %arg7[%dma_wait3A_194, %dma_wait3A_199, %dma_wait3A_200] : memref<1024x200x128xf32, #tpu.memory_space<hbm>> -> memref<1x200x128xf32, #tpu.memory_space<hbm>>
      %dma_wait3A_202 = tpu.memref_squeeze %dma_wait3A_201 : memref<1x200x128xf32, #tpu.memory_space<hbm>> -> memref<200x128xf32, #tpu.memory_space<hbm>>
      %dma_wait3A_203 = arith.constant 0 : i32
      %dma_wait3A_204 = arith.constant 0 : i32
      %dma_wait3A_205 = tpu.memref_slice %arg7[%dma_wait3A_194, %dma_wait3A_203, %dma_wait3A_204] : memref<1024x200x128xf32, #tpu.memory_space<hbm>> -> memref<1x200x128xf32, #tpu.memory_space<hbm>>
      %dma_wait3A_206 = tpu.memref_squeeze %dma_wait3A_205 : memref<1x200x128xf32, #tpu.memory_space<hbm>> -> memref<200x128xf32, #tpu.memory_space<hbm>>
      %dma_wait3A_207 = arith.constant 0 : i32
      %dma_wait3A_208 = arith.constant 0 : i32
      %dma_wait3A_209 = tpu.memref_slice %arg9[%dma_wait3A_193, %dma_wait3A_207, %dma_wait3A_208] : memref<2x200x128xf32, #tpu.memory_space<vmem>> -> memref<1x200x128xf32, #tpu.memory_space<vmem>>
      %dma_wait3A_210 = tpu.memref_squeeze %dma_wait3A_209 : memref<1x200x128xf32, #tpu.memory_space<vmem>> -> memref<200x128xf32, #tpu.memory_space<vmem>>
      tpu.wait_dma2 semaphore(%arg13 : memref<!tpu.dma_semaphore, #tpu.memory_space<semaphore_mem>>) src(%dma_wait3A_210 : memref<200x128xf32, #tpu.memory_space<vmem>>) dst(%dma_wait3A_206 : memref<200x128xf32, #tpu.memory_space<hbm>>)
      %add3A_211 = arith.constant 1 : i32
      %add3A_212 = arith.addi %add3A_174, %add3A_211 : i32
      %dma_start3A_213 = arith.constant 0 : i32
      %dma_start3A_214 = arith.constant 0 : i32
      %dma_start3A_215 = arith.constant 0 : i32
      %dma_start3A_216 = arith.constant 0 : i32
      %dma_start3A_217 = tpu.memref_slice %arg9[%dma_start3A_214, %dma_start3A_215, %dma_start3A_216] : memref<2x200x128xf32, #tpu.memory_space<vmem>> -> memref<1x100x128xf32, #tpu.memory_space<vmem>>
      %dma_start3A_218 = tpu.memref_squeeze %dma_start3A_217 : memref<1x100x128xf32, #tpu.memory_space<vmem>> -> memref<100x128xf32, #tpu.memory_space<vmem>>
      %dma_start3A_219 = arith.constant 0 : i32
      %dma_start3A_220 = tpu.memref_slice %arg8[%add3A_212, %dma_start3A_213, %dma_start3A_219] : memref<32x2x100xi32, #tpu.memory_space<vmem>> -> memref<1x1x100xi32, #tpu.memory_space<vmem>>
      %dma_start3A_221 = tpu.memref_squeeze %dma_start3A_220 : memref<1x1x100xi32, #tpu.memory_space<vmem>> -> memref<100xi32, #tpu.memory_space<vmem>>
      %dma_start3A_222 = arith.constant 0 : i32
      %dma_start3A_223 = arith.constant 0 : i32
      %dma_start3A_224 = tpu.memref_slice %arg3[%dma_start3A_222, %dma_start3A_223] : memref<100000x128xf32, #tpu.memory_space<hbm>> -> memref<100000x128xf32, #tpu.memory_space<hbm>>
      tpu.enqueue_indirect_dma source(%dma_start3A_224 : memref<100000x128xf32, #tpu.memory_space<hbm>>) target(%dma_start3A_218 : memref<100x128xf32, #tpu.memory_space<vmem>>) offsets(%dma_start3A_221 : memref<100xi32, #tpu.memory_space<vmem>>) semaphore(%arg11 : memref<!tpu.dma_semaphore, #tpu.memory_space<semaphore_mem>>)
      %dma_start3A_225 = arith.constant 1 : i32
      %dma_start3A_226 = arith.constant 0 : i32
      %dma_start3A_227 = arith.constant 100 : i32
      %dma_start3A_228 = arith.constant 0 : i32
      %dma_start3A_229 = tpu.memref_slice %arg9[%dma_start3A_226, %dma_start3A_227, %dma_start3A_228] : memref<2x200x128xf32, #tpu.memory_space<vmem>> -> memref<1x100x128xf32, #tpu.memory_space<vmem>>
      %dma_start3A_230 = tpu.memref_squeeze %dma_start3A_229 : memref<1x100x128xf32, #tpu.memory_space<vmem>> -> memref<100x128xf32, #tpu.memory_space<vmem>>
      %dma_start3A_231 = arith.constant 0 : i32
      %dma_start3A_232 = tpu.memref_slice %arg8[%add3A_212, %dma_start3A_225, %dma_start3A_231] : memref<32x2x100xi32, #tpu.memory_space<vmem>> -> memref<1x1x100xi32, #tpu.memory_space<vmem>>
      %dma_start3A_233 = tpu.memref_squeeze %dma_start3A_232 : memref<1x1x100xi32, #tpu.memory_space<vmem>> -> memref<100xi32, #tpu.memory_space<vmem>>
      %dma_start3A_234 = arith.constant 0 : i32
      %dma_start3A_235 = arith.constant 0 : i32
      %dma_start3A_236 = tpu.memref_slice %arg3[%dma_start3A_234, %dma_start3A_235] : memref<100000x128xf32, #tpu.memory_space<hbm>> -> memref<100000x128xf32, #tpu.memory_space<hbm>>
      tpu.enqueue_indirect_dma source(%dma_start3A_236 : memref<100000x128xf32, #tpu.memory_space<hbm>>) target(%dma_start3A_230 : memref<100x128xf32, #tpu.memory_space<vmem>>) offsets(%dma_start3A_233 : memref<100xi32, #tpu.memory_space<vmem>>) semaphore(%arg11 : memref<!tpu.dma_semaphore, #tpu.memory_space<semaphore_mem>>)
      %parallel_loop3A_237 = arith.constant 100 : i32
      %parallel_loop3A_238 = arith.constant 200 : i32
      %parallel_loop3A_239 = arith.constant 1 : i32
      scf.for %parallel_loop3A_345 = %parallel_loop3A_237 to %parallel_loop3A_238 step %parallel_loop3A_239  : i32 {
        %parallel_loop3A_346 = arith.constant 1 : i32
        %parallel_loop3A_347 = arith.index_cast %parallel_loop3A_346 : i32 to index
        %parallel_loop3A_348 = arith.index_cast %parallel_loop3A_345 : i32 to index
        %parallel_loop3A_349 = arith.constant 0 : index
        %parallel_loop3A_350 = tpu.vector_load %arg9[%parallel_loop3A_347, %parallel_loop3A_348, %parallel_loop3A_349] {strides = array<i32>} : memref<2x200x128xf32, #tpu.memory_space<vmem>>, vector<1x1x16xf32>,
        %parallel_loop3A_351 = vector.shape_cast %parallel_loop3A_350 : vector<1x1x16xf32> to vector<16xf32>
        %parallel_loop3A_352 = arith.index_cast %parallel_loop3A_345 : i32 to index
        %parallel_loop3A_353 = arith.constant 0 : index
        %parallel_loop3A_354 = tpu.vector_load %arg10[%parallel_loop3A_352, %parallel_loop3A_353] {strides = array<i32>} : memref<200x128xf32, #tpu.memory_space<vmem>>, vector<1x16xf32>,
        %parallel_loop3A_355 = vector.shape_cast %parallel_loop3A_354 : vector<1x16xf32> to vector<16xf32>
        %parallel_loop3A_356 = arith.addf %parallel_loop3A_351, %parallel_loop3A_355 : vector<16xf32>
        %parallel_loop3A_357 = arith.constant 1 : i32
        %parallel_loop3A_358 = arith.index_cast %parallel_loop3A_357 : i32 to index
        %parallel_loop3A_359 = arith.index_cast %parallel_loop3A_345 : i32 to index
        %parallel_loop3A_360 = arith.constant 0 : index
        %parallel_loop3A_361 = tpu.vector_load %arg9[%parallel_loop3A_358, %parallel_loop3A_359, %parallel_loop3A_360] {strides = array<i32>} : memref<2x200x128xf32, #tpu.memory_space<vmem>>, vector<1x1x16xf32>,
        %parallel_loop3A_362 = vector.shape_cast %parallel_loop3A_361 : vector<1x1x16xf32> to vector<16xf32>
        %parallel_loop3A_363 = vector.shape_cast %parallel_loop3A_356 : vector<16xf32> to vector<1x1x16xf32>
        tpu.vector_store %arg9[%parallel_loop3A_358, %parallel_loop3A_359, %parallel_loop3A_360], %parallel_loop3A_363 {strides = array<i32>} : memref<2x200x128xf32, #tpu.memory_space<vmem>>, vector<1x1x16xf32>,
        %parallel_loop3A_364 = arith.constant 1 : i32
        %parallel_loop3A_365 = arith.index_cast %parallel_loop3A_364 : i32 to index
        %parallel_loop3A_366 = arith.index_cast %parallel_loop3A_345 : i32 to index
        %parallel_loop3A_367 = arith.constant 16 : index
        %parallel_loop3A_368 = tpu.vector_load %arg9[%parallel_loop3A_365, %parallel_loop3A_366, %parallel_loop3A_367] {strides = array<i32>} : memref<2x200x128xf32, #tpu.memory_space<vmem>>, vector<1x1x16xf32>,
        %parallel_loop3A_369 = vector.shape_cast %parallel_loop3A_368 : vector<1x1x16xf32> to vector<16xf32>
        %parallel_loop3A_370 = arith.index_cast %parallel_loop3A_345 : i32 to index
        %parallel_loop3A_371 = arith.constant 16 : index
        %parallel_loop3A_372 = tpu.vector_load %arg10[%parallel_loop3A_370, %parallel_loop3A_371] {strides = array<i32>} : memref<200x128xf32, #tpu.memory_space<vmem>>, vector<1x16xf32>,
        %parallel_loop3A_373 = vector.shape_cast %parallel_loop3A_372 : vector<1x16xf32> to vector<16xf32>
        %parallel_loop3A_374 = arith.addf %parallel_loop3A_369, %parallel_loop3A_373 : vector<16xf32>
        %parallel_loop3A_375 = arith.constant 1 : i32
        %parallel_loop3A_376 = arith.index_cast %parallel_loop3A_375 : i32 to index
        %parallel_loop3A_377 = arith.index_cast %parallel_loop3A_345 : i32 to index
        %parallel_loop3A_378 = arith.constant 16 : index
        %parallel_loop3A_379 = tpu.vector_load %arg9[%parallel_loop3A_376, %parallel_loop3A_377, %parallel_loop3A_378] {strides = array<i32>} : memref<2x200x128xf32, #tpu.memory_space<vmem>>, vector<1x1x16xf32>,
        %parallel_loop3A_380 = vector.shape_cast %parallel_loop3A_379 : vector<1x1x16xf32> to vector<16xf32>
        %parallel_loop3A_381 = vector.shape_cast %parallel_loop3A_374 : vector<16xf32> to vector<1x1x16xf32>
        tpu.vector_store %arg9[%parallel_loop3A_376, %parallel_loop3A_377, %parallel_loop3A_378], %parallel_loop3A_381 {strides = array<i32>} : memref<2x200x128xf32, #tpu.memory_space<vmem>>, vector<1x1x16xf32>,
        %parallel_loop3A_382 = arith.constant 1 : i32
        %parallel_loop3A_383 = arith.index_cast %parallel_loop3A_382 : i32 to index
        %parallel_loop3A_384 = arith.index_cast %parallel_loop3A_345 : i32 to index
        %parallel_loop3A_385 = arith.constant 32 : index
        %parallel_loop3A_386 = tpu.vector_load %arg9[%parallel_loop3A_383, %parallel_loop3A_384, %parallel_loop3A_385] {strides = array<i32>} : memref<2x200x128xf32, #tpu.memory_space<vmem>>, vector<1x1x16xf32>,
        %parallel_loop3A_387 = vector.shape_cast %parallel_loop3A_386 : vector<1x1x16xf32> to vector<16xf32>
        %parallel_loop3A_388 = arith.index_cast %parallel_loop3A_345 : i32 to index
        %parallel_loop3A_389 = arith.constant 32 : index
        %parallel_loop3A_390 = tpu.vector_load %arg10[%parallel_loop3A_388, %parallel_loop3A_389] {strides = array<i32>} : memref<200x128xf32, #tpu.memory_space<vmem>>, vector<1x16xf32>,
        %parallel_loop3A_391 = vector.shape_cast %parallel_loop3A_390 : vector<1x16xf32> to vector<16xf32>
        %parallel_loop3A_392 = arith.addf %parallel_loop3A_387, %parallel_loop3A_391 : vector<16xf32>
        %parallel_loop3A_393 = arith.constant 1 : i32
        %parallel_loop3A_394 = arith.index_cast %parallel_loop3A_393 : i32 to index
        %parallel_loop3A_395 = arith.index_cast %parallel_loop3A_345 : i32 to index
        %parallel_loop3A_396 = arith.constant 32 : index
        %parallel_loop3A_397 = tpu.vector_load %arg9[%parallel_loop3A_394, %parallel_loop3A_395, %parallel_loop3A_396] {strides = array<i32>} : memref<2x200x128xf32, #tpu.memory_space<vmem>>, vector<1x1x16xf32>,
        %parallel_loop3A_398 = vector.shape_cast %parallel_loop3A_397 : vector<1x1x16xf32> to vector<16xf32>
        %parallel_loop3A_399 = vector.shape_cast %parallel_loop3A_392 : vector<16xf32> to vector<1x1x16xf32>
        tpu.vector_store %arg9[%parallel_loop3A_394, %parallel_loop3A_395, %parallel_loop3A_396], %parallel_loop3A_399 {strides = array<i32>} : memref<2x200x128xf32, #tpu.memory_space<vmem>>, vector<1x1x16xf32>,
        %parallel_loop3A_400 = arith.constant 1 : i32
        %parallel_loop3A_401 = arith.index_cast %parallel_loop3A_400 : i32 to index
        %parallel_loop3A_402 = arith.index_cast %parallel_loop3A_345 : i32 to index
        %parallel_loop3A_403 = arith.constant 48 : index
        %parallel_loop3A_404 = tpu.vector_load %arg9[%parallel_loop3A_401, %parallel_loop3A_402, %parallel_loop3A_403] {strides = array<i32>} : memref<2x200x128xf32, #tpu.memory_space<vmem>>, vector<1x1x16xf32>,
        %parallel_loop3A_405 = vector.shape_cast %parallel_loop3A_404 : vector<1x1x16xf32> to vector<16xf32>
        %parallel_loop3A_406 = arith.index_cast %parallel_loop3A_345 : i32 to index
        %parallel_loop3A_407 = arith.constant 48 : index
        %parallel_loop3A_408 = tpu.vector_load %arg10[%parallel_loop3A_406, %parallel_loop3A_407] {strides = array<i32>} : memref<200x128xf32, #tpu.memory_space<vmem>>, vector<1x16xf32>,
        %parallel_loop3A_409 = vector.shape_cast %parallel_loop3A_408 : vector<1x16xf32> to vector<16xf32>
        %parallel_loop3A_410 = arith.addf %parallel_loop3A_405, %parallel_loop3A_409 : vector<16xf32>
        %parallel_loop3A_411 = arith.constant 1 : i32
        %parallel_loop3A_412 = arith.index_cast %parallel_loop3A_411 : i32 to index
        %parallel_loop3A_413 = arith.index_cast %parallel_loop3A_345 : i32 to index
        %parallel_loop3A_414 = arith.constant 48 : index
        %parallel_loop3A_415 = tpu.vector_load %arg9[%parallel_loop3A_412, %parallel_loop3A_413, %parallel_loop3A_414] {strides = array<i32>} : memref<2x200x128xf32, #tpu.memory_space<vmem>>, vector<1x1x16xf32>,
        %parallel_loop3A_416 = vector.shape_cast %parallel_loop3A_415 : vector<1x1x16xf32> to vector<16xf32>
        %parallel_loop3A_417 = vector.shape_cast %parallel_loop3A_410 : vector<16xf32> to vector<1x1x16xf32>
        tpu.vector_store %arg9[%parallel_loop3A_412, %parallel_loop3A_413, %parallel_loop3A_414], %parallel_loop3A_417 {strides = array<i32>} : memref<2x200x128xf32, #tpu.memory_space<vmem>>, vector<1x1x16xf32>,
        %parallel_loop3A_418 = arith.constant 1 : i32
        %parallel_loop3A_419 = arith.index_cast %parallel_loop3A_418 : i32 to index
        %parallel_loop3A_420 = arith.index_cast %parallel_loop3A_345 : i32 to index
        %parallel_loop3A_421 = arith.constant 64 : index
        %parallel_loop3A_422 = tpu.vector_load %arg9[%parallel_loop3A_419, %parallel_loop3A_420, %parallel_loop3A_421] {strides = array<i32>} : memref<2x200x128xf32, #tpu.memory_space<vmem>>, vector<1x1x16xf32>,
        %parallel_loop3A_423 = vector.shape_cast %parallel_loop3A_422 : vector<1x1x16xf32> to vector<16xf32>
        %parallel_loop3A_424 = arith.index_cast %parallel_loop3A_345 : i32 to index
        %parallel_loop3A_425 = arith.constant 64 : index
        %parallel_loop3A_426 = tpu.vector_load %arg10[%parallel_loop3A_424, %parallel_loop3A_425] {strides = array<i32>} : memref<200x128xf32, #tpu.memory_space<vmem>>, vector<1x16xf32>,
        %parallel_loop3A_427 = vector.shape_cast %parallel_loop3A_426 : vector<1x16xf32> to vector<16xf32>
        %parallel_loop3A_428 = arith.addf %parallel_loop3A_423, %parallel_loop3A_427 : vector<16xf32>
        %parallel_loop3A_429 = arith.constant 1 : i32
        %parallel_loop3A_430 = arith.index_cast %parallel_loop3A_429 : i32 to index
        %parallel_loop3A_431 = arith.index_cast %parallel_loop3A_345 : i32 to index
        %parallel_loop3A_432 = arith.constant 64 : index
        %parallel_loop3A_433 = tpu.vector_load %arg9[%parallel_loop3A_430, %parallel_loop3A_431, %parallel_loop3A_432] {strides = array<i32>} : memref<2x200x128xf32, #tpu.memory_space<vmem>>, vector<1x1x16xf32>,
        %parallel_loop3A_434 = vector.shape_cast %parallel_loop3A_433 : vector<1x1x16xf32> to vector<16xf32>
        %parallel_loop3A_435 = vector.shape_cast %parallel_loop3A_428 : vector<16xf32> to vector<1x1x16xf32>
        tpu.vector_store %arg9[%parallel_loop3A_430, %parallel_loop3A_431, %parallel_loop3A_432], %parallel_loop3A_435 {strides = array<i32>} : memref<2x200x128xf32, #tpu.memory_space<vmem>>, vector<1x1x16xf32>,
        %parallel_loop3A_436 = arith.constant 1 : i32
        %parallel_loop3A_437 = arith.index_cast %parallel_loop3A_436 : i32 to index
        %parallel_loop3A_438 = arith.index_cast %parallel_loop3A_345 : i32 to index
        %parallel_loop3A_439 = arith.constant 80 : index
        %parallel_loop3A_440 = tpu.vector_load %arg9[%parallel_loop3A_437, %parallel_loop3A_438, %parallel_loop3A_439] {strides = array<i32>} : memref<2x200x128xf32, #tpu.memory_space<vmem>>, vector<1x1x16xf32>,
        %parallel_loop3A_441 = vector.shape_cast %parallel_loop3A_440 : vector<1x1x16xf32> to vector<16xf32>
        %parallel_loop3A_442 = arith.index_cast %parallel_loop3A_345 : i32 to index
        %parallel_loop3A_443 = arith.constant 80 : index
        %parallel_loop3A_444 = tpu.vector_load %arg10[%parallel_loop3A_442, %parallel_loop3A_443] {strides = array<i32>} : memref<200x128xf32, #tpu.memory_space<vmem>>, vector<1x16xf32>,
        %parallel_loop3A_445 = vector.shape_cast %parallel_loop3A_444 : vector<1x16xf32> to vector<16xf32>
        %parallel_loop3A_446 = arith.addf %parallel_loop3A_441, %parallel_loop3A_445 : vector<16xf32>
        %parallel_loop3A_447 = arith.constant 1 : i32
        %parallel_loop3A_448 = arith.index_cast %parallel_loop3A_447 : i32 to index
        %parallel_loop3A_449 = arith.index_cast %parallel_loop3A_345 : i32 to index
        %parallel_loop3A_450 = arith.constant 80 : index
        %parallel_loop3A_451 = tpu.vector_load %arg9[%parallel_loop3A_448, %parallel_loop3A_449, %parallel_loop3A_450] {strides = array<i32>} : memref<2x200x128xf32, #tpu.memory_space<vmem>>, vector<1x1x16xf32>,
        %parallel_loop3A_452 = vector.shape_cast %parallel_loop3A_451 : vector<1x1x16xf32> to vector<16xf32>
        %parallel_loop3A_453 = vector.shape_cast %parallel_loop3A_446 : vector<16xf32> to vector<1x1x16xf32>
        tpu.vector_store %arg9[%parallel_loop3A_448, %parallel_loop3A_449, %parallel_loop3A_450], %parallel_loop3A_453 {strides = array<i32>} : memref<2x200x128xf32, #tpu.memory_space<vmem>>, vector<1x1x16xf32>,
        %parallel_loop3A_454 = arith.constant 1 : i32
        %parallel_loop3A_455 = arith.index_cast %parallel_loop3A_454 : i32 to index
        %parallel_loop3A_456 = arith.index_cast %parallel_loop3A_345 : i32 to index
        %parallel_loop3A_457 = arith.constant 96 : index
        %parallel_loop3A_458 = tpu.vector_load %arg9[%parallel_loop3A_455, %parallel_loop3A_456, %parallel_loop3A_457] {strides = array<i32>} : memref<2x200x128xf32, #tpu.memory_space<vmem>>, vector<1x1x16xf32>,
        %parallel_loop3A_459 = vector.shape_cast %parallel_loop3A_458 : vector<1x1x16xf32> to vector<16xf32>
        %parallel_loop3A_460 = arith.index_cast %parallel_loop3A_345 : i32 to index
        %parallel_loop3A_461 = arith.constant 96 : index
        %parallel_loop3A_462 = tpu.vector_load %arg10[%parallel_loop3A_460, %parallel_loop3A_461] {strides = array<i32>} : memref<200x128xf32, #tpu.memory_space<vmem>>, vector<1x16xf32>,
        %parallel_loop3A_463 = vector.shape_cast %parallel_loop3A_462 : vector<1x16xf32> to vector<16xf32>
        %parallel_loop3A_464 = arith.addf %parallel_loop3A_459, %parallel_loop3A_463 : vector<16xf32>
        %parallel_loop3A_465 = arith.constant 1 : i32
        %parallel_loop3A_466 = arith.index_cast %parallel_loop3A_465 : i32 to index
        %parallel_loop3A_467 = arith.index_cast %parallel_loop3A_345 : i32 to index
        %parallel_loop3A_468 = arith.constant 96 : index
        %parallel_loop3A_469 = tpu.vector_load %arg9[%parallel_loop3A_466, %parallel_loop3A_467, %parallel_loop3A_468] {strides = array<i32>} : memref<2x200x128xf32, #tpu.memory_space<vmem>>, vector<1x1x16xf32>,
        %parallel_loop3A_470 = vector.shape_cast %parallel_loop3A_469 : vector<1x1x16xf32> to vector<16xf32>
        %parallel_loop3A_471 = vector.shape_cast %parallel_loop3A_464 : vector<16xf32> to vector<1x1x16xf32>
        tpu.vector_store %arg9[%parallel_loop3A_466, %parallel_loop3A_467, %parallel_loop3A_468], %parallel_loop3A_471 {strides = array<i32>} : memref<2x200x128xf32, #tpu.memory_space<vmem>>, vector<1x1x16xf32>,
        %parallel_loop3A_472 = arith.constant 1 : i32
        %parallel_loop3A_473 = arith.index_cast %parallel_loop3A_472 : i32 to index
        %parallel_loop3A_474 = arith.index_cast %parallel_loop3A_345 : i32 to index
        %parallel_loop3A_475 = arith.constant 112 : index
        %parallel_loop3A_476 = tpu.vector_load %arg9[%parallel_loop3A_473, %parallel_loop3A_474, %parallel_loop3A_475] {strides = array<i32>} : memref<2x200x128xf32, #tpu.memory_space<vmem>>, vector<1x1x16xf32>,
        %parallel_loop3A_477 = vector.shape_cast %parallel_loop3A_476 : vector<1x1x16xf32> to vector<16xf32>
        %parallel_loop3A_478 = arith.index_cast %parallel_loop3A_345 : i32 to index
        %parallel_loop3A_479 = arith.constant 112 : index
        %parallel_loop3A_480 = tpu.vector_load %arg10[%parallel_loop3A_478, %parallel_loop3A_479] {strides = array<i32>} : memref<200x128xf32, #tpu.memory_space<vmem>>, vector<1x16xf32>,
        %parallel_loop3A_481 = vector.shape_cast %parallel_loop3A_480 : vector<1x16xf32> to vector<16xf32>
        %parallel_loop3A_482 = arith.addf %parallel_loop3A_477, %parallel_loop3A_481 : vector<16xf32>
        %parallel_loop3A_483 = arith.constant 1 : i32
        %parallel_loop3A_484 = arith.index_cast %parallel_loop3A_483 : i32 to index
        %parallel_loop3A_485 = arith.index_cast %parallel_loop3A_345 : i32 to index
        %parallel_loop3A_486 = arith.constant 112 : index
        %parallel_loop3A_487 = tpu.vector_load %arg9[%parallel_loop3A_484, %parallel_loop3A_485, %parallel_loop3A_486] {strides = array<i32>} : memref<2x200x128xf32, #tpu.memory_space<vmem>>, vector<1x1x16xf32>,
        %parallel_loop3A_488 = vector.shape_cast %parallel_loop3A_487 : vector<1x1x16xf32> to vector<16xf32>
        %parallel_loop3A_489 = vector.shape_cast %parallel_loop3A_482 : vector<16xf32> to vector<1x1x16xf32>
        tpu.vector_store %arg9[%parallel_loop3A_484, %parallel_loop3A_485, %parallel_loop3A_486], %parallel_loop3A_489 {strides = array<i32>} : memref<2x200x128xf32, #tpu.memory_space<vmem>>, vector<1x1x16xf32>,
      } {sc.loop_unroll_factor = 2 : i64, sc.parallel_access}
      %add3A_240 = arith.addi %mul3A_2, %add3A_174 : i32
      %dma_start3A_241 = arith.constant 1 : i32
      %dma_start3A_242 = arith.constant 0 : i32
      %dma_start3A_243 = arith.constant 0 : i32
      %dma_start3A_244 = tpu.memref_slice %arg9[%dma_start3A_241, %dma_start3A_242, %dma_start3A_243] : memref<2x200x128xf32, #tpu.memory_space<vmem>> -> memref<1x200x128xf32, #tpu.memory_space<vmem>>
      %dma_start3A_245 = tpu.memref_squeeze %dma_start3A_244 : memref<1x200x128xf32, #tpu.memory_space<vmem>> -> memref<200x128xf32, #tpu.memory_space<vmem>>
      %dma_start3A_246 = arith.constant 0 : i32
      %dma_start3A_247 = arith.constant 0 : i32
      %dma_start3A_248 = tpu.memref_slice %arg7[%add3A_240, %dma_start3A_246, %dma_start3A_247] : memref<1024x200x128xf32, #tpu.memory_space<hbm>> -> memref<1x200x128xf32, #tpu.memory_space<hbm>>
      %dma_start3A_249 = tpu.memref_squeeze %dma_start3A_248 : memref<1x200x128xf32, #tpu.memory_space<hbm>> -> memref<200x128xf32, #tpu.memory_space<hbm>>
      %dma_start3A_250 = arith.constant 0 : i32
      %dma_start3A_251 = arith.constant 0 : i32
      %dma_start3A_252 = tpu.memref_slice %arg7[%add3A_240, %dma_start3A_250, %dma_start3A_251] : memref<1024x200x128xf32, #tpu.memory_space<hbm>> -> memref<1x200x128xf32, #tpu.memory_space<hbm>>
      %dma_start3A_253 = tpu.memref_squeeze %dma_start3A_252 : memref<1x200x128xf32, #tpu.memory_space<hbm>> -> memref<200x128xf32, #tpu.memory_space<hbm>>
      %dma_start3A_254 = arith.constant 0 : i32
      %dma_start3A_255 = arith.constant 0 : i32
      %dma_start3A_256 = tpu.memref_slice %arg9[%dma_start3A_241, %dma_start3A_254, %dma_start3A_255] : memref<2x200x128xf32, #tpu.memory_space<vmem>> -> memref<1x200x128xf32, #tpu.memory_space<vmem>>
      %dma_start3A_257 = tpu.memref_squeeze %dma_start3A_256 : memref<1x200x128xf32, #tpu.memory_space<vmem>> -> memref<200x128xf32, #tpu.memory_space<vmem>>
      tpu.enqueue_dma source(%dma_start3A_257 : memref<200x128xf32, #tpu.memory_space<vmem>>) target(%dma_start3A_253 : memref<200x128xf32, #tpu.memory_space<hbm>>) target_semaphore(%arg14 : memref<!tpu.dma_semaphore, #tpu.memory_space<semaphore_mem>>)
      %mul3A_258 = arith.constant 2 : i32
      %mul3A_259 = arith.muli %mul3A_258, %scan3A_170 : i32
      %add3A_260 = arith.constant 2 : i32
      %add3A_261 = arith.addi %mul3A_259, %add3A_260 : i32
      %dma_wait3A_262 = arith.constant 0 : i32
      %dma_wait3A_263 = arith.constant 0 : i32
      %dma_wait3A_264 = arith.constant 0 : i32
      %dma_wait3A_265 = tpu.memref_slice %arg9[%dma_wait3A_262, %dma_wait3A_263, %dma_wait3A_264] : memref<2x200x128xf32, #tpu.memory_space<vmem>> -> memref<1x200x128xf32, #tpu.memory_space<vmem>>
      %dma_wait3A_266 = tpu.memref_squeeze %dma_wait3A_265 : memref<1x200x128xf32, #tpu.memory_space<vmem>> -> memref<200x128xf32, #tpu.memory_space<vmem>>
      %dma_wait3A_267 = arith.constant 0 : i32
      %dma_wait3A_268 = arith.constant 0 : i32
      %dma_wait3A_269 = tpu.memref_slice %arg3[%dma_wait3A_267, %dma_wait3A_268] : memref<100000x128xf32, #tpu.memory_space<hbm>> -> memref<200x128xf32, #tpu.memory_space<hbm>>
      %dma_wait3A_270 = arith.constant 0 : i32
      %dma_wait3A_271 = arith.constant 0 : i32
      %dma_wait3A_272 = tpu.memref_slice %arg9[%dma_wait3A_262, %dma_wait3A_270, %dma_wait3A_271] : memref<2x200x128xf32, #tpu.memory_space<vmem>> -> memref<1x200x128xf32, #tpu.memory_space<vmem>>
      %dma_wait3A_273 = tpu.memref_squeeze %dma_wait3A_272 : memref<1x200x128xf32, #tpu.memory_space<vmem>> -> memref<200x128xf32, #tpu.memory_space<vmem>>
      %dma_wait3A_274 = arith.constant 0 : i32
      %dma_wait3A_275 = arith.constant 0 : i32
      %dma_wait3A_276 = tpu.memref_slice %arg3[%dma_wait3A_274, %dma_wait3A_275] : memref<100000x128xf32, #tpu.memory_space<hbm>> -> memref<200x128xf32, #tpu.memory_space<hbm>>
      tpu.wait_dma2 semaphore(%arg11 : memref<!tpu.dma_semaphore, #tpu.memory_space<semaphore_mem>>) src(%dma_wait3A_276 : memref<200x128xf32, #tpu.memory_space<hbm>>) dst(%dma_wait3A_273 : memref<200x128xf32, #tpu.memory_space<vmem>>)
      %parallel_loop3A_277 = arith.constant 0 : i32
      %parallel_loop3A_278 = arith.constant 100 : i32
      %parallel_loop3A_279 = arith.constant 1 : i32
      scf.for %parallel_loop3A_345 = %parallel_loop3A_277 to %parallel_loop3A_278 step %parallel_loop3A_279  : i32 {
        %parallel_loop3A_346 = arith.constant 0 : i32
        %parallel_loop3A_347 = arith.index_cast %parallel_loop3A_346 : i32 to index
        %parallel_loop3A_348 = arith.index_cast %parallel_loop3A_345 : i32 to index
        %parallel_loop3A_349 = arith.constant 0 : index
        %parallel_loop3A_350 = tpu.vector_load %arg9[%parallel_loop3A_347, %parallel_loop3A_348, %parallel_loop3A_349] {strides = array<i32>} : memref<2x200x128xf32, #tpu.memory_space<vmem>>, vector<1x1x16xf32>,
        %parallel_loop3A_351 = vector.shape_cast %parallel_loop3A_350 : vector<1x1x16xf32> to vector<16xf32>
        %parallel_loop3A_352 = arith.index_cast %parallel_loop3A_345 : i32 to index
        %parallel_loop3A_353 = arith.constant 0 : index
        %parallel_loop3A_354 = tpu.vector_load %arg10[%parallel_loop3A_352, %parallel_loop3A_353] {strides = array<i32>} : memref<200x128xf32, #tpu.memory_space<vmem>>, vector<1x16xf32>,
        %parallel_loop3A_355 = vector.shape_cast %parallel_loop3A_354 : vector<1x16xf32> to vector<16xf32>
        %parallel_loop3A_356 = arith.addf %parallel_loop3A_351, %parallel_loop3A_355 : vector<16xf32>
        %parallel_loop3A_357 = arith.constant 0 : i32
        %parallel_loop3A_358 = arith.index_cast %parallel_loop3A_357 : i32 to index
        %parallel_loop3A_359 = arith.index_cast %parallel_loop3A_345 : i32 to index
        %parallel_loop3A_360 = arith.constant 0 : index
        %parallel_loop3A_361 = tpu.vector_load %arg9[%parallel_loop3A_358, %parallel_loop3A_359, %parallel_loop3A_360] {strides = array<i32>} : memref<2x200x128xf32, #tpu.memory_space<vmem>>, vector<1x1x16xf32>,
        %parallel_loop3A_362 = vector.shape_cast %parallel_loop3A_361 : vector<1x1x16xf32> to vector<16xf32>
        %parallel_loop3A_363 = vector.shape_cast %parallel_loop3A_356 : vector<16xf32> to vector<1x1x16xf32>
        tpu.vector_store %arg9[%parallel_loop3A_358, %parallel_loop3A_359, %parallel_loop3A_360], %parallel_loop3A_363 {strides = array<i32>} : memref<2x200x128xf32, #tpu.memory_space<vmem>>, vector<1x1x16xf32>,
        %parallel_loop3A_364 = arith.constant 0 : i32
        %parallel_loop3A_365 = arith.index_cast %parallel_loop3A_364 : i32 to index
        %parallel_loop3A_366 = arith.index_cast %parallel_loop3A_345 : i32 to index
        %parallel_loop3A_367 = arith.constant 16 : index
        %parallel_loop3A_368 = tpu.vector_load %arg9[%parallel_loop3A_365, %parallel_loop3A_366, %parallel_loop3A_367] {strides = array<i32>} : memref<2x200x128xf32, #tpu.memory_space<vmem>>, vector<1x1x16xf32>,
        %parallel_loop3A_369 = vector.shape_cast %parallel_loop3A_368 : vector<1x1x16xf32> to vector<16xf32>
        %parallel_loop3A_370 = arith.index_cast %parallel_loop3A_345 : i32 to index
        %parallel_loop3A_371 = arith.constant 16 : index
        %parallel_loop3A_372 = tpu.vector_load %arg10[%parallel_loop3A_370, %parallel_loop3A_371] {strides = array<i32>} : memref<200x128xf32, #tpu.memory_space<vmem>>, vector<1x16xf32>,
        %parallel_loop3A_373 = vector.shape_cast %parallel_loop3A_372 : vector<1x16xf32> to vector<16xf32>
        %parallel_loop3A_374 = arith.addf %parallel_loop3A_369, %parallel_loop3A_373 : vector<16xf32>
        %parallel_loop3A_375 = arith.constant 0 : i32
        %parallel_loop3A_376 = arith.index_cast %parallel_loop3A_375 : i32 to index
        %parallel_loop3A_377 = arith.index_cast %parallel_loop3A_345 : i32 to index
        %parallel_loop3A_378 = arith.constant 16 : index
        %parallel_loop3A_379 = tpu.vector_load %arg9[%parallel_loop3A_376, %parallel_loop3A_377, %parallel_loop3A_378] {strides = array<i32>} : memref<2x200x128xf32, #tpu.memory_space<vmem>>, vector<1x1x16xf32>,
        %parallel_loop3A_380 = vector.shape_cast %parallel_loop3A_379 : vector<1x1x16xf32> to vector<16xf32>
        %parallel_loop3A_381 = vector.shape_cast %parallel_loop3A_374 : vector<16xf32> to vector<1x1x16xf32>
        tpu.vector_store %arg9[%parallel_loop3A_376, %parallel_loop3A_377, %parallel_loop3A_378], %parallel_loop3A_381 {strides = array<i32>} : memref<2x200x128xf32, #tpu.memory_space<vmem>>, vector<1x1x16xf32>,
        %parallel_loop3A_382 = arith.constant 0 : i32
        %parallel_loop3A_383 = arith.index_cast %parallel_loop3A_382 : i32 to index
        %parallel_loop3A_384 = arith.index_cast %parallel_loop3A_345 : i32 to index
        %parallel_loop3A_385 = arith.constant 32 : index
        %parallel_loop3A_386 = tpu.vector_load %arg9[%parallel_loop3A_383, %parallel_loop3A_384, %parallel_loop3A_385] {strides = array<i32>} : memref<2x200x128xf32, #tpu.memory_space<vmem>>, vector<1x1x16xf32>,
        %parallel_loop3A_387 = vector.shape_cast %parallel_loop3A_386 : vector<1x1x16xf32> to vector<16xf32>
        %parallel_loop3A_388 = arith.index_cast %parallel_loop3A_345 : i32 to index
        %parallel_loop3A_389 = arith.constant 32 : index
        %parallel_loop3A_390 = tpu.vector_load %arg10[%parallel_loop3A_388, %parallel_loop3A_389] {strides = array<i32>} : memref<200x128xf32, #tpu.memory_space<vmem>>, vector<1x16xf32>,
        %parallel_loop3A_391 = vector.shape_cast %parallel_loop3A_390 : vector<1x16xf32> to vector<16xf32>
        %parallel_loop3A_392 = arith.addf %parallel_loop3A_387, %parallel_loop3A_391 : vector<16xf32>
        %parallel_loop3A_393 = arith.constant 0 : i32
        %parallel_loop3A_394 = arith.index_cast %parallel_loop3A_393 : i32 to index
        %parallel_loop3A_395 = arith.index_cast %parallel_loop3A_345 : i32 to index
        %parallel_loop3A_396 = arith.constant 32 : index
        %parallel_loop3A_397 = tpu.vector_load %arg9[%parallel_loop3A_394, %parallel_loop3A_395, %parallel_loop3A_396] {strides = array<i32>} : memref<2x200x128xf32, #tpu.memory_space<vmem>>, vector<1x1x16xf32>,
        %parallel_loop3A_398 = vector.shape_cast %parallel_loop3A_397 : vector<1x1x16xf32> to vector<16xf32>
        %parallel_loop3A_399 = vector.shape_cast %parallel_loop3A_392 : vector<16xf32> to vector<1x1x16xf32>
        tpu.vector_store %arg9[%parallel_loop3A_394, %parallel_loop3A_395, %parallel_loop3A_396], %parallel_loop3A_399 {strides = array<i32>} : memref<2x200x128xf32, #tpu.memory_space<vmem>>, vector<1x1x16xf32>,
        %parallel_loop3A_400 = arith.constant 0 : i32
        %parallel_loop3A_401 = arith.index_cast %parallel_loop3A_400 : i32 to index
        %parallel_loop3A_402 = arith.index_cast %parallel_loop3A_345 : i32 to index
        %parallel_loop3A_403 = arith.constant 48 : index
        %parallel_loop3A_404 = tpu.vector_load %arg9[%parallel_loop3A_401, %parallel_loop3A_402, %parallel_loop3A_403] {strides = array<i32>} : memref<2x200x128xf32, #tpu.memory_space<vmem>>, vector<1x1x16xf32>,
        %parallel_loop3A_405 = vector.shape_cast %parallel_loop3A_404 : vector<1x1x16xf32> to vector<16xf32>
        %parallel_loop3A_406 = arith.index_cast %parallel_loop3A_345 : i32 to index
        %parallel_loop3A_407 = arith.constant 48 : index
        %parallel_loop3A_408 = tpu.vector_load %arg10[%parallel_loop3A_406, %parallel_loop3A_407] {strides = array<i32>} : memref<200x128xf32, #tpu.memory_space<vmem>>, vector<1x16xf32>,
        %parallel_loop3A_409 = vector.shape_cast %parallel_loop3A_408 : vector<1x16xf32> to vector<16xf32>
        %parallel_loop3A_410 = arith.addf %parallel_loop3A_405, %parallel_loop3A_409 : vector<16xf32>
        %parallel_loop3A_411 = arith.constant 0 : i32
        %parallel_loop3A_412 = arith.index_cast %parallel_loop3A_411 : i32 to index
        %parallel_loop3A_413 = arith.index_cast %parallel_loop3A_345 : i32 to index
        %parallel_loop3A_414 = arith.constant 48 : index
        %parallel_loop3A_415 = tpu.vector_load %arg9[%parallel_loop3A_412, %parallel_loop3A_413, %parallel_loop3A_414] {strides = array<i32>} : memref<2x200x128xf32, #tpu.memory_space<vmem>>, vector<1x1x16xf32>,
        %parallel_loop3A_416 = vector.shape_cast %parallel_loop3A_415 : vector<1x1x16xf32> to vector<16xf32>
        %parallel_loop3A_417 = vector.shape_cast %parallel_loop3A_410 : vector<16xf32> to vector<1x1x16xf32>
        tpu.vector_store %arg9[%parallel_loop3A_412, %parallel_loop3A_413, %parallel_loop3A_414], %parallel_loop3A_417 {strides = array<i32>} : memref<2x200x128xf32, #tpu.memory_space<vmem>>, vector<1x1x16xf32>,
        %parallel_loop3A_418 = arith.constant 0 : i32
        %parallel_loop3A_419 = arith.index_cast %parallel_loop3A_418 : i32 to index
        %parallel_loop3A_420 = arith.index_cast %parallel_loop3A_345 : i32 to index
        %parallel_loop3A_421 = arith.constant 64 : index
        %parallel_loop3A_422 = tpu.vector_load %arg9[%parallel_loop3A_419, %parallel_loop3A_420, %parallel_loop3A_421] {strides = array<i32>} : memref<2x200x128xf32, #tpu.memory_space<vmem>>, vector<1x1x16xf32>,
        %parallel_loop3A_423 = vector.shape_cast %parallel_loop3A_422 : vector<1x1x16xf32> to vector<16xf32>
        %parallel_loop3A_424 = arith.index_cast %parallel_loop3A_345 : i32 to index
        %parallel_loop3A_425 = arith.constant 64 : index
        %parallel_loop3A_426 = tpu.vector_load %arg10[%parallel_loop3A_424, %parallel_loop3A_425] {strides = array<i32>} : memref<200x128xf32, #tpu.memory_space<vmem>>, vector<1x16xf32>,
        %parallel_loop3A_427 = vector.shape_cast %parallel_loop3A_426 : vector<1x16xf32> to vector<16xf32>
        %parallel_loop3A_428 = arith.addf %parallel_loop3A_423, %parallel_loop3A_427 : vector<16xf32>
        %parallel_loop3A_429 = arith.constant 0 : i32
        %parallel_loop3A_430 = arith.index_cast %parallel_loop3A_429 : i32 to index
        %parallel_loop3A_431 = arith.index_cast %parallel_loop3A_345 : i32 to index
        %parallel_loop3A_432 = arith.constant 64 : index
        %parallel_loop3A_433 = tpu.vector_load %arg9[%parallel_loop3A_430, %parallel_loop3A_431, %parallel_loop3A_432] {strides = array<i32>} : memref<2x200x128xf32, #tpu.memory_space<vmem>>, vector<1x1x16xf32>,
        %parallel_loop3A_434 = vector.shape_cast %parallel_loop3A_433 : vector<1x1x16xf32> to vector<16xf32>
        %parallel_loop3A_435 = vector.shape_cast %parallel_loop3A_428 : vector<16xf32> to vector<1x1x16xf32>
        tpu.vector_store %arg9[%parallel_loop3A_430, %parallel_loop3A_431, %parallel_loop3A_432], %parallel_loop3A_435 {strides = array<i32>} : memref<2x200x128xf32, #tpu.memory_space<vmem>>, vector<1x1x16xf32>,
        %parallel_loop3A_436 = arith.constant 0 : i32
        %parallel_loop3A_437 = arith.index_cast %parallel_loop3A_436 : i32 to index
        %parallel_loop3A_438 = arith.index_cast %parallel_loop3A_345 : i32 to index
        %parallel_loop3A_439 = arith.constant 80 : index
        %parallel_loop3A_440 = tpu.vector_load %arg9[%parallel_loop3A_437, %parallel_loop3A_438, %parallel_loop3A_439] {strides = array<i32>} : memref<2x200x128xf32, #tpu.memory_space<vmem>>, vector<1x1x16xf32>,
        %parallel_loop3A_441 = vector.shape_cast %parallel_loop3A_440 : vector<1x1x16xf32> to vector<16xf32>
        %parallel_loop3A_442 = arith.index_cast %parallel_loop3A_345 : i32 to index
        %parallel_loop3A_443 = arith.constant 80 : index
        %parallel_loop3A_444 = tpu.vector_load %arg10[%parallel_loop3A_442, %parallel_loop3A_443] {strides = array<i32>} : memref<200x128xf32, #tpu.memory_space<vmem>>, vector<1x16xf32>,
        %parallel_loop3A_445 = vector.shape_cast %parallel_loop3A_444 : vector<1x16xf32> to vector<16xf32>
        %parallel_loop3A_446 = arith.addf %parallel_loop3A_441, %parallel_loop3A_445 : vector<16xf32>
        %parallel_loop3A_447 = arith.constant 0 : i32
        %parallel_loop3A_448 = arith.index_cast %parallel_loop3A_447 : i32 to index
        %parallel_loop3A_449 = arith.index_cast %parallel_loop3A_345 : i32 to index
        %parallel_loop3A_450 = arith.constant 80 : index
        %parallel_loop3A_451 = tpu.vector_load %arg9[%parallel_loop3A_448, %parallel_loop3A_449, %parallel_loop3A_450] {strides = array<i32>} : memref<2x200x128xf32, #tpu.memory_space<vmem>>, vector<1x1x16xf32>,
        %parallel_loop3A_452 = vector.shape_cast %parallel_loop3A_451 : vector<1x1x16xf32> to vector<16xf32>
        %parallel_loop3A_453 = vector.shape_cast %parallel_loop3A_446 : vector<16xf32> to vector<1x1x16xf32>
        tpu.vector_store %arg9[%parallel_loop3A_448, %parallel_loop3A_449, %parallel_loop3A_450], %parallel_loop3A_453 {strides = array<i32>} : memref<2x200x128xf32, #tpu.memory_space<vmem>>, vector<1x1x16xf32>,
        %parallel_loop3A_454 = arith.constant 0 : i32
        %parallel_loop3A_455 = arith.index_cast %parallel_loop3A_454 : i32 to index
        %parallel_loop3A_456 = arith.index_cast %parallel_loop3A_345 : i32 to index
        %parallel_loop3A_457 = arith.constant 96 : index
        %parallel_loop3A_458 = tpu.vector_load %arg9[%parallel_loop3A_455, %parallel_loop3A_456, %parallel_loop3A_457] {strides = array<i32>} : memref<2x200x128xf32, #tpu.memory_space<vmem>>, vector<1x1x16xf32>,
        %parallel_loop3A_459 = vector.shape_cast %parallel_loop3A_458 : vector<1x1x16xf32> to vector<16xf32>
        %parallel_loop3A_460 = arith.index_cast %parallel_loop3A_345 : i32 to index
        %parallel_loop3A_461 = arith.constant 96 : index
        %parallel_loop3A_462 = tpu.vector_load %arg10[%parallel_loop3A_460, %parallel_loop3A_461] {strides = array<i32>} : memref<200x128xf32, #tpu.memory_space<vmem>>, vector<1x16xf32>,
        %parallel_loop3A_463 = vector.shape_cast %parallel_loop3A_462 : vector<1x16xf32> to vector<16xf32>
        %parallel_loop3A_464 = arith.addf %parallel_loop3A_459, %parallel_loop3A_463 : vector<16xf32>
        %parallel_loop3A_465 = arith.constant 0 : i32
        %parallel_loop3A_466 = arith.index_cast %parallel_loop3A_465 : i32 to index
        %parallel_loop3A_467 = arith.index_cast %parallel_loop3A_345 : i32 to index
        %parallel_loop3A_468 = arith.constant 96 : index
        %parallel_loop3A_469 = tpu.vector_load %arg9[%parallel_loop3A_466, %parallel_loop3A_467, %parallel_loop3A_468] {strides = array<i32>} : memref<2x200x128xf32, #tpu.memory_space<vmem>>, vector<1x1x16xf32>,
        %parallel_loop3A_470 = vector.shape_cast %parallel_loop3A_469 : vector<1x1x16xf32> to vector<16xf32>
        %parallel_loop3A_471 = vector.shape_cast %parallel_loop3A_464 : vector<16xf32> to vector<1x1x16xf32>
        tpu.vector_store %arg9[%parallel_loop3A_466, %parallel_loop3A_467, %parallel_loop3A_468], %parallel_loop3A_471 {strides = array<i32>} : memref<2x200x128xf32, #tpu.memory_space<vmem>>, vector<1x1x16xf32>,
        %parallel_loop3A_472 = arith.constant 0 : i32
        %parallel_loop3A_473 = arith.index_cast %parallel_loop3A_472 : i32 to index
        %parallel_loop3A_474 = arith.index_cast %parallel_loop3A_345 : i32 to index
        %parallel_loop3A_475 = arith.constant 112 : index
        %parallel_loop3A_476 = tpu.vector_load %arg9[%parallel_loop3A_473, %parallel_loop3A_474, %parallel_loop3A_475] {strides = array<i32>} : memref<2x200x128xf32, #tpu.memory_space<vmem>>, vector<1x1x16xf32>,
        %parallel_loop3A_477 = vector.shape_cast %parallel_loop3A_476 : vector<1x1x16xf32> to vector<16xf32>
        %parallel_loop3A_478 = arith.index_cast %parallel_loop3A_345 : i32 to index
        %parallel_loop3A_479 = arith.constant 112 : index
        %parallel_loop3A_480 = tpu.vector_load %arg10[%parallel_loop3A_478, %parallel_loop3A_479] {strides = array<i32>} : memref<200x128xf32, #tpu.memory_space<vmem>>, vector<1x16xf32>,
        %parallel_loop3A_481 = vector.shape_cast %parallel_loop3A_480 : vector<1x16xf32> to vector<16xf32>
        %parallel_loop3A_482 = arith.addf %parallel_loop3A_477, %parallel_loop3A_481 : vector<16xf32>
        %parallel_loop3A_483 = arith.constant 0 : i32
        %parallel_loop3A_484 = arith.index_cast %parallel_loop3A_483 : i32 to index
        %parallel_loop3A_485 = arith.index_cast %parallel_loop3A_345 : i32 to index
        %parallel_loop3A_486 = arith.constant 112 : index
        %parallel_loop3A_487 = tpu.vector_load %arg9[%parallel_loop3A_484, %parallel_loop3A_485, %parallel_loop3A_486] {strides = array<i32>} : memref<2x200x128xf32, #tpu.memory_space<vmem>>, vector<1x1x16xf32>,
        %parallel_loop3A_488 = vector.shape_cast %parallel_loop3A_487 : vector<1x1x16xf32> to vector<16xf32>
        %parallel_loop3A_489 = vector.shape_cast %parallel_loop3A_482 : vector<16xf32> to vector<1x1x16xf32>
        tpu.vector_store %arg9[%parallel_loop3A_484, %parallel_loop3A_485, %parallel_loop3A_486], %parallel_loop3A_489 {strides = array<i32>} : memref<2x200x128xf32, #tpu.memory_space<vmem>>, vector<1x1x16xf32>,
      } {sc.loop_unroll_factor = 2 : i64, sc.parallel_access}
      %dma_wait3A_280 = arith.constant 1 : i32
      %dma_wait3A_281 = arith.constant 0 : i32
      %dma_wait3A_282 = arith.constant 0 : i32
      %dma_wait3A_283 = arith.constant 0 : i32
      %dma_wait3A_284 = tpu.memref_slice %arg9[%dma_wait3A_280, %dma_wait3A_282, %dma_wait3A_283] : memref<2x200x128xf32, #tpu.memory_space<vmem>> -> memref<1x200x128xf32, #tpu.memory_space<vmem>>
      %dma_wait3A_285 = tpu.memref_squeeze %dma_wait3A_284 : memref<1x200x128xf32, #tpu.memory_space<vmem>> -> memref<200x128xf32, #tpu.memory_space<vmem>>
      %dma_wait3A_286 = arith.constant 0 : i32
      %dma_wait3A_287 = arith.constant 0 : i32
      %dma_wait3A_288 = tpu.memref_slice %arg7[%dma_wait3A_281, %dma_wait3A_286, %dma_wait3A_287] : memref<1024x200x128xf32, #tpu.memory_space<hbm>> -> memref<1x200x128xf32, #tpu.memory_space<hbm>>
      %dma_wait3A_289 = tpu.memref_squeeze %dma_wait3A_288 : memref<1x200x128xf32, #tpu.memory_space<hbm>> -> memref<200x128xf32, #tpu.memory_space<hbm>>
      %dma_wait3A_290 = arith.constant 0 : i32
      %dma_wait3A_291 = arith.constant 0 : i32
      %dma_wait3A_292 = tpu.memref_slice %arg7[%dma_wait3A_281, %dma_wait3A_290, %dma_wait3A_291] : memref<1024x200x128xf32, #tpu.memory_space<hbm>> -> memref<1x200x128xf32, #tpu.memory_space<hbm>>
      %dma_wait3A_293 = tpu.memref_squeeze %dma_wait3A_292 : memref<1x200x128xf32, #tpu.memory_space<hbm>> -> memref<200x128xf32, #tpu.memory_space<hbm>>
      %dma_wait3A_294 = arith.constant 0 : i32
      %dma_wait3A_295 = arith.constant 0 : i32
      %dma_wait3A_296 = tpu.memref_slice %arg9[%dma_wait3A_280, %dma_wait3A_294, %dma_wait3A_295] : memref<2x200x128xf32, #tpu.memory_space<vmem>> -> memref<1x200x128xf32, #tpu.memory_space<vmem>>
      %dma_wait3A_297 = tpu.memref_squeeze %dma_wait3A_296 : memref<1x200x128xf32, #tpu.memory_space<vmem>> -> memref<200x128xf32, #tpu.memory_space<vmem>>
      tpu.wait_dma2 semaphore(%arg14 : memref<!tpu.dma_semaphore, #tpu.memory_space<semaphore_mem>>) src(%dma_wait3A_297 : memref<200x128xf32, #tpu.memory_space<vmem>>) dst(%dma_wait3A_293 : memref<200x128xf32, #tpu.memory_space<hbm>>)
      %add3A_298 = arith.constant 1 : i32
      %add3A_299 = arith.addi %add3A_261, %add3A_298 : i32
      %dma_start3A_300 = arith.constant 0 : i32
      %dma_start3A_301 = arith.constant 1 : i32
      %dma_start3A_302 = arith.constant 0 : i32
      %dma_start3A_303 = arith.constant 0 : i32
      %dma_start3A_304 = tpu.memref_slice %arg9[%dma_start3A_301, %dma_start3A_302, %dma_start3A_303] : memref<2x200x128xf32, #tpu.memory_space<vmem>> -> memref<1x100x128xf32, #tpu.memory_space<vmem>>
      %dma_start3A_305 = tpu.memref_squeeze %dma_start3A_304 : memref<1x100x128xf32, #tpu.memory_space<vmem>> -> memref<100x128xf32, #tpu.memory_space<vmem>>
      %dma_start3A_306 = arith.constant 0 : i32
      %dma_start3A_307 = tpu.memref_slice %arg8[%add3A_299, %dma_start3A_300, %dma_start3A_306] : memref<32x2x100xi32, #tpu.memory_space<vmem>> -> memref<1x1x100xi32, #tpu.memory_space<vmem>>
      %dma_start3A_308 = tpu.memref_squeeze %dma_start3A_307 : memref<1x1x100xi32, #tpu.memory_space<vmem>> -> memref<100xi32, #tpu.memory_space<vmem>>
      %dma_start3A_309 = arith.constant 0 : i32
      %dma_start3A_310 = arith.constant 0 : i32
      %dma_start3A_311 = tpu.memref_slice %arg3[%dma_start3A_309, %dma_start3A_310] : memref<100000x128xf32, #tpu.memory_space<hbm>> -> memref<100000x128xf32, #tpu.memory_space<hbm>>
      tpu.enqueue_indirect_dma source(%dma_start3A_311 : memref<100000x128xf32, #tpu.memory_space<hbm>>) target(%dma_start3A_305 : memref<100x128xf32, #tpu.memory_space<vmem>>) offsets(%dma_start3A_308 : memref<100xi32, #tpu.memory_space<vmem>>) semaphore(%arg12 : memref<!tpu.dma_semaphore, #tpu.memory_space<semaphore_mem>>)
      %dma_start3A_312 = arith.constant 1 : i32
      %dma_start3A_313 = arith.constant 1 : i32
      %dma_start3A_314 = arith.constant 100 : i32
      %dma_start3A_315 = arith.constant 0 : i32
      %dma_start3A_316 = tpu.memref_slice %arg9[%dma_start3A_313, %dma_start3A_314, %dma_start3A_315] : memref<2x200x128xf32, #tpu.memory_space<vmem>> -> memref<1x100x128xf32, #tpu.memory_space<vmem>>
      %dma_start3A_317 = tpu.memref_squeeze %dma_start3A_316 : memref<1x100x128xf32, #tpu.memory_space<vmem>> -> memref<100x128xf32, #tpu.memory_space<vmem>>
      %dma_start3A_318 = arith.constant 0 : i32
      %dma_start3A_319 = tpu.memref_slice %arg8[%add3A_299, %dma_start3A_312, %dma_start3A_318] : memref<32x2x100xi32, #tpu.memory_space<vmem>> -> memref<1x1x100xi32, #tpu.memory_space<vmem>>
      %dma_start3A_320 = tpu.memref_squeeze %dma_start3A_319 : memref<1x1x100xi32, #tpu.memory_space<vmem>> -> memref<100xi32, #tpu.memory_space<vmem>>
      %dma_start3A_321 = arith.constant 0 : i32
      %dma_start3A_322 = arith.constant 0 : i32
      %dma_start3A_323 = tpu.memref_slice %arg3[%dma_start3A_321, %dma_start3A_322] : memref<100000x128xf32, #tpu.memory_space<hbm>> -> memref<100000x128xf32, #tpu.memory_space<hbm>>
      tpu.enqueue_indirect_dma source(%dma_start3A_323 : memref<100000x128xf32, #tpu.memory_space<hbm>>) target(%dma_start3A_317 : memref<100x128xf32, #tpu.memory_space<vmem>>) offsets(%dma_start3A_320 : memref<100xi32, #tpu.memory_space<vmem>>) semaphore(%arg12 : memref<!tpu.dma_semaphore, #tpu.memory_space<semaphore_mem>>)
      %parallel_loop3A_324 = arith.constant 100 : i32
      %parallel_loop3A_325 = arith.constant 200 : i32
      %parallel_loop3A_326 = arith.constant 1 : i32
      scf.for %parallel_loop3A_345 = %parallel_loop3A_324 to %parallel_loop3A_325 step %parallel_loop3A_326  : i32 {
        %parallel_loop3A_346 = arith.constant 0 : i32
        %parallel_loop3A_347 = arith.index_cast %parallel_loop3A_346 : i32 to index
        %parallel_loop3A_348 = arith.index_cast %parallel_loop3A_345 : i32 to index
        %parallel_loop3A_349 = arith.constant 0 : index
        %parallel_loop3A_350 = tpu.vector_load %arg9[%parallel_loop3A_347, %parallel_loop3A_348, %parallel_loop3A_349] {strides = array<i32>} : memref<2x200x128xf32, #tpu.memory_space<vmem>>, vector<1x1x16xf32>,
        %parallel_loop3A_351 = vector.shape_cast %parallel_loop3A_350 : vector<1x1x16xf32> to vector<16xf32>
        %parallel_loop3A_352 = arith.index_cast %parallel_loop3A_345 : i32 to index
        %parallel_loop3A_353 = arith.constant 0 : index
        %parallel_loop3A_354 = tpu.vector_load %arg10[%parallel_loop3A_352, %parallel_loop3A_353] {strides = array<i32>} : memref<200x128xf32, #tpu.memory_space<vmem>>, vector<1x16xf32>,
        %parallel_loop3A_355 = vector.shape_cast %parallel_loop3A_354 : vector<1x16xf32> to vector<16xf32>
        %parallel_loop3A_356 = arith.addf %parallel_loop3A_351, %parallel_loop3A_355 : vector<16xf32>
        %parallel_loop3A_357 = arith.constant 0 : i32
        %parallel_loop3A_358 = arith.index_cast %parallel_loop3A_357 : i32 to index
        %parallel_loop3A_359 = arith.index_cast %parallel_loop3A_345 : i32 to index
        %parallel_loop3A_360 = arith.constant 0 : index
        %parallel_loop3A_361 = tpu.vector_load %arg9[%parallel_loop3A_358, %parallel_loop3A_359, %parallel_loop3A_360] {strides = array<i32>} : memref<2x200x128xf32, #tpu.memory_space<vmem>>, vector<1x1x16xf32>,
        %parallel_loop3A_362 = vector.shape_cast %parallel_loop3A_361 : vector<1x1x16xf32> to vector<16xf32>
        %parallel_loop3A_363 = vector.shape_cast %parallel_loop3A_356 : vector<16xf32> to vector<1x1x16xf32>
        tpu.vector_store %arg9[%parallel_loop3A_358, %parallel_loop3A_359, %parallel_loop3A_360], %parallel_loop3A_363 {strides = array<i32>} : memref<2x200x128xf32, #tpu.memory_space<vmem>>, vector<1x1x16xf32>,
        %parallel_loop3A_364 = arith.constant 0 : i32
        %parallel_loop3A_365 = arith.index_cast %parallel_loop3A_364 : i32 to index
        %parallel_loop3A_366 = arith.index_cast %parallel_loop3A_345 : i32 to index
        %parallel_loop3A_367 = arith.constant 16 : index
        %parallel_loop3A_368 = tpu.vector_load %arg9[%parallel_loop3A_365, %parallel_loop3A_366, %parallel_loop3A_367] {strides = array<i32>} : memref<2x200x128xf32, #tpu.memory_space<vmem>>, vector<1x1x16xf32>,
        %parallel_loop3A_369 = vector.shape_cast %parallel_loop3A_368 : vector<1x1x16xf32> to vector<16xf32>
        %parallel_loop3A_370 = arith.index_cast %parallel_loop3A_345 : i32 to index
        %parallel_loop3A_371 = arith.constant 16 : index
        %parallel_loop3A_372 = tpu.vector_load %arg10[%parallel_loop3A_370, %parallel_loop3A_371] {strides = array<i32>} : memref<200x128xf32, #tpu.memory_space<vmem>>, vector<1x16xf32>,
        %parallel_loop3A_373 = vector.shape_cast %parallel_loop3A_372 : vector<1x16xf32> to vector<16xf32>
        %parallel_loop3A_374 = arith.addf %parallel_loop3A_369, %parallel_loop3A_373 : vector<16xf32>
        %parallel_loop3A_375 = arith.constant 0 : i32
        %parallel_loop3A_376 = arith.index_cast %parallel_loop3A_375 : i32 to index
        %parallel_loop3A_377 = arith.index_cast %parallel_loop3A_345 : i32 to index
        %parallel_loop3A_378 = arith.constant 16 : index
        %parallel_loop3A_379 = tpu.vector_load %arg9[%parallel_loop3A_376, %parallel_loop3A_377, %parallel_loop3A_378] {strides = array<i32>} : memref<2x200x128xf32, #tpu.memory_space<vmem>>, vector<1x1x16xf32>,
        %parallel_loop3A_380 = vector.shape_cast %parallel_loop3A_379 : vector<1x1x16xf32> to vector<16xf32>
        %parallel_loop3A_381 = vector.shape_cast %parallel_loop3A_374 : vector<16xf32> to vector<1x1x16xf32>
        tpu.vector_store %arg9[%parallel_loop3A_376, %parallel_loop3A_377, %parallel_loop3A_378], %parallel_loop3A_381 {strides = array<i32>} : memref<2x200x128xf32, #tpu.memory_space<vmem>>, vector<1x1x16xf32>,
        %parallel_loop3A_382 = arith.constant 0 : i32
        %parallel_loop3A_383 = arith.index_cast %parallel_loop3A_382 : i32 to index
        %parallel_loop3A_384 = arith.index_cast %parallel_loop3A_345 : i32 to index
        %parallel_loop3A_385 = arith.constant 32 : index
        %parallel_loop3A_386 = tpu.vector_load %arg9[%parallel_loop3A_383, %parallel_loop3A_384, %parallel_loop3A_385] {strides = array<i32>} : memref<2x200x128xf32, #tpu.memory_space<vmem>>, vector<1x1x16xf32>,
        %parallel_loop3A_387 = vector.shape_cast %parallel_loop3A_386 : vector<1x1x16xf32> to vector<16xf32>
        %parallel_loop3A_388 = arith.index_cast %parallel_loop3A_345 : i32 to index
        %parallel_loop3A_389 = arith.constant 32 : index
        %parallel_loop3A_390 = tpu.vector_load %arg10[%parallel_loop3A_388, %parallel_loop3A_389] {strides = array<i32>} : memref<200x128xf32, #tpu.memory_space<vmem>>, vector<1x16xf32>,
        %parallel_loop3A_391 = vector.shape_cast %parallel_loop3A_390 : vector<1x16xf32> to vector<16xf32>
        %parallel_loop3A_392 = arith.addf %parallel_loop3A_387, %parallel_loop3A_391 : vector<16xf32>
        %parallel_loop3A_393 = arith.constant 0 : i32
        %parallel_loop3A_394 = arith.index_cast %parallel_loop3A_393 : i32 to index
        %parallel_loop3A_395 = arith.index_cast %parallel_loop3A_345 : i32 to index
        %parallel_loop3A_396 = arith.constant 32 : index
        %parallel_loop3A_397 = tpu.vector_load %arg9[%parallel_loop3A_394, %parallel_loop3A_395, %parallel_loop3A_396] {strides = array<i32>} : memref<2x200x128xf32, #tpu.memory_space<vmem>>, vector<1x1x16xf32>,
        %parallel_loop3A_398 = vector.shape_cast %parallel_loop3A_397 : vector<1x1x16xf32> to vector<16xf32>
        %parallel_loop3A_399 = vector.shape_cast %parallel_loop3A_392 : vector<16xf32> to vector<1x1x16xf32>
        tpu.vector_store %arg9[%parallel_loop3A_394, %parallel_loop3A_395, %parallel_loop3A_396], %parallel_loop3A_399 {strides = array<i32>} : memref<2x200x128xf32, #tpu.memory_space<vmem>>, vector<1x1x16xf32>,
        %parallel_loop3A_400 = arith.constant 0 : i32
        %parallel_loop3A_401 = arith.index_cast %parallel_loop3A_400 : i32 to index
        %parallel_loop3A_402 = arith.index_cast %parallel_loop3A_345 : i32 to index
        %parallel_loop3A_403 = arith.constant 48 : index
        %parallel_loop3A_404 = tpu.vector_load %arg9[%parallel_loop3A_401, %parallel_loop3A_402, %parallel_loop3A_403] {strides = array<i32>} : memref<2x200x128xf32, #tpu.memory_space<vmem>>, vector<1x1x16xf32>,
        %parallel_loop3A_405 = vector.shape_cast %parallel_loop3A_404 : vector<1x1x16xf32> to vector<16xf32>
        %parallel_loop3A_406 = arith.index_cast %parallel_loop3A_345 : i32 to index
        %parallel_loop3A_407 = arith.constant 48 : index
        %parallel_loop3A_408 = tpu.vector_load %arg10[%parallel_loop3A_406, %parallel_loop3A_407] {strides = array<i32>} : memref<200x128xf32, #tpu.memory_space<vmem>>, vector<1x16xf32>,
        %parallel_loop3A_409 = vector.shape_cast %parallel_loop3A_408 : vector<1x16xf32> to vector<16xf32>
        %parallel_loop3A_410 = arith.addf %parallel_loop3A_405, %parallel_loop3A_409 : vector<16xf32>
        %parallel_loop3A_411 = arith.constant 0 : i32
        %parallel_loop3A_412 = arith.index_cast %parallel_loop3A_411 : i32 to index
        %parallel_loop3A_413 = arith.index_cast %parallel_loop3A_345 : i32 to index
        %parallel_loop3A_414 = arith.constant 48 : index
        %parallel_loop3A_415 = tpu.vector_load %arg9[%parallel_loop3A_412, %parallel_loop3A_413, %parallel_loop3A_414] {strides = array<i32>} : memref<2x200x128xf32, #tpu.memory_space<vmem>>, vector<1x1x16xf32>,
        %parallel_loop3A_416 = vector.shape_cast %parallel_loop3A_415 : vector<1x1x16xf32> to vector<16xf32>
        %parallel_loop3A_417 = vector.shape_cast %parallel_loop3A_410 : vector<16xf32> to vector<1x1x16xf32>
        tpu.vector_store %arg9[%parallel_loop3A_412, %parallel_loop3A_413, %parallel_loop3A_414], %parallel_loop3A_417 {strides = array<i32>} : memref<2x200x128xf32, #tpu.memory_space<vmem>>, vector<1x1x16xf32>,
        %parallel_loop3A_418 = arith.constant 0 : i32
        %parallel_loop3A_419 = arith.index_cast %parallel_loop3A_418 : i32 to index
        %parallel_loop3A_420 = arith.index_cast %parallel_loop3A_345 : i32 to index
        %parallel_loop3A_421 = arith.constant 64 : index
        %parallel_loop3A_422 = tpu.vector_load %arg9[%parallel_loop3A_419, %parallel_loop3A_420, %parallel_loop3A_421] {strides = array<i32>} : memref<2x200x128xf32, #tpu.memory_space<vmem>>, vector<1x1x16xf32>,
        %parallel_loop3A_423 = vector.shape_cast %parallel_loop3A_422 : vector<1x1x16xf32> to vector<16xf32>
        %parallel_loop3A_424 = arith.index_cast %parallel_loop3A_345 : i32 to index
        %parallel_loop3A_425 = arith.constant 64 : index
        %parallel_loop3A_426 = tpu.vector_load %arg10[%parallel_loop3A_424, %parallel_loop3A_425] {strides = array<i32>} : memref<200x128xf32, #tpu.memory_space<vmem>>, vector<1x16xf32>,
        %parallel_loop3A_427 = vector.shape_cast %parallel_loop3A_426 : vector<1x16xf32> to vector<16xf32>
        %parallel_loop3A_428 = arith.addf %parallel_loop3A_423, %parallel_loop3A_427 : vector<16xf32>
        %parallel_loop3A_429 = arith.constant 0 : i32
        %parallel_loop3A_430 = arith.index_cast %parallel_loop3A_429 : i32 to index
        %parallel_loop3A_431 = arith.index_cast %parallel_loop3A_345 : i32 to index
        %parallel_loop3A_432 = arith.constant 64 : index
        %parallel_loop3A_433 = tpu.vector_load %arg9[%parallel_loop3A_430, %parallel_loop3A_431, %parallel_loop3A_432] {strides = array<i32>} : memref<2x200x128xf32, #tpu.memory_space<vmem>>, vector<1x1x16xf32>,
        %parallel_loop3A_434 = vector.shape_cast %parallel_loop3A_433 : vector<1x1x16xf32> to vector<16xf32>
        %parallel_loop3A_435 = vector.shape_cast %parallel_loop3A_428 : vector<16xf32> to vector<1x1x16xf32>
        tpu.vector_store %arg9[%parallel_loop3A_430, %parallel_loop3A_431, %parallel_loop3A_432], %parallel_loop3A_435 {strides = array<i32>} : memref<2x200x128xf32, #tpu.memory_space<vmem>>, vector<1x1x16xf32>,
        %parallel_loop3A_436 = arith.constant 0 : i32
        %parallel_loop3A_437 = arith.index_cast %parallel_loop3A_436 : i32 to index
        %parallel_loop3A_438 = arith.index_cast %parallel_loop3A_345 : i32 to index
        %parallel_loop3A_439 = arith.constant 80 : index
        %parallel_loop3A_440 = tpu.vector_load %arg9[%parallel_loop3A_437, %parallel_loop3A_438, %parallel_loop3A_439] {strides = array<i32>} : memref<2x200x128xf32, #tpu.memory_space<vmem>>, vector<1x1x16xf32>,
        %parallel_loop3A_441 = vector.shape_cast %parallel_loop3A_440 : vector<1x1x16xf32> to vector<16xf32>
        %parallel_loop3A_442 = arith.index_cast %parallel_loop3A_345 : i32 to index
        %parallel_loop3A_443 = arith.constant 80 : index
        %parallel_loop3A_444 = tpu.vector_load %arg10[%parallel_loop3A_442, %parallel_loop3A_443] {strides = array<i32>} : memref<200x128xf32, #tpu.memory_space<vmem>>, vector<1x16xf32>,
        %parallel_loop3A_445 = vector.shape_cast %parallel_loop3A_444 : vector<1x16xf32> to vector<16xf32>
        %parallel_loop3A_446 = arith.addf %parallel_loop3A_441, %parallel_loop3A_445 : vector<16xf32>
        %parallel_loop3A_447 = arith.constant 0 : i32
        %parallel_loop3A_448 = arith.index_cast %parallel_loop3A_447 : i32 to index
        %parallel_loop3A_449 = arith.index_cast %parallel_loop3A_345 : i32 to index
        %parallel_loop3A_450 = arith.constant 80 : index
        %parallel_loop3A_451 = tpu.vector_load %arg9[%parallel_loop3A_448, %parallel_loop3A_449, %parallel_loop3A_450] {strides = array<i32>} : memref<2x200x128xf32, #tpu.memory_space<vmem>>, vector<1x1x16xf32>,
        %parallel_loop3A_452 = vector.shape_cast %parallel_loop3A_451 : vector<1x1x16xf32> to vector<16xf32>
        %parallel_loop3A_453 = vector.shape_cast %parallel_loop3A_446 : vector<16xf32> to vector<1x1x16xf32>
        tpu.vector_store %arg9[%parallel_loop3A_448, %parallel_loop3A_449, %parallel_loop3A_450], %parallel_loop3A_453 {strides = array<i32>} : memref<2x200x128xf32, #tpu.memory_space<vmem>>, vector<1x1x16xf32>,
        %parallel_loop3A_454 = arith.constant 0 : i32
        %parallel_loop3A_455 = arith.index_cast %parallel_loop3A_454 : i32 to index
        %parallel_loop3A_456 = arith.index_cast %parallel_loop3A_345 : i32 to index
        %parallel_loop3A_457 = arith.constant 96 : index
        %parallel_loop3A_458 = tpu.vector_load %arg9[%parallel_loop3A_455, %parallel_loop3A_456, %parallel_loop3A_457] {strides = array<i32>} : memref<2x200x128xf32, #tpu.memory_space<vmem>>, vector<1x1x16xf32>,
        %parallel_loop3A_459 = vector.shape_cast %parallel_loop3A_458 : vector<1x1x16xf32> to vector<16xf32>
        %parallel_loop3A_460 = arith.index_cast %parallel_loop3A_345 : i32 to index
        %parallel_loop3A_461 = arith.constant 96 : index
        %parallel_loop3A_462 = tpu.vector_load %arg10[%parallel_loop3A_460, %parallel_loop3A_461] {strides = array<i32>} : memref<200x128xf32, #tpu.memory_space<vmem>>, vector<1x16xf32>,
        %parallel_loop3A_463 = vector.shape_cast %parallel_loop3A_462 : vector<1x16xf32> to vector<16xf32>
        %parallel_loop3A_464 = arith.addf %parallel_loop3A_459, %parallel_loop3A_463 : vector<16xf32>
        %parallel_loop3A_465 = arith.constant 0 : i32
        %parallel_loop3A_466 = arith.index_cast %parallel_loop3A_465 : i32 to index
        %parallel_loop3A_467 = arith.index_cast %parallel_loop3A_345 : i32 to index
        %parallel_loop3A_468 = arith.constant 96 : index
        %parallel_loop3A_469 = tpu.vector_load %arg9[%parallel_loop3A_466, %parallel_loop3A_467, %parallel_loop3A_468] {strides = array<i32>} : memref<2x200x128xf32, #tpu.memory_space<vmem>>, vector<1x1x16xf32>,
        %parallel_loop3A_470 = vector.shape_cast %parallel_loop3A_469 : vector<1x1x16xf32> to vector<16xf32>
        %parallel_loop3A_471 = vector.shape_cast %parallel_loop3A_464 : vector<16xf32> to vector<1x1x16xf32>
        tpu.vector_store %arg9[%parallel_loop3A_466, %parallel_loop3A_467, %parallel_loop3A_468], %parallel_loop3A_471 {strides = array<i32>} : memref<2x200x128xf32, #tpu.memory_space<vmem>>, vector<1x1x16xf32>,
        %parallel_loop3A_472 = arith.constant 0 : i32
        %parallel_loop3A_473 = arith.index_cast %parallel_loop3A_472 : i32 to index
        %parallel_loop3A_474 = arith.index_cast %parallel_loop3A_345 : i32 to index
        %parallel_loop3A_475 = arith.constant 112 : index
        %parallel_loop3A_476 = tpu.vector_load %arg9[%parallel_loop3A_473, %parallel_loop3A_474, %parallel_loop3A_475] {strides = array<i32>} : memref<2x200x128xf32, #tpu.memory_space<vmem>>, vector<1x1x16xf32>,
        %parallel_loop3A_477 = vector.shape_cast %parallel_loop3A_476 : vector<1x1x16xf32> to vector<16xf32>
        %parallel_loop3A_478 = arith.index_cast %parallel_loop3A_345 : i32 to index
        %parallel_loop3A_479 = arith.constant 112 : index
        %parallel_loop3A_480 = tpu.vector_load %arg10[%parallel_loop3A_478, %parallel_loop3A_479] {strides = array<i32>} : memref<200x128xf32, #tpu.memory_space<vmem>>, vector<1x16xf32>,
        %parallel_loop3A_481 = vector.shape_cast %parallel_loop3A_480 : vector<1x16xf32> to vector<16xf32>
        %parallel_loop3A_482 = arith.addf %parallel_loop3A_477, %parallel_loop3A_481 : vector<16xf32>
        %parallel_loop3A_483 = arith.constant 0 : i32
        %parallel_loop3A_484 = arith.index_cast %parallel_loop3A_483 : i32 to index
        %parallel_loop3A_485 = arith.index_cast %parallel_loop3A_345 : i32 to index
        %parallel_loop3A_486 = arith.constant 112 : index
        %parallel_loop3A_487 = tpu.vector_load %arg9[%parallel_loop3A_484, %parallel_loop3A_485, %parallel_loop3A_486] {strides = array<i32>} : memref<2x200x128xf32, #tpu.memory_space<vmem>>, vector<1x1x16xf32>,
        %parallel_loop3A_488 = vector.shape_cast %parallel_loop3A_487 : vector<1x1x16xf32> to vector<16xf32>
        %parallel_loop3A_489 = vector.shape_cast %parallel_loop3A_482 : vector<16xf32> to vector<1x1x16xf32>
        tpu.vector_store %arg9[%parallel_loop3A_484, %parallel_loop3A_485, %parallel_loop3A_486], %parallel_loop3A_489 {strides = array<i32>} : memref<2x200x128xf32, #tpu.memory_space<vmem>>, vector<1x1x16xf32>,
      } {sc.loop_unroll_factor = 2 : i64, sc.parallel_access}
      %add3A_327 = arith.addi %mul3A_2, %add3A_261 : i32
      %dma_start3A_328 = arith.constant 0 : i32
      %dma_start3A_329 = arith.constant 0 : i32
      %dma_start3A_330 = arith.constant 0 : i32
      %dma_start3A_331 = tpu.memref_slice %arg9[%dma_start3A_328, %dma_start3A_329, %dma_start3A_330] : memref<2x200x128xf32, #tpu.memory_space<vmem>> -> memref<1x200x128xf32, #tpu.memory_space<vmem>>
      %dma_start3A_332 = tpu.memref_squeeze %dma_start3A_331 : memref<1x200x128xf32, #tpu.memory_space<vmem>> -> memref<200x128xf32, #tpu.memory_space<vmem>>
      %dma_start3A_333 = arith.constant 0 : i32
      %dma_start3A_334 = arith.constant 0 : i32
      %dma_start3A_335 = tpu.memref_slice %arg7[%add3A_327, %dma_start3A_333, %dma_start3A_334] : memref<1024x200x128xf32, #tpu.memory_space<hbm>> -> memref<1x200x128xf32, #tpu.memory_space<hbm>>
      %dma_start3A_336 = tpu.memref_squeeze %dma_start3A_335 : memref<1x200x128xf32, #tpu.memory_space<hbm>> -> memref<200x128xf32, #tpu.memory_space<hbm>>
      %dma_start3A_337 = arith.constant 0 : i32
      %dma_start3A_338 = arith.constant 0 : i32
      %dma_start3A_339 = tpu.memref_slice %arg7[%add3A_327, %dma_start3A_337, %dma_start3A_338] : memref<1024x200x128xf32, #tpu.memory_space<hbm>> -> memref<1x200x128xf32, #tpu.memory_space<hbm>>
      %dma_start3A_340 = tpu.memref_squeeze %dma_start3A_339 : memref<1x200x128xf32, #tpu.memory_space<hbm>> -> memref<200x128xf32, #tpu.memory_space<hbm>>
      %dma_start3A_341 = arith.constant 0 : i32
      %dma_start3A_342 = arith.constant 0 : i32
      %dma_start3A_343 = tpu.memref_slice %arg9[%dma_start3A_328, %dma_start3A_341, %dma_start3A_342] : memref<2x200x128xf32, #tpu.memory_space<vmem>> -> memref<1x200x128xf32, #tpu.memory_space<vmem>>
      %dma_start3A_344 = tpu.memref_squeeze %dma_start3A_343 : memref<1x200x128xf32, #tpu.memory_space<vmem>> -> memref<200x128xf32, #tpu.memory_space<vmem>>
      tpu.enqueue_dma source(%dma_start3A_344 : memref<200x128xf32, #tpu.memory_space<vmem>>) target(%dma_start3A_340 : memref<200x128xf32, #tpu.memory_space<hbm>>) target_semaphore(%arg13 : memref<!tpu.dma_semaphore, #tpu.memory_space<semaphore_mem>>)
    }
    %scan3A_96 = arith.constant 15 : i32
    %dma_wait3A_97 = arith.constant 1 : i32
    %dma_wait3A_98 = arith.constant 0 : i32
    %dma_wait3A_99 = arith.constant 0 : i32
    %dma_wait3A_100 = tpu.memref_slice %arg9[%dma_wait3A_97, %dma_wait3A_98, %dma_wait3A_99] : memref<2x200x128xf32, #tpu.memory_space<vmem>> -> memref<1x200x128xf32, #tpu.memory_space<vmem>>
    %dma_wait3A_101 = tpu.memref_squeeze %dma_wait3A_100 : memref<1x200x128xf32, #tpu.memory_space<vmem>> -> memref<200x128xf32, #tpu.memory_space<vmem>>
    %dma_wait3A_102 = arith.constant 0 : i32
    %dma_wait3A_103 = arith.constant 0 : i32
    %dma_wait3A_104 = tpu.memref_slice %arg3[%dma_wait3A_102, %dma_wait3A_103] : memref<100000x128xf32, #tpu.memory_space<hbm>> -> memref<200x128xf32, #tpu.memory_space<hbm>>
    %dma_wait3A_105 = arith.constant 0 : i32
    %dma_wait3A_106 = arith.constant 0 : i32
    %dma_wait3A_107 = tpu.memref_slice %arg9[%dma_wait3A_97, %dma_wait3A_105, %dma_wait3A_106] : memref<2x200x128xf32, #tpu.memory_space<vmem>> -> memref<1x200x128xf32, #tpu.memory_space<vmem>>
    %dma_wait3A_108 = tpu.memref_squeeze %dma_wait3A_107 : memref<1x200x128xf32, #tpu.memory_space<vmem>> -> memref<200x128xf32, #tpu.memory_space<vmem>>
    %dma_wait3A_109 = arith.constant 0 : i32
    %dma_wait3A_110 = arith.constant 0 : i32
    %dma_wait3A_111 = tpu.memref_slice %arg3[%dma_wait3A_109, %dma_wait3A_110] : memref<100000x128xf32, #tpu.memory_space<hbm>> -> memref<200x128xf32, #tpu.memory_space<hbm>>
    tpu.wait_dma2 semaphore(%arg12 : memref<!tpu.dma_semaphore, #tpu.memory_space<semaphore_mem>>) src(%dma_wait3A_111 : memref<200x128xf32, #tpu.memory_space<hbm>>) dst(%dma_wait3A_108 : memref<200x128xf32, #tpu.memory_space<vmem>>)
    %parallel_loop3A_112 = arith.constant 0 : i32
    %parallel_loop3A_113 = arith.constant 200 : i32
    %parallel_loop3A_114 = arith.constant 1 : i32
    scf.for %parallel_loop3A_170 = %parallel_loop3A_112 to %parallel_loop3A_113 step %parallel_loop3A_114  : i32 {
      %parallel_loop3A_171 = arith.constant 1 : i32
      %parallel_loop3A_172 = arith.index_cast %parallel_loop3A_171 : i32 to index
      %parallel_loop3A_173 = arith.index_cast %parallel_loop3A_170 : i32 to index
      %parallel_loop3A_174 = arith.constant 0 : index
      %parallel_loop3A_175 = tpu.vector_load %arg9[%parallel_loop3A_172, %parallel_loop3A_173, %parallel_loop3A_174] {strides = array<i32>} : memref<2x200x128xf32, #tpu.memory_space<vmem>>, vector<1x1x16xf32>,
      %parallel_loop3A_176 = vector.shape_cast %parallel_loop3A_175 : vector<1x1x16xf32> to vector<16xf32>
      %parallel_loop3A_177 = arith.index_cast %parallel_loop3A_170 : i32 to index
      %parallel_loop3A_178 = arith.constant 0 : index
      %parallel_loop3A_179 = tpu.vector_load %arg10[%parallel_loop3A_177, %parallel_loop3A_178] {strides = array<i32>} : memref<200x128xf32, #tpu.memory_space<vmem>>, vector<1x16xf32>,
      %parallel_loop3A_180 = vector.shape_cast %parallel_loop3A_179 : vector<1x16xf32> to vector<16xf32>
      %parallel_loop3A_181 = arith.addf %parallel_loop3A_176, %parallel_loop3A_180 : vector<16xf32>
      %parallel_loop3A_182 = arith.constant 1 : i32
      %parallel_loop3A_183 = arith.index_cast %parallel_loop3A_182 : i32 to index
      %parallel_loop3A_184 = arith.index_cast %parallel_loop3A_170 : i32 to index
      %parallel_loop3A_185 = arith.constant 0 : index
      %parallel_loop3A_186 = tpu.vector_load %arg9[%parallel_loop3A_183, %parallel_loop3A_184, %parallel_loop3A_185] {strides = array<i32>} : memref<2x200x128xf32, #tpu.memory_space<vmem>>, vector<1x1x16xf32>,
      %parallel_loop3A_187 = vector.shape_cast %parallel_loop3A_186 : vector<1x1x16xf32> to vector<16xf32>
      %parallel_loop3A_188 = vector.shape_cast %parallel_loop3A_181 : vector<16xf32> to vector<1x1x16xf32>
      tpu.vector_store %arg9[%parallel_loop3A_183, %parallel_loop3A_184, %parallel_loop3A_185], %parallel_loop3A_188 {strides = array<i32>} : memref<2x200x128xf32, #tpu.memory_space<vmem>>, vector<1x1x16xf32>,
      %parallel_loop3A_189 = arith.constant 1 : i32
      %parallel_loop3A_190 = arith.index_cast %parallel_loop3A_189 : i32 to index
      %parallel_loop3A_191 = arith.index_cast %parallel_loop3A_170 : i32 to index
      %parallel_loop3A_192 = arith.constant 16 : index
      %parallel_loop3A_193 = tpu.vector_load %arg9[%parallel_loop3A_190, %parallel_loop3A_191, %parallel_loop3A_192] {strides = array<i32>} : memref<2x200x128xf32, #tpu.memory_space<vmem>>, vector<1x1x16xf32>,
      %parallel_loop3A_194 = vector.shape_cast %parallel_loop3A_193 : vector<1x1x16xf32> to vector<16xf32>
      %parallel_loop3A_195 = arith.index_cast %parallel_loop3A_170 : i32 to index
      %parallel_loop3A_196 = arith.constant 16 : index
      %parallel_loop3A_197 = tpu.vector_load %arg10[%parallel_loop3A_195, %parallel_loop3A_196] {strides = array<i32>} : memref<200x128xf32, #tpu.memory_space<vmem>>, vector<1x16xf32>,
      %parallel_loop3A_198 = vector.shape_cast %parallel_loop3A_197 : vector<1x16xf32> to vector<16xf32>
      %parallel_loop3A_199 = arith.addf %parallel_loop3A_194, %parallel_loop3A_198 : vector<16xf32>
      %parallel_loop3A_200 = arith.constant 1 : i32
      %parallel_loop3A_201 = arith.index_cast %parallel_loop3A_200 : i32 to index
      %parallel_loop3A_202 = arith.index_cast %parallel_loop3A_170 : i32 to index
      %parallel_loop3A_203 = arith.constant 16 : index
      %parallel_loop3A_204 = tpu.vector_load %arg9[%parallel_loop3A_201, %parallel_loop3A_202, %parallel_loop3A_203] {strides = array<i32>} : memref<2x200x128xf32, #tpu.memory_space<vmem>>, vector<1x1x16xf32>,
      %parallel_loop3A_205 = vector.shape_cast %parallel_loop3A_204 : vector<1x1x16xf32> to vector<16xf32>
      %parallel_loop3A_206 = vector.shape_cast %parallel_loop3A_199 : vector<16xf32> to vector<1x1x16xf32>
      tpu.vector_store %arg9[%parallel_loop3A_201, %parallel_loop3A_202, %parallel_loop3A_203], %parallel_loop3A_206 {strides = array<i32>} : memref<2x200x128xf32, #tpu.memory_space<vmem>>, vector<1x1x16xf32>,
      %parallel_loop3A_207 = arith.constant 1 : i32
      %parallel_loop3A_208 = arith.index_cast %parallel_loop3A_207 : i32 to index
      %parallel_loop3A_209 = arith.index_cast %parallel_loop3A_170 : i32 to index
      %parallel_loop3A_210 = arith.constant 32 : index
      %parallel_loop3A_211 = tpu.vector_load %arg9[%parallel_loop3A_208, %parallel_loop3A_209, %parallel_loop3A_210] {strides = array<i32>} : memref<2x200x128xf32, #tpu.memory_space<vmem>>, vector<1x1x16xf32>,
      %parallel_loop3A_212 = vector.shape_cast %parallel_loop3A_211 : vector<1x1x16xf32> to vector<16xf32>
      %parallel_loop3A_213 = arith.index_cast %parallel_loop3A_170 : i32 to index
      %parallel_loop3A_214 = arith.constant 32 : index
      %parallel_loop3A_215 = tpu.vector_load %arg10[%parallel_loop3A_213, %parallel_loop3A_214] {strides = array<i32>} : memref<200x128xf32, #tpu.memory_space<vmem>>, vector<1x16xf32>,
      %parallel_loop3A_216 = vector.shape_cast %parallel_loop3A_215 : vector<1x16xf32> to vector<16xf32>
      %parallel_loop3A_217 = arith.addf %parallel_loop3A_212, %parallel_loop3A_216 : vector<16xf32>
      %parallel_loop3A_218 = arith.constant 1 : i32
      %parallel_loop3A_219 = arith.index_cast %parallel_loop3A_218 : i32 to index
      %parallel_loop3A_220 = arith.index_cast %parallel_loop3A_170 : i32 to index
      %parallel_loop3A_221 = arith.constant 32 : index
      %parallel_loop3A_222 = tpu.vector_load %arg9[%parallel_loop3A_219, %parallel_loop3A_220, %parallel_loop3A_221] {strides = array<i32>} : memref<2x200x128xf32, #tpu.memory_space<vmem>>, vector<1x1x16xf32>,
      %parallel_loop3A_223 = vector.shape_cast %parallel_loop3A_222 : vector<1x1x16xf32> to vector<16xf32>
      %parallel_loop3A_224 = vector.shape_cast %parallel_loop3A_217 : vector<16xf32> to vector<1x1x16xf32>
      tpu.vector_store %arg9[%parallel_loop3A_219, %parallel_loop3A_220, %parallel_loop3A_221], %parallel_loop3A_224 {strides = array<i32>} : memref<2x200x128xf32, #tpu.memory_space<vmem>>, vector<1x1x16xf32>,
      %parallel_loop3A_225 = arith.constant 1 : i32
      %parallel_loop3A_226 = arith.index_cast %parallel_loop3A_225 : i32 to index
      %parallel_loop3A_227 = arith.index_cast %parallel_loop3A_170 : i32 to index
      %parallel_loop3A_228 = arith.constant 48 : index
      %parallel_loop3A_229 = tpu.vector_load %arg9[%parallel_loop3A_226, %parallel_loop3A_227, %parallel_loop3A_228] {strides = array<i32>} : memref<2x200x128xf32, #tpu.memory_space<vmem>>, vector<1x1x16xf32>,
      %parallel_loop3A_230 = vector.shape_cast %parallel_loop3A_229 : vector<1x1x16xf32> to vector<16xf32>
      %parallel_loop3A_231 = arith.index_cast %parallel_loop3A_170 : i32 to index
      %parallel_loop3A_232 = arith.constant 48 : index
      %parallel_loop3A_233 = tpu.vector_load %arg10[%parallel_loop3A_231, %parallel_loop3A_232] {strides = array<i32>} : memref<200x128xf32, #tpu.memory_space<vmem>>, vector<1x16xf32>,
      %parallel_loop3A_234 = vector.shape_cast %parallel_loop3A_233 : vector<1x16xf32> to vector<16xf32>
      %parallel_loop3A_235 = arith.addf %parallel_loop3A_230, %parallel_loop3A_234 : vector<16xf32>
      %parallel_loop3A_236 = arith.constant 1 : i32
      %parallel_loop3A_237 = arith.index_cast %parallel_loop3A_236 : i32 to index
      %parallel_loop3A_238 = arith.index_cast %parallel_loop3A_170 : i32 to index
      %parallel_loop3A_239 = arith.constant 48 : index
      %parallel_loop3A_240 = tpu.vector_load %arg9[%parallel_loop3A_237, %parallel_loop3A_238, %parallel_loop3A_239] {strides = array<i32>} : memref<2x200x128xf32, #tpu.memory_space<vmem>>, vector<1x1x16xf32>,
      %parallel_loop3A_241 = vector.shape_cast %parallel_loop3A_240 : vector<1x1x16xf32> to vector<16xf32>
      %parallel_loop3A_242 = vector.shape_cast %parallel_loop3A_235 : vector<16xf32> to vector<1x1x16xf32>
      tpu.vector_store %arg9[%parallel_loop3A_237, %parallel_loop3A_238, %parallel_loop3A_239], %parallel_loop3A_242 {strides = array<i32>} : memref<2x200x128xf32, #tpu.memory_space<vmem>>, vector<1x1x16xf32>,
      %parallel_loop3A_243 = arith.constant 1 : i32
      %parallel_loop3A_244 = arith.index_cast %parallel_loop3A_243 : i32 to index
      %parallel_loop3A_245 = arith.index_cast %parallel_loop3A_170 : i32 to index
      %parallel_loop3A_246 = arith.constant 64 : index
      %parallel_loop3A_247 = tpu.vector_load %arg9[%parallel_loop3A_244, %parallel_loop3A_245, %parallel_loop3A_246] {strides = array<i32>} : memref<2x200x128xf32, #tpu.memory_space<vmem>>, vector<1x1x16xf32>,
      %parallel_loop3A_248 = vector.shape_cast %parallel_loop3A_247 : vector<1x1x16xf32> to vector<16xf32>
      %parallel_loop3A_249 = arith.index_cast %parallel_loop3A_170 : i32 to index
      %parallel_loop3A_250 = arith.constant 64 : index
      %parallel_loop3A_251 = tpu.vector_load %arg10[%parallel_loop3A_249, %parallel_loop3A_250] {strides = array<i32>} : memref<200x128xf32, #tpu.memory_space<vmem>>, vector<1x16xf32>,
      %parallel_loop3A_252 = vector.shape_cast %parallel_loop3A_251 : vector<1x16xf32> to vector<16xf32>
      %parallel_loop3A_253 = arith.addf %parallel_loop3A_248, %parallel_loop3A_252 : vector<16xf32>
      %parallel_loop3A_254 = arith.constant 1 : i32
      %parallel_loop3A_255 = arith.index_cast %parallel_loop3A_254 : i32 to index
      %parallel_loop3A_256 = arith.index_cast %parallel_loop3A_170 : i32 to index
      %parallel_loop3A_257 = arith.constant 64 : index
      %parallel_loop3A_258 = tpu.vector_load %arg9[%parallel_loop3A_255, %parallel_loop3A_256, %parallel_loop3A_257] {strides = array<i32>} : memref<2x200x128xf32, #tpu.memory_space<vmem>>, vector<1x1x16xf32>,
      %parallel_loop3A_259 = vector.shape_cast %parallel_loop3A_258 : vector<1x1x16xf32> to vector<16xf32>
      %parallel_loop3A_260 = vector.shape_cast %parallel_loop3A_253 : vector<16xf32> to vector<1x1x16xf32>
      tpu.vector_store %arg9[%parallel_loop3A_255, %parallel_loop3A_256, %parallel_loop3A_257], %parallel_loop3A_260 {strides = array<i32>} : memref<2x200x128xf32, #tpu.memory_space<vmem>>, vector<1x1x16xf32>,
      %parallel_loop3A_261 = arith.constant 1 : i32
      %parallel_loop3A_262 = arith.index_cast %parallel_loop3A_261 : i32 to index
      %parallel_loop3A_263 = arith.index_cast %parallel_loop3A_170 : i32 to index
      %parallel_loop3A_264 = arith.constant 80 : index
      %parallel_loop3A_265 = tpu.vector_load %arg9[%parallel_loop3A_262, %parallel_loop3A_263, %parallel_loop3A_264] {strides = array<i32>} : memref<2x200x128xf32, #tpu.memory_space<vmem>>, vector<1x1x16xf32>,
      %parallel_loop3A_266 = vector.shape_cast %parallel_loop3A_265 : vector<1x1x16xf32> to vector<16xf32>
      %parallel_loop3A_267 = arith.index_cast %parallel_loop3A_170 : i32 to index
      %parallel_loop3A_268 = arith.constant 80 : index
      %parallel_loop3A_269 = tpu.vector_load %arg10[%parallel_loop3A_267, %parallel_loop3A_268] {strides = array<i32>} : memref<200x128xf32, #tpu.memory_space<vmem>>, vector<1x16xf32>,
      %parallel_loop3A_270 = vector.shape_cast %parallel_loop3A_269 : vector<1x16xf32> to vector<16xf32>
      %parallel_loop3A_271 = arith.addf %parallel_loop3A_266, %parallel_loop3A_270 : vector<16xf32>
      %parallel_loop3A_272 = arith.constant 1 : i32
      %parallel_loop3A_273 = arith.index_cast %parallel_loop3A_272 : i32 to index
      %parallel_loop3A_274 = arith.index_cast %parallel_loop3A_170 : i32 to index
      %parallel_loop3A_275 = arith.constant 80 : index
      %parallel_loop3A_276 = tpu.vector_load %arg9[%parallel_loop3A_273, %parallel_loop3A_274, %parallel_loop3A_275] {strides = array<i32>} : memref<2x200x128xf32, #tpu.memory_space<vmem>>, vector<1x1x16xf32>,
      %parallel_loop3A_277 = vector.shape_cast %parallel_loop3A_276 : vector<1x1x16xf32> to vector<16xf32>
      %parallel_loop3A_278 = vector.shape_cast %parallel_loop3A_271 : vector<16xf32> to vector<1x1x16xf32>
      tpu.vector_store %arg9[%parallel_loop3A_273, %parallel_loop3A_274, %parallel_loop3A_275], %parallel_loop3A_278 {strides = array<i32>} : memref<2x200x128xf32, #tpu.memory_space<vmem>>, vector<1x1x16xf32>,
      %parallel_loop3A_279 = arith.constant 1 : i32
      %parallel_loop3A_280 = arith.index_cast %parallel_loop3A_279 : i32 to index
      %parallel_loop3A_281 = arith.index_cast %parallel_loop3A_170 : i32 to index
      %parallel_loop3A_282 = arith.constant 96 : index
      %parallel_loop3A_283 = tpu.vector_load %arg9[%parallel_loop3A_280, %parallel_loop3A_281, %parallel_loop3A_282] {strides = array<i32>} : memref<2x200x128xf32, #tpu.memory_space<vmem>>, vector<1x1x16xf32>,
      %parallel_loop3A_284 = vector.shape_cast %parallel_loop3A_283 : vector<1x1x16xf32> to vector<16xf32>
      %parallel_loop3A_285 = arith.index_cast %parallel_loop3A_170 : i32 to index
      %parallel_loop3A_286 = arith.constant 96 : index
      %parallel_loop3A_287 = tpu.vector_load %arg10[%parallel_loop3A_285, %parallel_loop3A_286] {strides = array<i32>} : memref<200x128xf32, #tpu.memory_space<vmem>>, vector<1x16xf32>,
      %parallel_loop3A_288 = vector.shape_cast %parallel_loop3A_287 : vector<1x16xf32> to vector<16xf32>
      %parallel_loop3A_289 = arith.addf %parallel_loop3A_284, %parallel_loop3A_288 : vector<16xf32>
      %parallel_loop3A_290 = arith.constant 1 : i32
      %parallel_loop3A_291 = arith.index_cast %parallel_loop3A_290 : i32 to index
      %parallel_loop3A_292 = arith.index_cast %parallel_loop3A_170 : i32 to index
      %parallel_loop3A_293 = arith.constant 96 : index
      %parallel_loop3A_294 = tpu.vector_load %arg9[%parallel_loop3A_291, %parallel_loop3A_292, %parallel_loop3A_293] {strides = array<i32>} : memref<2x200x128xf32, #tpu.memory_space<vmem>>, vector<1x1x16xf32>,
      %parallel_loop3A_295 = vector.shape_cast %parallel_loop3A_294 : vector<1x1x16xf32> to vector<16xf32>
      %parallel_loop3A_296 = vector.shape_cast %parallel_loop3A_289 : vector<16xf32> to vector<1x1x16xf32>
      tpu.vector_store %arg9[%parallel_loop3A_291, %parallel_loop3A_292, %parallel_loop3A_293], %parallel_loop3A_296 {strides = array<i32>} : memref<2x200x128xf32, #tpu.memory_space<vmem>>, vector<1x1x16xf32>,
      %parallel_loop3A_297 = arith.constant 1 : i32
      %parallel_loop3A_298 = arith.index_cast %parallel_loop3A_297 : i32 to index
      %parallel_loop3A_299 = arith.index_cast %parallel_loop3A_170 : i32 to index
      %parallel_loop3A_300 = arith.constant 112 : index
      %parallel_loop3A_301 = tpu.vector_load %arg9[%parallel_loop3A_298, %parallel_loop3A_299, %parallel_loop3A_300] {strides = array<i32>} : memref<2x200x128xf32, #tpu.memory_space<vmem>>, vector<1x1x16xf32>,
      %parallel_loop3A_302 = vector.shape_cast %parallel_loop3A_301 : vector<1x1x16xf32> to vector<16xf32>
      %parallel_loop3A_303 = arith.index_cast %parallel_loop3A_170 : i32 to index
      %parallel_loop3A_304 = arith.constant 112 : index
      %parallel_loop3A_305 = tpu.vector_load %arg10[%parallel_loop3A_303, %parallel_loop3A_304] {strides = array<i32>} : memref<200x128xf32, #tpu.memory_space<vmem>>, vector<1x16xf32>,
      %parallel_loop3A_306 = vector.shape_cast %parallel_loop3A_305 : vector<1x16xf32> to vector<16xf32>
      %parallel_loop3A_307 = arith.addf %parallel_loop3A_302, %parallel_loop3A_306 : vector<16xf32>
      %parallel_loop3A_308 = arith.constant 1 : i32
      %parallel_loop3A_309 = arith.index_cast %parallel_loop3A_308 : i32 to index
      %parallel_loop3A_310 = arith.index_cast %parallel_loop3A_170 : i32 to index
      %parallel_loop3A_311 = arith.constant 112 : index
      %parallel_loop3A_312 = tpu.vector_load %arg9[%parallel_loop3A_309, %parallel_loop3A_310, %parallel_loop3A_311] {strides = array<i32>} : memref<2x200x128xf32, #tpu.memory_space<vmem>>, vector<1x1x16xf32>,
      %parallel_loop3A_313 = vector.shape_cast %parallel_loop3A_312 : vector<1x1x16xf32> to vector<16xf32>
      %parallel_loop3A_314 = vector.shape_cast %parallel_loop3A_307 : vector<16xf32> to vector<1x1x16xf32>
      tpu.vector_store %arg9[%parallel_loop3A_309, %parallel_loop3A_310, %parallel_loop3A_311], %parallel_loop3A_314 {strides = array<i32>} : memref<2x200x128xf32, #tpu.memory_space<vmem>>, vector<1x1x16xf32>,
    } {sc.loop_unroll_factor = 2 : i64, sc.parallel_access}
    %add3A_115 = arith.constant 31 : i32
    %add3A_116 = arith.addi %mul3A_2, %add3A_115 : i32
    %dma_start3A_117 = arith.constant 1 : i32
    %dma_start3A_118 = arith.constant 0 : i32
    %dma_start3A_119 = arith.constant 0 : i32
    %dma_start3A_120 = tpu.memref_slice %arg9[%dma_start3A_117, %dma_start3A_118, %dma_start3A_119] : memref<2x200x128xf32, #tpu.memory_space<vmem>> -> memref<1x200x128xf32, #tpu.memory_space<vmem>>
    %dma_start3A_121 = tpu.memref_squeeze %dma_start3A_120 : memref<1x200x128xf32, #tpu.memory_space<vmem>> -> memref<200x128xf32, #tpu.memory_space<vmem>>
    %dma_start3A_122 = arith.constant 0 : i32
    %dma_start3A_123 = arith.constant 0 : i32
    %dma_start3A_124 = tpu.memref_slice %arg7[%add3A_116, %dma_start3A_122, %dma_start3A_123] : memref<1024x200x128xf32, #tpu.memory_space<hbm>> -> memref<1x200x128xf32, #tpu.memory_space<hbm>>
    %dma_start3A_125 = tpu.memref_squeeze %dma_start3A_124 : memref<1x200x128xf32, #tpu.memory_space<hbm>> -> memref<200x128xf32, #tpu.memory_space<hbm>>
    %dma_start3A_126 = arith.constant 0 : i32
    %dma_start3A_127 = arith.constant 0 : i32
    %dma_start3A_128 = tpu.memref_slice %arg7[%add3A_116, %dma_start3A_126, %dma_start3A_127] : memref<1024x200x128xf32, #tpu.memory_space<hbm>> -> memref<1x200x128xf32, #tpu.memory_space<hbm>>
    %dma_start3A_129 = tpu.memref_squeeze %dma_start3A_128 : memref<1x200x128xf32, #tpu.memory_space<hbm>> -> memref<200x128xf32, #tpu.memory_space<hbm>>
    %dma_start3A_130 = arith.constant 0 : i32
    %dma_start3A_131 = arith.constant 0 : i32
    %dma_start3A_132 = tpu.memref_slice %arg9[%dma_start3A_117, %dma_start3A_130, %dma_start3A_131] : memref<2x200x128xf32, #tpu.memory_space<vmem>> -> memref<1x200x128xf32, #tpu.memory_space<vmem>>
    %dma_start3A_133 = tpu.memref_squeeze %dma_start3A_132 : memref<1x200x128xf32, #tpu.memory_space<vmem>> -> memref<200x128xf32, #tpu.memory_space<vmem>>
    tpu.enqueue_dma source(%dma_start3A_133 : memref<200x128xf32, #tpu.memory_space<vmem>>) target(%dma_start3A_129 : memref<200x128xf32, #tpu.memory_space<hbm>>) target_semaphore(%arg14 : memref<!tpu.dma_semaphore, #tpu.memory_space<semaphore_mem>>)
    %dma_wait3A_134 = arith.constant 0 : i32
    %dma_wait3A_135 = arith.constant 0 : i32
    %dma_wait3A_136 = arith.constant 0 : i32
    %dma_wait3A_137 = arith.constant 0 : i32
    %dma_wait3A_138 = tpu.memref_slice %arg9[%dma_wait3A_134, %dma_wait3A_136, %dma_wait3A_137] : memref<2x200x128xf32, #tpu.memory_space<vmem>> -> memref<1x200x128xf32, #tpu.memory_space<vmem>>
    %dma_wait3A_139 = tpu.memref_squeeze %dma_wait3A_138 : memref<1x200x128xf32, #tpu.memory_space<vmem>> -> memref<200x128xf32, #tpu.memory_space<vmem>>
    %dma_wait3A_140 = arith.constant 0 : i32
    %dma_wait3A_141 = arith.constant 0 : i32
    %dma_wait3A_142 = tpu.memref_slice %arg7[%dma_wait3A_135, %dma_wait3A_140, %dma_wait3A_141] : memref<1024x200x128xf32, #tpu.memory_space<hbm>> -> memref<1x200x128xf32, #tpu.memory_space<hbm>>
    %dma_wait3A_143 = tpu.memref_squeeze %dma_wait3A_142 : memref<1x200x128xf32, #tpu.memory_space<hbm>> -> memref<200x128xf32, #tpu.memory_space<hbm>>
    %dma_wait3A_144 = arith.constant 0 : i32
    %dma_wait3A_145 = arith.constant 0 : i32
    %dma_wait3A_146 = tpu.memref_slice %arg7[%dma_wait3A_135, %dma_wait3A_144, %dma_wait3A_145] : memref<1024x200x128xf32, #tpu.memory_space<hbm>> -> memref<1x200x128xf32, #tpu.memory_space<hbm>>
    %dma_wait3A_147 = tpu.memref_squeeze %dma_wait3A_146 : memref<1x200x128xf32, #tpu.memory_space<hbm>> -> memref<200x128xf32, #tpu.memory_space<hbm>>
    %dma_wait3A_148 = arith.constant 0 : i32
    %dma_wait3A_149 = arith.constant 0 : i32
    %dma_wait3A_150 = tpu.memref_slice %arg9[%dma_wait3A_134, %dma_wait3A_148, %dma_wait3A_149] : memref<2x200x128xf32, #tpu.memory_space<vmem>> -> memref<1x200x128xf32, #tpu.memory_space<vmem>>
    %dma_wait3A_151 = tpu.memref_squeeze %dma_wait3A_150 : memref<1x200x128xf32, #tpu.memory_space<vmem>> -> memref<200x128xf32, #tpu.memory_space<vmem>>
    tpu.wait_dma2 semaphore(%arg13 : memref<!tpu.dma_semaphore, #tpu.memory_space<semaphore_mem>>) src(%dma_wait3A_151 : memref<200x128xf32, #tpu.memory_space<vmem>>) dst(%dma_wait3A_147 : memref<200x128xf32, #tpu.memory_space<hbm>>)
    %dma_wait3A_152 = arith.constant 1 : i32
    %dma_wait3A_153 = arith.constant 0 : i32
    %dma_wait3A_154 = arith.constant 0 : i32
    %dma_wait3A_155 = arith.constant 0 : i32
    %dma_wait3A_156 = tpu.memref_slice %arg9[%dma_wait3A_152, %dma_wait3A_154, %dma_wait3A_155] : memref<2x200x128xf32, #tpu.memory_space<vmem>> -> memref<1x200x128xf32, #tpu.memory_space<vmem>>
    %dma_wait3A_157 = tpu.memref_squeeze %dma_wait3A_156 : memref<1x200x128xf32, #tpu.memory_space<vmem>> -> memref<200x128xf32, #tpu.memory_space<vmem>>
    %dma_wait3A_158 = arith.constant 0 : i32
    %dma_wait3A_159 = arith.constant 0 : i32
    %dma_wait3A_160 = tpu.memref_slice %arg7[%dma_wait3A_153, %dma_wait3A_158, %dma_wait3A_159] : memref<1024x200x128xf32, #tpu.memory_space<hbm>> -> memref<1x200x128xf32, #tpu.memory_space<hbm>>
    %dma_wait3A_161 = tpu.memref_squeeze %dma_wait3A_160 : memref<1x200x128xf32, #tpu.memory_space<hbm>> -> memref<200x128xf32, #tpu.memory_space<hbm>>
    %dma_wait3A_162 = arith.constant 0 : i32
    %dma_wait3A_163 = arith.constant 0 : i32
    %dma_wait3A_164 = tpu.memref_slice %arg7[%dma_wait3A_153, %dma_wait3A_162, %dma_wait3A_163] : memref<1024x200x128xf32, #tpu.memory_space<hbm>> -> memref<1x200x128xf32, #tpu.memory_space<hbm>>
    %dma_wait3A_165 = tpu.memref_squeeze %dma_wait3A_164 : memref<1x200x128xf32, #tpu.memory_space<hbm>> -> memref<200x128xf32, #tpu.memory_space<hbm>>
    %dma_wait3A_166 = arith.constant 0 : i32
    %dma_wait3A_167 = arith.constant 0 : i32
    %dma_wait3A_168 = tpu.memref_slice %arg9[%dma_wait3A_152, %dma_wait3A_166, %dma_wait3A_167] : memref<2x200x128xf32, #tpu.memory_space<vmem>> -> memref<1x200x128xf32, #tpu.memory_space<vmem>>
    %dma_wait3A_169 = tpu.memref_squeeze %dma_wait3A_168 : memref<1x200x128xf32, #tpu.memory_space<vmem>> -> memref<200x128xf32, #tpu.memory_space<vmem>>
    tpu.wait_dma2 semaphore(%arg14 : memref<!tpu.dma_semaphore, #tpu.memory_space<semaphore_mem>>) src(%dma_wait3A_169 : memref<200x128xf32, #tpu.memory_space<vmem>>) dst(%dma_wait3A_165 : memref<200x128xf32, #tpu.memory_space<hbm>>)
    return
  }
}

</mosaic_0001>

<sc_bundles>
// kernel: kernel.3.cloned.1.call-start
scs
__scs_entry_jumppad:
0x0: {  	(pc) =	sbr.rel $0x88, $3  }
0x1: {  	(tag) =	ssettag $0x0;
	lr =	simm.s32 $0x1  }
0x2: {  	[smem:$0x3F9C] =	sst lr;
	_ =	strace $0xD0000000  }
0x3: {  	_ = 	snop  }
0x4: {  	_ = 	snop  }
0x5: {  	_ = 	snop  }
0x6: {  	_ = 	snop  }
0x7: {  	_ = 	snop  }
__scs_overlays_trampoline_lowered:
0x8: {  	[smem:$0x3FAB] =	sst s0  }
0x9: {  	[smem:$0x3FAC] =	sst s1  }
0xa: {  	[smem:$0x3FAD] =	sst s2  }
0xb: {  	[smem:$0x3FAE] =	sst s3  }
0xc: {  	[smem:$0x3FAF] =	sst s4  }
0xd: {  	[smem:$0x3FB0] =	sst s5  }
0xe: {  	[smem:$0x3FB1] =	sst s6  }
0xf: {  	[smem:$0x3FB2] =	sst s7  }
0x10: {  	[smem:$0x3FB3] =	sst s8  }
0x11: {  	[smem:$0x3FB4] =	sst s9;
	s0 =	simm.s32 @!p0 $0x0  }
0x12: {  	s1 =	sld [smem:$0x3F9A];
	s0 =	simm.s32 @p0 $0x1  }
0x13: {  	[smem:$0x3FB5] =	sst s0;
	s0 =	simm.s32 @!p1 $0x0  }
0x14: {  	s2 =	sld [smem:$0x3F99];
	s0 =	simm.s32 @p1 $0x1  }
0x15: {  	[smem:$0x3FB6] =	sst s0;
	s0 =	simm.s32 @!p2 $0x0  }
0x16: {  	s3 =	sld [smem:$0x3FDB];
	s0 =	simm.s32 @p2 $0x1  }
0x17: {  	s4 =	simm.s32 $0x1BF5;
	[smem:$0x3FB8] =	sst s0  }
0x18: {  	s0 =	sld [smem:$0x3F9B];
	_ =	swait.ge [sflag:s4], $0x0  }
0x19: {  	s7 =	sld [smem:$0x3F9C]  }
0x1a: {  	s8 =	sadd.s32 $0xFFFFE003, lr  }
0x1b: {  	s9 =	sadd.s32 $0xFFFFFEF7, lr;
	s5 =	simm.s32 $0xFFFFFFFF;
	p2 =	slt.u32 s8, $0xFFFFF086  }
0x1c: {  	p1 =	slt.u32 s9, $0xF7A;
	s5 =	simm.s32 @!p2 $0x0  }
0x1d: {  	s5 =	simm.s32 @p1 $0x1;
	p0 =	seq.s32 s7, s2  }
0x1e: {  	s7 =	smul.u32 @!p0 $0xF7A, s2;
	p2 =	seq.s32 @!p0 s5, $0x0  }
0x1f: {  	s9 =	smul.u32 $0xF7A, s1;
	s8 =	simm.s32 @!p0 $0x1BF5;
	p2 =	por !p2, p0  }
0x20: {  	[sflag:s8] =	ssyncset.s32 @!p0 $0xFFFFF086;
	s6 =	sadd.s32 @!p0 s3, s7;
	s7 =	simm.s32 @!p0 $0x108  }
0x21: {  	s3 =	sadd.s32 s3, s9;
	s6 =	sadd.s32 @!p0 $0x88, s6;
	s7 =	simm.s32 @p2 $0x1082  }
0x22: {  	[simem:s7], [sflag:s8] =	dma.local @!p0 [hbm:s6], $0xF7A  }
0x23: {  	s9 =	sor.u32 $0xD0000000, s2;
	s6 =	simm.s32 $0x108;
	_ =	swait.ge @!p0 [sflag:s8], $0x0  }
0x24: {  	s3 =	sadd.s32 $0x88, s3;
	s6 =	simm.s32 @!p1 $0x1082;
	[sflag:s4] =	ssyncset.s32 $0xFFFFF086  }
0x25: {  	[simem:s6], [sflag:s4] =	dma.local [hbm:s3], $0xF7A  }
0x26: {  	[smem:$0x3F9C] =	sst s1;
	(tag) =	ssettag s2;
	_ =	strace s9  }
0x27: {  	s1 =	sld [smem:$0x3FAC]  }
0x28: {  	s2 =	sld [smem:$0x3FAD]  }
0x29: {  	s4 =	sld [smem:$0x3FAF]  }
0x2a: {  	p0 =	seq.s32 s5, $0x0;
	s5 =	sld [smem:$0x3FB0]  }
0x2b: {  	s6 =	sld [smem:$0x3FB1]  }
0x2c: {  	s7 =	sld [smem:$0x3FB2]  }
0x2d: {  	s3 =	simm.s32 $0x108;
	s8 =	sld [smem:$0x3FB3]  }
0x2e: {  	s3 =	simm.s32 @!p0 $0x1082;
	s9 =	sld [smem:$0x3FB4]  }
0x2f: {  	lr =	sadd.s32 s0, s3;
	s0 =	sld [smem:$0x3FAB]  }
0x30: {  	s3 =	sld [smem:$0x3FAE]  }
0x31: {  	[smem:$0x3FB7] =	sst s10  }
0x32: {  	s10 =	sld [smem:$0x3FB5];
	_ =	sdelay $0x3  }
0x33: {  	p0 =	seq.s32 s10, $0x1;
	s10 =	sld [smem:$0x3FB7];
	_ =	sdelay $0x3  }
0x34: {  	[smem:$0x3FB7] =	sst s10  }
0x35: {  	s10 =	sld [smem:$0x3FB6];
	_ =	sdelay $0x3  }
0x36: {  	p1 =	seq.s32 s10, $0x1;
	s10 =	sld [smem:$0x3FB7];
	_ =	sdelay $0x3  }
0x37: {  	[smem:$0x3FB7] =	sst s10  }
0x38: {  	s10 =	sld [smem:$0x3FB8]  }
0x39: {  	_ = 	snop;
	(pc) =	sbr.ind lr, $3  }
0x3a: {  	_ = 	snop  }
0x3b: {  	_ = 	snop  }
0x3c: {  	p2 =	seq.s32 s10, $0x1;
	s10 =	sld [smem:$0x3FB7]  }
0x3d: {  	_ =	shalt  }
0x3e: {  	_ =	shalt  }
0x3f: {  	_ =	shalt  }
0x40: {  	_ =	shalt  }
0x41: {  	_ =	shalt  }
0x42: {  	_ =	shalt  }
0x43: {  	_ =	shalt  }
0x44: {  	_ =	shalt  }
0x45: {  	_ =	shalt  }
0x46: {  	_ =	shalt  }
0x47: {  	_ =	shalt  }
0x48: {  	_ =	shalt  }
0x49: {  	_ =	shalt  }
0x4a: {  	_ =	shalt  }
0x4b: {  	_ =	shalt  }
0x4c: {  	_ =	shalt  }
0x4d: {  	_ =	shalt  }
0x4e: {  	_ =	shalt  }
0x4f: {  	_ =	shalt  }
0x50: {  	_ =	shalt  }
0x51: {  	_ =	shalt  }
0x52: {  	_ =	shalt  }
0x53: {  	_ =	shalt  }
0x54: {  	_ =	shalt  }
0x55: {  	_ =	shalt  }
0x56: {  	_ =	shalt  }
0x57: {  	_ =	shalt  }
0x58: {  	_ =	shalt  }
0x59: {  	_ =	shalt  }
0x5a: {  	_ =	shalt  }
0x5b: {  	_ =	shalt  }
0x5c: {  	_ =	shalt  }
0x5d: {  	_ =	shalt  }
0x5e: {  	_ =	shalt  }
0x5f: {  	_ =	shalt  }
0x60: {  	_ =	shalt  }
0x61: {  	_ =	shalt  }
0x62: {  	_ =	shalt  }
0x63: {  	_ =	shalt  }
0x64: {  	_ =	shalt  }
0x65: {  	_ =	shalt  }
0x66: {  	_ =	shalt  }
0x67: {  	_ =	shalt  }
0x68: {  	_ =	shalt  }
0x69: {  	_ =	shalt  }
0x6a: {  	_ =	shalt  }
0x6b: {  	_ =	shalt  }
0x6c: {  	_ =	shalt  }
0x6d: {  	_ =	shalt  }
0x6e: {  	_ =	shalt  }
0x6f: {  	_ =	shalt  }
0x70: {  	_ =	shalt  }
0x71: {  	_ =	shalt  }
0x72: {  	_ =	shalt  }
0x73: {  	_ =	shalt  }
0x74: {  	_ =	shalt  }
0x75: {  	_ =	shalt  }
0x76: {  	_ =	shalt  }
0x77: {  	_ =	shalt  }
0x78: {  	_ =	shalt  }
0x79: {  	_ =	shalt  }
0x7a: {  	_ =	shalt  }
0x7b: {  	_ =	shalt  }
0x7c: {  	_ =	shalt  }
0x7d: {  	_ =	shalt  }
0x7e: {  	_ =	shalt  }
0x7f: {  	_ =	shalt  }
0x80: {  	_ =	shalt  }
0x81: {  	_ =	shalt  }
0x82: {  	_ =	shalt  }
0x83: {  	_ =	shalt  }
0x84: {  	_ =	shalt  }
0x85: {  	_ =	shalt  }
0x86: {  	_ =	shalt  }
0x87: {  	_ =	shalt  }
.Lfunc_end0:
.L_simem_size_0:
called_computation_lowered:
.L_overlay_start_0:
0x88: {  	s2 =	sld [smem:$0x3FD9]  }
0x89: {  	s3 =	sld [smem:$0x3FFE];
	_ =	sdelay $0x1  }
0x8a: {  	s1 =	srdreg.scid  }
0x8b: {  	s0 =	sand.u32 $0x1, s1  }
0x8c: {  	s17 =	sshll.u32 s0, $0xA;
	s2 =	sadd.s32 s3, s2  }
0x8d: {  	s2 =	sadd.s32 s2, s17  }
0x8e: {  	[smem:$0x3FC3] =	sst s2  }
0x8f: {  	_ = 	snop  }
0x90: {  	s2 =	sld [smem:$0x3FC8]  }
0x91: {  	s18 =	sld [smem:$0x3FC7]  }
0x92: {  	s4 =	sld [smem:$0x3FD0];
	(tm) =	ssettm $0x1  }
0x93: {  	s5 =	sld [smem:$0x3FFB];
	_ =	sdelay $0x3  }
0x94: {  	_ =	strace s5  }
0x95: {  	s5 =	sld [smem:$0x3FFC];
	_ =	sdelay $0x3  }
0x96: {  	_ =	strace s5  }
0x97: {  	s5 =	sld [smem:$0x3FFD];
	_ =	sdelay $0x3  }
0x98: {  	_ =	strace s5  }
0x99: {  	_ =	strace $0x8FFFFFFF  }
0x9a: {  	s19 =	sld [smem:$0x3FDB];
	_ =	sdelay $0x1  }
0x9b: {  	s6 =	simm.s32 $_scs_section_size  }
0x9c: {  	s7 =	simm.s32 $_size__tile_overlayer_lowered;
	s8 =	simm.s32 $_tile_overlayer_lowered  }
0x9d: {  	s22 =	simm.s32 $0x1BFF;
	s21 =	sshll.u32 s8, $0x1;
	s5 =	sadd.s32 s6, s19  }
0x9e: {  	s9 =	simm.s32 $0x0;
	s20 =	sshll.u32 s7, $0x1;
	s7 =	sadd.s32 s21, s5  }
0x9f: {  	[timem:s9], [sflag:s22] =	dma.local [hbm:s7], s20  }
0xa0: {  	_ =	swait.ge [sflag:s22], s20  }
0xa1: {  	s6 =	ssub.s32 $0x0, s20;
	[sflag:s22] =	ssyncset.done $0x0  }
0xa2: {  	[sflag:s22] =	ssyncadd.s32 s6;
	_ =	sdelay $0x1  }
0xa3: {  	s23 =	simm.s32 $0x1B8B  }
0xa4: {  	_ =	swait.ge [sflag:s23], $0x1  }
0xa5: {  	[sflag:s23] =	ssyncset.done $0x0  }
0xa6: {  	s25 =	simm.s32 $0x1B8E;
	s24 =	sld [smem:$0x3FFE];
	[sflag:s23] =	ssyncadd.s32 $0xFFFFFFFF  }
0xa7: {  	s26 =	simm.s32 $execute0_lowered;
	[smem:$0x3FD2] =	sst s25  }
0xa8: {  	s7 =	sshll.u32 s26, $0x1;
	_ =	strace $0x80000046;
	[dreg:$0x1] =	wrdreg $0xFFFFFFFF  }
0xa9: {  	s28 =	simm.s32 $_size_execute0_lowered;
	s5 =	sadd.s32 s5, s7;
	[dreg:$0x0] =	wrdreg $0x0  }
0xaa: {  	s7 =	sshll.u32 s28, $0x1;
	[dreg:$0x2] =	wrdreg s5  }
0xab: {  	[dreg:$0x3] =	wrdreg s7  }
0xac: {  	[dreg:$0x4] =	wrdreg $0xC0  }
0xad: {  	_ =	task [dreg:s9], $0x5FFFF  }
0xae: {  	[dreg:$0x1] =	wrdreg $0xFFFFFFFF  }
0xaf: {  	[dreg:$0x0] =	wrdreg $0x60  }
0xb0: {  	[dreg:$0x2] =	wrdreg s24  }
0xb1: {  	[dreg:$0x3] =	wrdreg s2  }
0xb2: {  	[dreg:$0x4] =	wrdreg s18  }
0xb3: {  	[dreg:$0x5] =	wrdreg s4  }
0xb4: {  	[dreg:$0x6] =	wrdreg $0x9  }
0xb5: {  	_ =	task.clear_ibuf [dreg:s9], $0x7FFFF;
	_ =	strace $0x90000046  }
0xb6: {  	s29 =	simm.s32 $0x9;
	_ =	strace $0x80000048  }
0xb7: {  	_ =	swait.ge [sflag:s29], $0x1  }
0xb8: {  	[sflag:s29] =	ssyncadd.s32 $0xFFFFFFFF  }
0xb9: {  	_ =	strace $0x90000048  }
0xba: {  	_ =	sfence  }
0xbb: {  	s30 =	sld [smem:$0x0];
	_ =	sdelay $0x2  }
0xbc: {  	s31 =	sshll.u32 s1, $0xD;
	s1 =	sshrl.u32 s1, $0x2  }
0xbd: {  	s3 =	sand.u32 $0x4000, s31;
	s1 =	sadd.s32 s1, s30  }
0xbe: {  	s0 =	sor.u32 s3, s0;
	s1 =	sshll.u32 s1, $0x11  }
0xbf: {  	s0 =	sor.u32 s1, s0  }
0xc0: {  	s0 =	sadd.s32 $0x8F2B, s0  }
0xc1: {  	[sflag:s0] =	ssyncadd.remote.s32 $0x1  }
0xc2: {  	_ =	sfence.sel $0xFFFF  }
0xc3: {  	[dreg:$0x0] =	wrdreg $0xFFFFFFFF;
	(pc) =	sbr.abs _section_cstart, $3  }
0xc4: {  	[dreg:$0x1] =	wrdreg $0xFFFFFFFF  }
0xc5: {  	_ =	task.clear_ibuf [dreg:s9], $0x2FFFF;
	_ =	strace $0x9FFFFFFF  }
0xc6: {  	(tm) =	ssettm $0x7FFFFFFF  }
0xc7: {  	_ =	shalt  }
tec
execute0_lowered:
.L_overlay_start_1:
0x0: {  	(tag) =	ssettag $0x1  }
0x1: {  	s0 =	rddreg [dreg:$0x0]  }
0x2: {  	s1 =	rddreg [dreg:$0x1];
	s2 =	srdreg.scid  }
0x3: {  	s3 =	stileid.u32;
	s4 =	rddreg [dreg:$0x3]  }
0x4: {  	s5 =	simm.s32 $0x0;
	s11 =	simm.s32 $0x5;
	s12 =	simm.s32 $0x64  }
0x5: {  	s13 =	simm.s32 $0x2000;
	s15 =	simm.s32 $0x5200;
	s17 =	simm.s32 $0x1  }
0x6: {  	s18 =	simm.s32 $0x100;
	s19 =	simm.s32 $0x8400;
	s20 =	simm.s32 $0x180  }
0x7: {  	s21 =	simm.s32 $0xB600;
	s22 =	simm.s32 $0x2;
	s2 =	sand.u32 $0x1, s2  }
0x8: {  	s23 =	simm.s32 $0x3;
	s3 =	sshll.u32 s3, $0x6;
	s6 =	sshll.u32 s2, $0x5  }
0x9: {  	s24 =	simm.s32 $0x4;
	s25 =	simm.s32 $0x0;
	s6 =	sor.u32 s6, s3  }
0xa: {  	[smem:$0x7FF] =	sst s5;
	s2 =	ssub.s32 $0x2, s2;
	s7 =	smul.u32 $0x6400, s6  }
0xb: {  	_ =	strace $0x80000047;
	s30 =	sshrl.u32 s2, $0x1;
	s3 =	sshll.u32 s6, $0x5  }
0xc: {  	s8 =	smul.u32 $0xC80, s6;
	s2 =	ssub.s32 s2, s30;
	s9 =	sshrl.u32 s7, $0x3  }
0xd: {  	s0 =	sadd.s32 s3, s0;
	s10 =	smax.u32 s2, $0x1;
	s31 =	sadd.s32 s4, s9  }
0xe: {  	s7 =	sadd.s32 $0x400, s0;
	s8 =	sadd.s32 s4, s8;
	s9 =	sadd.s32 $0x18380, s31  }
.LBB2_1:
0xf: {  	[tilespmem:s5], [sflag:$0x5] =	stream.linear.gather [hbm4b:s7+s5], $0x2000, $0x38;
	[tilespmem:$0x14C00] =	vst v63  }
0x10: {  	_ =	swait.ge [sflag:s11], $0x2000  }
0x11: {  	[sflag:s11] =	ssyncset.done $0x0  }
0x12: {  	[sflag:s11] =	ssyncadd.s32 $0xFFFFE000  }
0x13: {  	[tilespmem:s13], [sflag:$0x1] =	stream.indirect.gather [hbm4b:s1+s12], $0x80, s5, s12, $0xb8;
	[tilespmem:$0x14C00] =	vst v63  }
0x14: {  	s0 =	simm.s32 $0x80  }
0x15: {  	[tilespmem:s15], [sflag:$0x1] =	stream.indirect.gather [hbm4b:s1+s12], $0x80, s0, s12, $0xb8;
	[tilespmem:$0x14C00] =	vst v63  }
0x16: {  	s2 =	simm.s32 $0xE800;
	s26 =	rddreg [dreg:$0x2]  }
0x17: {  	[tilespmem:s2], [sflag:$0x5] =	stream.linear.gather [hbm4b:s26+s5], $0x6400, $0x38;
	[tilespmem:$0x14C00] =	vst v63  }
0x18: {  	_ =	swait.ge [sflag:s11], $0x6400  }
0x19: {  	[sflag:s11] =	ssyncset.done $0x0  }
0x1a: {  	[sflag:s11] =	ssyncadd.s32 $0xFFFF9C00  }
0x1b: {  	_ =	swait.ge [sflag:s17], $0x6400  }
0x1c: {  	[sflag:s17] =	ssyncset.done $0x0  }
0x1d: {  	s26 =	simm.s32 $0x2080;
	[sflag:s17] =	ssyncadd.s32 $0xFFFF9C00  }
0x1e: {  	s31 =	simm.s32 $0xE880;
	v0 =	vld [tilespmem:s26+$0x0]  }
0x1f: {  	v1 =	vld [tilespmem:s31+$0x0];
	_ =	sdelay $0x3  }
0x20: {  	v2 =	vld [tilespmem:s26+$0xFFFFFF80]  }
0x21: {  	v0 =	vadd.f32 v1, v0;
	v1 =	vld [tilespmem:s31+$0xFFFFFF80];
	_ =	sdelay $0x1  }
0x22: {  	[tilespmem:s26+$0x0] =	vst v0;
	v0 =	vld [tilespmem:s26+$0x10]  }
0x23: {  	v3 =	vld [tilespmem:s31+$0x10];
	_ =	sdelay $0x1  }
0x24: {  	v1 =	vadd.f32 v1, v2;
	_ =	sdelay $0x1  }
0x25: {  	v4 =	vld [tilespmem:s26+$0xFFFFFF90];
	[tilespmem:s26+$0xFFFFFF80] =	vst v1  }
0x26: {  	v0 =	vadd.f32 v3, v0;
	v1 =	vld [tilespmem:s31+$0xFFFFFF90];
	_ =	sdelay $0x1  }
0x27: {  	[tilespmem:s26+$0x10] =	vst v0;
	v0 =	vld [tilespmem:s26+$0x20]  }
0x28: {  	v3 =	vld [tilespmem:s31+$0x20]  }
0x29: {  	v5 =	vld [tilespmem:s26+$0xFFFFFFB0]  }
0x2a: {  	s28 =	simm.s32 $0x2180;
	v6 =	vld [tilespmem:s26+$0xFFFFFFD0];
	v1 =	vadd.f32 v1, v4  }
0x2b: {  	v7 =	vld [tilespmem:s28+$0x0]  }
0x2c: {  	v2 =	vld [tilespmem:s26+$0xFFFFFFA0];
	[tilespmem:s26+$0xFFFFFF90] =	vst v1  }
0x2d: {  	v0 =	vadd.f32 v3, v0;
	v1 =	vld [tilespmem:s31+$0xFFFFFFA0]  }
0x2e: {  	v8 =	vld [tilespmem:s26+$0xFFFFFFE0]  }
0x2f: {  	[tilespmem:s26+$0x20] =	vst v0;
	v0 =	vld [tilespmem:s26+$0x30]  }
0x30: {  	s29 =	simm.s32 $0xE980;
	v3 =	vld [tilespmem:s31+$0x30]  }
0x31: {  	v10 =	vld [tilespmem:s29+$0xFFFFFF80]  }
0x32: {  	v1 =	vadd.f32 v1, v2;
	v2 =	vld [tilespmem:s29+$0x0]  }
0x33: {  	v12 =	vld [tilespmem:s28+$0xFFFFFF90]  }
0x34: {  	s30 =	simm.s32 $0xEA80;
	v13 =	vld [tilespmem:s28+$0xFFFFFFD0]  }
0x35: {  	v15 =	vld [tilespmem:s30+$0xFFFFFF80];
	v0 =	vadd.f32 v3, v0  }
0x36: {  	[tilespmem:s26+$0xFFFFFFA0] =	vst v1;
	v1 =	vld [tilespmem:s26+$0x40]  }
0x37: {  	[tilespmem:s26+$0x30] =	vst v0;
	v2 =	vadd.f32 v2, v7;
	v7 =	vld [tilespmem:s28+$0xFFFFFF80]  }
0x38: {  	s2 =	simm.s32 $0x2280;
	v9 =	vld [tilespmem:s31+$0x40]  }
0x39: {  	v16 =	vld [tilespmem:s2+$0xFFFFFF80]  }
0x3a: {  	v3 =	vld [tilespmem:s31+$0xFFFFFFB0]  }
0x3b: {  	v17 =	vld [tilespmem:s28+$0x50]  }
0x3c: {  	[tilespmem:s28+$0x0] =	vst v2;
	v2 =	vld [tilespmem:s28+$0x10];
	v7 =	vadd.f32 v10, v7  }
0x3d: {  	v11 =	vld [tilespmem:s29+$0x10];
	v1 =	vadd.f32 v9, v1  }
0x3e: {  	v9 =	vld [tilespmem:s26+$0x50];
	[tilespmem:s28+$0xFFFFFF80] =	vst v7  }
0x3f: {  	[tilespmem:s26+$0x40] =	vst v1;
	v1 =	vadd.f32 v3, v5;
	v5 =	vld [tilespmem:s29+$0xFFFFFF90]  }
0x40: {  	v3 =	vld [tilespmem:s31+$0x50]  }
0x41: {  	v60 =	vld [tilespmem:s2+$0xFFFFFFA0]  }
0x42: {  	v4 =	vld [tilespmem:s26+$0xFFFFFFC0];
	v2 =	vadd.f32 v11, v2;
	[tilespmem:s26+$0xFFFFFFB0] =	vst v1  }
0x43: {  	v1 =	vld [tilespmem:s31+$0xFFFFFFC0]  }
0x44: {  	[tilespmem:s28+$0x10] =	vst v2;
	v2 =	vld [tilespmem:s28+$0x20]  }
0x45: {  	v5 =	vadd.f32 v5, v12;
	v3 =	vadd.f32 v3, v9;
	v9 =	vld [tilespmem:s29+$0x20]  }
0x46: {  	v18 =	vld [tilespmem:s28+$0x60];
	v15 =	vadd.f32 v15, v16  }
0x47: {  	v10 =	vld [tilespmem:s28+$0xFFFFFFA0];
	[tilespmem:s28+$0xFFFFFF90] =	vst v5  }
0x48: {  	[tilespmem:s2+$0xFFFFFF80] =	vst v15;
	v1 =	vadd.f32 v1, v4;
	v4 =	vld [tilespmem:s29+$0xFFFFFFA0]  }
0x49: {  	v15 =	vld [tilespmem:s30+$0xFFFFFF90]  }
0x4a: {  	v0 =	vld [tilespmem:s26+$0xFFFFFFF0];
	[tilespmem:s26+$0xFFFFFFC0] =	vst v1;
	v1 =	vadd.f32 v9, v2  }
0x4b: {  	v7 =	vld [tilespmem:s28+$0xFFFFFFB0]  }
0x4c: {  	v5 =	vld [tilespmem:s28+$0x30];
	[tilespmem:s28+$0x20] =	vst v1  }
0x4d: {  	v4 =	vadd.f32 v4, v10;
	v10 =	vld [tilespmem:s29+$0x30]  }
0x4e: {  	v2 =	vld [tilespmem:s31+$0xFFFFFFD0]  }
0x4f: {  	v11 =	vld [tilespmem:s26+$0x60]  }
0x50: {  	v12 =	vld [tilespmem:s28+$0xFFFFFFC0];
	[tilespmem:s26+$0x50] =	vst v3  }
0x51: {  	v3 =	vld [tilespmem:s31+$0x60]  }
0x52: {  	[tilespmem:s28+$0xFFFFFFA0] =	vst v4;
	v4 =	vld [tilespmem:s2+$0x0];
	v5 =	vadd.f32 v10, v5  }
0x53: {  	v2 =	vadd.f32 v2, v6;
	v6 =	vld [tilespmem:s30+$0x0]  }
0x54: {  	v10 =	vld [tilespmem:s28+$0x40];
	[tilespmem:s28+$0x30] =	vst v5  }
0x55: {  	v5 =	vld [tilespmem:s29+$0x40]  }
0x56: {  	v9 =	vld [tilespmem:s26+$0x70];
	v3 =	vadd.f32 v3, v11  }
0x57: {  	v1 =	vld [tilespmem:s28+$0xFFFFFFE0]  }
0x58: {  	[tilespmem:s26+$0x60] =	vst v3;
	v3 =	vld [tilespmem:s29+$0xFFFFFFB0];
	v4 =	vadd.f32 v6, v4  }
0x59: {  	v6 =	vld [tilespmem:s2+$0xFFFFFF90]  }
0x5a: {  	[tilespmem:s2+$0x0] =	vst v4;
	v4 =	vld [tilespmem:s2+$0x10];
	v5 =	vadd.f32 v5, v10  }
0x5b: {  	v10 =	vld [tilespmem:s30+$0x10]  }
0x5c: {  	v11 =	vld [tilespmem:s31+$0x70];
	[tilespmem:s28+$0x40] =	vst v5  }
0x5d: {  	v3 =	vadd.f32 v3, v7;
	v7 =	vld [tilespmem:s29+$0x50]  }
0x5e: {  	[tilespmem:s26+$0xFFFFFFD0] =	vst v2;
	v2 =	vld [tilespmem:s28+$0xFFFFFFF0]  }
0x5f: {  	v14 =	vld [tilespmem:s31+$0xFFFFFFE0];
	[tilespmem:s28+$0xFFFFFFB0] =	vst v3;
	v6 =	vadd.f32 v15, v6  }
0x60: {  	v3 =	vadd.f32 v10, v4;
	v10 =	vld [tilespmem:s29+$0xFFFFFFC0]  }
0x61: {  	[tilespmem:s2+$0xFFFFFF90] =	vst v6;
	v6 =	vld [tilespmem:s2+$0xFFFFFFE0]  }
0x62: {  	v5 =	vld [tilespmem:s2+$0xFFFFFFB0];
	[tilespmem:s2+$0x10] =	vst v3;
	v3 =	vadd.f32 v7, v17  }
0x63: {  	v7 =	vld [tilespmem:s2+$0x20]  }
0x64: {  	v15 =	vld [tilespmem:s30+$0x20];
	[tilespmem:s28+$0x50] =	vst v3  }
0x65: {  	v10 =	vadd.f32 v10, v12;
	v12 =	vld [tilespmem:s29+$0x60]  }
0x66: {  	v61 =	vld [tilespmem:s30+$0xFFFFFFA0]  }
0x67: {  	v4 =	vld [tilespmem:s2+$0xFFFFFFC0];
	[tilespmem:s28+$0xFFFFFFC0] =	vst v10  }
0x68: {  	v10 =	vld [tilespmem:s29+$0xFFFFFFD0]  }
0x69: {  	v3 =	vld [tilespmem:s2+$0xFFFFFFD0];
	v7 =	vadd.f32 v15, v7  }
0x6a: {  	v15 =	vld [tilespmem:s28+$0x70];
	v12 =	vadd.f32 v12, v18  }
0x6b: {  	[tilespmem:s2+$0x20] =	vst v7;
	v7 =	vadd.f32 v14, v8;
	v14 =	vld [tilespmem:s2+$0x30]  }
0x6c: {  	v8 =	vadd.f32 v61, v60;
	v62 =	vld [tilespmem:s30+$0x30];
	[tilespmem:s28+$0x60] =	vst v12  }
0x6d: {  	[tilespmem:s26+$0xFFFFFFE0] =	vst v7;
	v7 =	vadd.f32 v10, v13;
	v63 =	vld [tilespmem:s29+$0x70]  }
0x6e: {  	[tilespmem:s2+$0xFFFFFFA0] =	vst v8;
	v8 =	vld [tilespmem:s31+$0xFFFFFFF0]  }
0x6f: {  	v12 =	vld [tilespmem:s30+$0xFFFFFFB0];
	[tilespmem:s28+$0xFFFFFFD0] =	vst v7  }
0x70: {  	v10 =	vadd.f32 v11, v9;
	v9 =	vld [tilespmem:s29+$0xFFFFFFE0]  }
0x71: {  	v7 =	vld [tilespmem:s2+$0xFFFFFFF0];
	v13 =	vadd.f32 v62, v14  }
0x72: {  	s3 =	simm.s32 $0x4;
	s14 =	simm.s32 $0x2380;
	s0 =	simm.s32 $0xEA80;
	[tilespmem:s26+$0x70] =	vst v10;
	v10 =	vld [tilespmem:s2+$0x40];
	v11 =	vadd.f32 v63, v15  }
.LBB2_2:
0x73: {  	v14 =	vld [tilespmem:s14+$0x0];
	[tilespmem:s2+$0x30] =	vst v13;
	s30 =	sadd.s32 $0x100, s30;
	v8 =	vadd.f32 v8, v0;
	v0 =	vmov v2  }
0x74: {  	v13 =	vld [tilespmem:s30+$0x0];
	v12 =	vadd.f32 v12, v5;
	[tilespmem:s28+$0x70] =	vst v11  }
0x75: {  	s3 =	sadd.s32 $0x2, s3;
	v5 =	vld [tilespmem:s0+$0x40];
	v9 =	vadd.f32 v9, v1;
	[tilespmem:s26+$0xFFFFFFF0] =	vst v8;
	v1 =	vmov v6;
	s26 =	smov.u32 s28;
	s28 =	smov.u32 s2  }
0x76: {  	p0 =	slt.u32 s3, $0x62;
	s2 =	smov.u32 s14;
	v6 =	vld [tilespmem:s30+$0xFFFFFF80];
	[tilespmem:s28+$0xFFFFFFB0] =	vst v12;
	v2 =	vmov v7  }
0x77: {  	v7 =	vld [tilespmem:s14+$0xFFFFFF80];
	[tilespmem:s26+$0xFFFFFFE0] =	vst v9  }
0x78: {  	v8 =	vld [tilespmem:s14+$0xFFFFFF90]  }
0x79: {  	v9 =	vld [tilespmem:s14+$0xFFFFFFA0];
	v11 =	vadd.f32 v13, v14  }
0x7a: {  	v5 =	vadd.f32 v5, v10;
	v10 =	vld [tilespmem:s28+$0x50]  }
0x7b: {  	[tilespmem:s14+$0x0] =	vst v11;
	v11 =	vld [tilespmem:s14+$0x10]  }
0x7c: {  	v6 =	vadd.f32 v6, v7;
	v7 =	vld [tilespmem:s30+$0x10];
	[tilespmem:s28+$0x40] =	vst v5  }
0x7d: {  	v12 =	vld [tilespmem:s0+$0x50]  }
0x7e: {  	[tilespmem:s14+$0xFFFFFF80] =	vst v6;
	v5 =	vld [tilespmem:s14+$0xFFFFFFB0]  }
0x7f: {  	v6 =	vld [tilespmem:s30+$0xFFFFFF90]  }
0x80: {  	v13 =	vld [tilespmem:s0+$0xFFFFFFC0]  }
0x81: {  	v14 =	vld [tilespmem:s14+$0xFFFFFFC0];
	v7 =	vadd.f32 v7, v11  }
0x82: {  	v10 =	vadd.f32 v12, v10;
	v11 =	vld [tilespmem:s28+$0x60]  }
0x83: {  	[tilespmem:s14+$0x10] =	vst v7;
	v7 =	vld [tilespmem:s14+$0x20]  }
0x84: {  	v6 =	vadd.f32 v6, v8;
	v8 =	vld [tilespmem:s30+$0x20];
	[tilespmem:s28+$0x50] =	vst v10  }
0x85: {  	v10 =	vadd.f32 v13, v4;
	v12 =	vld [tilespmem:s0+$0x60]  }
0x86: {  	[tilespmem:s14+$0xFFFFFF90] =	vst v6;
	v13 =	vld [tilespmem:s14+$0xFFFFFFD0];
	v4 =	vmov v14  }
0x87: {  	v14 =	vld [tilespmem:s30+$0xFFFFFFA0];
	[tilespmem:s28+$0xFFFFFFC0] =	vst v10  }
0x88: {  	v10 =	vld [tilespmem:s0+$0xFFFFFFD0]  }
0x89: {  	v6 =	vld [tilespmem:s14+$0xFFFFFFE0];
	v7 =	vadd.f32 v8, v7  }
0x8a: {  	v8 =	vadd.f32 v12, v11;
	v11 =	vld [tilespmem:s28+$0x70]  }
0x8b: {  	[tilespmem:s14+$0x20] =	vst v7;
	v15 =	vld [tilespmem:s14+$0x30]  }
0x8c: {  	v7 =	vadd.f32 v14, v9;
	v14 =	vld [tilespmem:s30+$0x30];
	[tilespmem:s28+$0x60] =	vst v8  }
0x8d: {  	v9 =	vadd.f32 v10, v3;
	v16 =	vld [tilespmem:s0+$0x70];
	v3 =	vmov v13  }
.Ltmp0:
0x8e: {  	[tilespmem:s14+$0xFFFFFFA0] =	vst v7;
	v8 =	vld [tilespmem:s29+$0xFFFFFFF0];
	s29 =	smov.u32 s0;
	s0 =	smov.u32 s30;
	(pc) =	sbr.rel @p0 .LBB2_2-.Ltmp0, $4  }
0x8f: {  	v12 =	vld [tilespmem:s30+$0xFFFFFFB0];
	[tilespmem:s28+$0xFFFFFFD0] =	vst v9  }
0x90: {  	v9 =	vld [tilespmem:s29+$0xFFFFFFE0]  }
0x91: {  	v7 =	vld [tilespmem:s14+$0xFFFFFFF0];
	v13 =	vadd.f32 v14, v15  }
0x92: {  	s14 =	sadd.s32 $0x100, s14;
	v10 =	vld [tilespmem:s2+$0x40];
	v11 =	vadd.f32 v16, v11  }
0x93: {  	_ = 	snop  }
0x94: {  	[tilespmem:s2+$0x30] =	vst v13;
	v5 =	vadd.f32 v12, v5  }
0x95: {  	v12 =	vld [tilespmem:s0+$0x40]  }
0x96: {  	[tilespmem:s2+$0xFFFFFFB0] =	vst v5  }
0x97: {  	v5 =	vld [tilespmem:s0+$0xFFFFFFC0];
	_ =	sdelay $0x2  }
0x98: {  	v10 =	vadd.f32 v12, v10;
	_ =	sdelay $0x1  }
0x99: {  	v12 =	vld [tilespmem:s2+$0x50];
	[tilespmem:s2+$0x40] =	vst v10;
	v4 =	vadd.f32 v5, v4  }
0x9a: {  	v5 =	vld [tilespmem:s0+$0x50]  }
0x9b: {  	[tilespmem:s2+$0xFFFFFFC0] =	vst v4  }
0x9c: {  	v4 =	vld [tilespmem:s0+$0xFFFFFFD0];
	_ =	sdelay $0x2  }
0x9d: {  	v5 =	vadd.f32 v5, v12;
	_ =	sdelay $0x1  }
0x9e: {  	v10 =	vld [tilespmem:s2+$0x60];
	[tilespmem:s2+$0x50] =	vst v5;
	v3 =	vadd.f32 v4, v3  }
0x9f: {  	v4 =	vld [tilespmem:s0+$0x60]  }
0xa0: {  	[tilespmem:s2+$0xFFFFFFD0] =	vst v3  }
0xa1: {  	v3 =	vld [tilespmem:s0+$0xFFFFFFE0];
	_ =	sdelay $0x2  }
0xa2: {  	v4 =	vadd.f32 v4, v10  }
0xa3: {  	v1 =	vadd.f32 v9, v1  }
0xa4: {  	v5 =	vld [tilespmem:s2+$0x70];
	[tilespmem:s2+$0x60] =	vst v4;
	v3 =	vadd.f32 v3, v6  }
0xa5: {  	[tilespmem:s28+$0xFFFFFFE0] =	vst v1;
	v1 =	vld [tilespmem:s0+$0x70]  }
0xa6: {  	v4 =	vld [tilespmem:s29+$0xFFFFFFF0];
	[tilespmem:s2+$0xFFFFFFE0] =	vst v3  }
0xa7: {  	v3 =	vld [tilespmem:s0+$0xFFFFFFF0];
	_ =	sdelay $0x1  }
0xa8: {  	v0 =	vadd.f32 v8, v0  }
0xa9: {  	[tilespmem:s28+$0x70] =	vst v11;
	v1 =	vadd.f32 v1, v5  }
0xaa: {  	[tilespmem:s26+$0xFFFFFFF0] =	vst v0;
	v0 =	vadd.f32 v4, v2  }
0xab: {  	[tilespmem:s2+$0x70] =	vst v1;
	v1 =	vadd.f32 v3, v7  }
0xac: {  	[tilespmem:s28+$0xFFFFFFF0] =	vst v0  }
0xad: {  	[tilespmem:s2+$0xFFFFFFF0] =	vst v1  }
0xae: {  	[tilespmem:s19], [sflag:$0x2] =	stream.indirect.gather [hbm4b:s1+s12], $0x80, s18, s12, $0xb8;
	[tilespmem:$0x14C00] =	vst v63  }
0xaf: {  	s26 =	simm.s32 $0x52F0  }
0xb0: {  	[tilespmem:s21], [sflag:$0x2] =	stream.indirect.gather [hbm4b:s1+s12], $0x80, s20, s12, $0xb8;
	[tilespmem:$0x14C00] =	vst v63  }
0xb1: {  	s31 =	simm.s32 $0x11AF0;
	v0 =	vld [tilespmem:s26+$0xFFFFFF90]  }
0xb2: {  	v1 =	vld [tilespmem:s31+$0xFFFFFF90];
	_ =	sdelay $0x3  }
0xb3: {  	v2 =	vld [tilespmem:s26+$0xFFFFFF10]  }
0xb4: {  	v0 =	vadd.f32 v1, v0;
	v1 =	vld [tilespmem:s31+$0xFFFFFF10];
	_ =	sdelay $0x1  }
0xb5: {  	[tilespmem:s26+$0xFFFFFF90] =	vst v0;
	v0 =	vld [tilespmem:s26+$0xFFFFFFA0]  }
0xb6: {  	v3 =	vld [tilespmem:s31+$0xFFFFFFA0];
	_ =	sdelay $0x1  }
0xb7: {  	v1 =	vadd.f32 v1, v2;
	_ =	sdelay $0x1  }
0xb8: {  	v4 =	vld [tilespmem:s26+$0xFFFFFF20];
	[tilespmem:s26+$0xFFFFFF10] =	vst v1  }
0xb9: {  	v0 =	vadd.f32 v3, v0;
	v1 =	vld [tilespmem:s31+$0xFFFFFF20];
	_ =	sdelay $0x1  }
0xba: {  	[tilespmem:s26+$0xFFFFFFA0] =	vst v0;
	v0 =	vld [tilespmem:s26+$0xFFFFFFB0]  }
0xbb: {  	v3 =	vld [tilespmem:s31+$0xFFFFFFB0]  }
0xbc: {  	v5 =	vld [tilespmem:s26+$0xFFFFFF40]  }
0xbd: {  	s28 =	simm.s32 $0x53F0;
	v6 =	vld [tilespmem:s26+$0xFFFFFF60];
	v1 =	vadd.f32 v1, v4  }
0xbe: {  	v7 =	vld [tilespmem:s28+$0xFFFFFF90]  }
0xbf: {  	v2 =	vld [tilespmem:s26+$0xFFFFFF30];
	[tilespmem:s26+$0xFFFFFF20] =	vst v1  }
0xc0: {  	v0 =	vadd.f32 v3, v0;
	v1 =	vld [tilespmem:s31+$0xFFFFFF30]  }
0xc1: {  	v8 =	vld [tilespmem:s26+$0xFFFFFF70]  }
0xc2: {  	[tilespmem:s26+$0xFFFFFFB0] =	vst v0;
	v0 =	vld [tilespmem:s26+$0xFFFFFFC0]  }
0xc3: {  	s29 =	simm.s32 $0x11BF0;
	v3 =	vld [tilespmem:s31+$0xFFFFFFC0]  }
0xc4: {  	v10 =	vld [tilespmem:s29+$0xFFFFFF10]  }
0xc5: {  	v1 =	vadd.f32 v1, v2;
	v2 =	vld [tilespmem:s29+$0xFFFFFF90]  }
0xc6: {  	v12 =	vld [tilespmem:s28+$0xFFFFFF20]  }
0xc7: {  	s30 =	simm.s32 $0x11CF0;
	v13 =	vld [tilespmem:s28+$0xFFFFFF60]  }
0xc8: {  	v15 =	vld [tilespmem:s30+$0xFFFFFF10];
	v0 =	vadd.f32 v3, v0  }
0xc9: {  	[tilespmem:s26+$0xFFFFFF30] =	vst v1;
	v1 =	vld [tilespmem:s26+$0xFFFFFFD0]  }
0xca: {  	[tilespmem:s26+$0xFFFFFFC0] =	vst v0;
	v2 =	vadd.f32 v2, v7;
	v7 =	vld [tilespmem:s28+$0xFFFFFF10]  }
0xcb: {  	s2 =	simm.s32 $0x54F0;
	v9 =	vld [tilespmem:s31+$0xFFFFFFD0]  }
0xcc: {  	v16 =	vld [tilespmem:s2+$0xFFFFFF10]  }
0xcd: {  	v3 =	vld [tilespmem:s31+$0xFFFFFF40]  }
0xce: {  	v17 =	vld [tilespmem:s28+$0xFFFFFFE0]  }
0xcf: {  	[tilespmem:s28+$0xFFFFFF90] =	vst v2;
	v2 =	vld [tilespmem:s28+$0xFFFFFFA0];
	v7 =	vadd.f32 v10, v7  }
0xd0: {  	v11 =	vld [tilespmem:s29+$0xFFFFFFA0];
	v1 =	vadd.f32 v9, v1  }
0xd1: {  	v9 =	vld [tilespmem:s26+$0xFFFFFFE0];
	[tilespmem:s28+$0xFFFFFF10] =	vst v7  }
0xd2: {  	[tilespmem:s26+$0xFFFFFFD0] =	vst v1;
	v1 =	vadd.f32 v3, v5;
	v5 =	vld [tilespmem:s29+$0xFFFFFF20]  }
0xd3: {  	v3 =	vld [tilespmem:s31+$0xFFFFFFE0]  }
0xd4: {  	v60 =	vld [tilespmem:s2+$0xFFFFFF30]  }
0xd5: {  	v4 =	vld [tilespmem:s26+$0xFFFFFF50];
	v2 =	vadd.f32 v11, v2;
	[tilespmem:s26+$0xFFFFFF40] =	vst v1  }
0xd6: {  	v1 =	vld [tilespmem:s31+$0xFFFFFF50]  }
0xd7: {  	[tilespmem:s28+$0xFFFFFFA0] =	vst v2;
	v2 =	vld [tilespmem:s28+$0xFFFFFFB0]  }
0xd8: {  	v5 =	vadd.f32 v5, v12;
	v3 =	vadd.f32 v3, v9;
	v9 =	vld [tilespmem:s29+$0xFFFFFFB0]  }
0xd9: {  	v18 =	vld [tilespmem:s28+$0xFFFFFFF0];
	v15 =	vadd.f32 v15, v16  }
0xda: {  	v10 =	vld [tilespmem:s28+$0xFFFFFF30];
	[tilespmem:s28+$0xFFFFFF20] =	vst v5  }
0xdb: {  	[tilespmem:s2+$0xFFFFFF10] =	vst v15;
	v1 =	vadd.f32 v1, v4;
	v4 =	vld [tilespmem:s29+$0xFFFFFF30]  }
0xdc: {  	v15 =	vld [tilespmem:s30+$0xFFFFFF20]  }
0xdd: {  	v0 =	vld [tilespmem:s26+$0xFFFFFF80];
	[tilespmem:s26+$0xFFFFFF50] =	vst v1;
	v1 =	vadd.f32 v9, v2  }
0xde: {  	v7 =	vld [tilespmem:s28+$0xFFFFFF40]  }
0xdf: {  	v5 =	vld [tilespmem:s28+$0xFFFFFFC0];
	[tilespmem:s28+$0xFFFFFFB0] =	vst v1  }
0xe0: {  	v4 =	vadd.f32 v4, v10;
	v10 =	vld [tilespmem:s29+$0xFFFFFFC0]  }
0xe1: {  	v2 =	vld [tilespmem:s31+$0xFFFFFF60]  }
0xe2: {  	v11 =	vld [tilespmem:s26+$0xFFFFFFF0]  }
0xe3: {  	v12 =	vld [tilespmem:s28+$0xFFFFFF50];
	[tilespmem:s26+$0xFFFFFFE0] =	vst v3  }
0xe4: {  	v3 =	vld [tilespmem:s31+$0xFFFFFFF0]  }
0xe5: {  	[tilespmem:s28+$0xFFFFFF30] =	vst v4;
	v4 =	vld [tilespmem:s2+$0xFFFFFF90];
	v5 =	vadd.f32 v10, v5  }
0xe6: {  	v2 =	vadd.f32 v2, v6;
	v6 =	vld [tilespmem:s30+$0xFFFFFF90]  }
0xe7: {  	v10 =	vld [tilespmem:s28+$0xFFFFFFD0];
	[tilespmem:s28+$0xFFFFFFC0] =	vst v5  }
0xe8: {  	v5 =	vld [tilespmem:s29+$0xFFFFFFD0]  }
0xe9: {  	v9 =	vld [tilespmem:s26+$0x0];
	v3 =	vadd.f32 v3, v11  }
0xea: {  	v1 =	vld [tilespmem:s28+$0xFFFFFF70]  }
0xeb: {  	[tilespmem:s26+$0xFFFFFFF0] =	vst v3;
	v3 =	vld [tilespmem:s29+$0xFFFFFF40];
	v4 =	vadd.f32 v6, v4  }
0xec: {  	v6 =	vld [tilespmem:s2+$0xFFFFFF20]  }
0xed: {  	[tilespmem:s2+$0xFFFFFF90] =	vst v4;
	v4 =	vld [tilespmem:s2+$0xFFFFFFA0];
	v5 =	vadd.f32 v5, v10  }
0xee: {  	v10 =	vld [tilespmem:s30+$0xFFFFFFA0]  }
0xef: {  	v11 =	vld [tilespmem:s31+$0x0];
	[tilespmem:s28+$0xFFFFFFD0] =	vst v5  }
0xf0: {  	v3 =	vadd.f32 v3, v7;
	v7 =	vld [tilespmem:s29+$0xFFFFFFE0]  }
0xf1: {  	[tilespmem:s26+$0xFFFFFF60] =	vst v2;
	v2 =	vld [tilespmem:s28+$0xFFFFFF80]  }
0xf2: {  	v14 =	vld [tilespmem:s31+$0xFFFFFF70];
	[tilespmem:s28+$0xFFFFFF40] =	vst v3;
	v6 =	vadd.f32 v15, v6  }
0xf3: {  	v3 =	vadd.f32 v10, v4;
	v10 =	vld [tilespmem:s29+$0xFFFFFF50]  }
0xf4: {  	[tilespmem:s2+$0xFFFFFF20] =	vst v6;
	v6 =	vld [tilespmem:s2+$0xFFFFFF70]  }
0xf5: {  	v5 =	vld [tilespmem:s2+$0xFFFFFF40];
	[tilespmem:s2+$0xFFFFFFA0] =	vst v3;
	v3 =	vadd.f32 v7, v17  }
0xf6: {  	v7 =	vld [tilespmem:s2+$0xFFFFFFB0]  }
0xf7: {  	v15 =	vld [tilespmem:s30+$0xFFFFFFB0];
	[tilespmem:s28+$0xFFFFFFE0] =	vst v3  }
0xf8: {  	v10 =	vadd.f32 v10, v12;
	v12 =	vld [tilespmem:s29+$0xFFFFFFF0]  }
0xf9: {  	v61 =	vld [tilespmem:s30+$0xFFFFFF30]  }
0xfa: {  	v4 =	vld [tilespmem:s2+$0xFFFFFF50];
	[tilespmem:s28+$0xFFFFFF50] =	vst v10  }
0xfb: {  	v10 =	vld [tilespmem:s29+$0xFFFFFF60]  }
0xfc: {  	v3 =	vld [tilespmem:s2+$0xFFFFFF60];
	v7 =	vadd.f32 v15, v7  }
0xfd: {  	v15 =	vld [tilespmem:s28+$0x0];
	v12 =	vadd.f32 v12, v18  }
0xfe: {  	[tilespmem:s2+$0xFFFFFFB0] =	vst v7;
	v7 =	vadd.f32 v14, v8;
	v14 =	vld [tilespmem:s2+$0xFFFFFFC0]  }
0xff: {  	v8 =	vadd.f32 v61, v60;
	v62 =	vld [tilespmem:s30+$0xFFFFFFC0];
	[tilespmem:s28+$0xFFFFFFF0] =	vst v12  }
0x100: {  	[tilespmem:s26+$0xFFFFFF70] =	vst v7;
	v7 =	vadd.f32 v10, v13;
	v63 =	vld [tilespmem:s29+$0x0]  }
0x101: {  	[tilespmem:s2+$0xFFFFFF30] =	vst v8;
	v8 =	vld [tilespmem:s31+$0xFFFFFF80]  }
0x102: {  	v12 =	vld [tilespmem:s30+$0xFFFFFF40];
	[tilespmem:s28+$0xFFFFFF60] =	vst v7  }
0x103: {  	v10 =	vadd.f32 v11, v9;
	v9 =	vld [tilespmem:s29+$0xFFFFFF70]  }
0x104: {  	v7 =	vld [tilespmem:s2+$0xFFFFFF80];
	v13 =	vadd.f32 v62, v14  }
0x105: {  	s3 =	simm.s32 $0x68;
	s14 =	simm.s32 $0x55F0;
	s0 =	simm.s32 $0x11CF0;
	[tilespmem:s26+$0x0] =	vst v10;
	v10 =	vld [tilespmem:s2+$0xFFFFFFD0];
	v11 =	vadd.f32 v63, v15  }
.LBB2_4:
0x106: {  	v14 =	vld [tilespmem:s14+$0xFFFFFF90];
	[tilespmem:s2+$0xFFFFFFC0] =	vst v13;
	s30 =	sadd.s32 $0x100, s30;
	v8 =	vadd.f32 v8, v0;
	v0 =	vmov v2  }
0x107: {  	v13 =	vld [tilespmem:s30+$0xFFFFFF90];
	v12 =	vadd.f32 v12, v5;
	[tilespmem:s28+$0x0] =	vst v11  }
0x108: {  	s3 =	sadd.s32 $0x2, s3;
	v5 =	vld [tilespmem:s0+$0xFFFFFFD0];
	v9 =	vadd.f32 v9, v1;
	[tilespmem:s26+$0xFFFFFF80] =	vst v8;
	v1 =	vmov v6;
	s26 =	smov.u32 s28;
	s28 =	smov.u32 s2  }
0x109: {  	p0 =	slt.u32 s3, $0xC6;
	s2 =	smov.u32 s14;
	v6 =	vld [tilespmem:s30+$0xFFFFFF10];
	[tilespmem:s28+$0xFFFFFF40] =	vst v12;
	v2 =	vmov v7  }
0x10a: {  	v7 =	vld [tilespmem:s14+$0xFFFFFF10];
	[tilespmem:s26+$0xFFFFFF70] =	vst v9  }
0x10b: {  	v8 =	vld [tilespmem:s14+$0xFFFFFF20]  }
0x10c: {  	v9 =	vld [tilespmem:s14+$0xFFFFFF30];
	v11 =	vadd.f32 v13, v14  }
0x10d: {  	v5 =	vadd.f32 v5, v10;
	v10 =	vld [tilespmem:s28+$0xFFFFFFE0]  }
0x10e: {  	[tilespmem:s14+$0xFFFFFF90] =	vst v11;
	v11 =	vld [tilespmem:s14+$0xFFFFFFA0]  }
0x10f: {  	v6 =	vadd.f32 v6, v7;
	v7 =	vld [tilespmem:s30+$0xFFFFFFA0];
	[tilespmem:s28+$0xFFFFFFD0] =	vst v5  }
0x110: {  	v12 =	vld [tilespmem:s0+$0xFFFFFFE0]  }
0x111: {  	[tilespmem:s14+$0xFFFFFF10] =	vst v6;
	v5 =	vld [tilespmem:s14+$0xFFFFFF40]  }
0x112: {  	v6 =	vld [tilespmem:s30+$0xFFFFFF20]  }
0x113: {  	v13 =	vld [tilespmem:s0+$0xFFFFFF50]  }
0x114: {  	v14 =	vld [tilespmem:s14+$0xFFFFFF50];
	v7 =	vadd.f32 v7, v11  }
0x115: {  	v10 =	vadd.f32 v12, v10;
	v11 =	vld [tilespmem:s28+$0xFFFFFFF0]  }
0x116: {  	[tilespmem:s14+$0xFFFFFFA0] =	vst v7;
	v7 =	vld [tilespmem:s14+$0xFFFFFFB0]  }
0x117: {  	v6 =	vadd.f32 v6, v8;
	v8 =	vld [tilespmem:s30+$0xFFFFFFB0];
	[tilespmem:s28+$0xFFFFFFE0] =	vst v10  }
0x118: {  	v10 =	vadd.f32 v13, v4;
	v12 =	vld [tilespmem:s0+$0xFFFFFFF0]  }
0x119: {  	[tilespmem:s14+$0xFFFFFF20] =	vst v6;
	v13 =	vld [tilespmem:s14+$0xFFFFFF60];
	v4 =	vmov v14  }
0x11a: {  	v14 =	vld [tilespmem:s30+$0xFFFFFF30];
	[tilespmem:s28+$0xFFFFFF50] =	vst v10  }
0x11b: {  	v10 =	vld [tilespmem:s0+$0xFFFFFF60]  }
0x11c: {  	v6 =	vld [tilespmem:s14+$0xFFFFFF70];
	v7 =	vadd.f32 v8, v7  }
0x11d: {  	v8 =	vadd.f32 v12, v11;
	v11 =	vld [tilespmem:s28+$0x0]  }
0x11e: {  	[tilespmem:s14+$0xFFFFFFB0] =	vst v7;
	v15 =	vld [tilespmem:s14+$0xFFFFFFC0]  }
0x11f: {  	v7 =	vadd.f32 v14, v9;
	v14 =	vld [tilespmem:s30+$0xFFFFFFC0];
	[tilespmem:s28+$0xFFFFFFF0] =	vst v8  }
0x120: {  	v9 =	vadd.f32 v10, v3;
	v16 =	vld [tilespmem:s0+$0x0];
	v3 =	vmov v13  }
.Ltmp1:
0x121: {  	[tilespmem:s14+$0xFFFFFF30] =	vst v7;
	v8 =	vld [tilespmem:s29+$0xFFFFFF80];
	s29 =	smov.u32 s0;
	s0 =	smov.u32 s30;
	(pc) =	sbr.rel @p0 .LBB2_4-.Ltmp1, $4  }
0x122: {  	v12 =	vld [tilespmem:s30+$0xFFFFFF40];
	[tilespmem:s28+$0xFFFFFF60] =	vst v9  }
0x123: {  	v9 =	vld [tilespmem:s29+$0xFFFFFF70]  }
0x124: {  	v7 =	vld [tilespmem:s14+$0xFFFFFF80];
	v13 =	vadd.f32 v14, v15  }
0x125: {  	s14 =	sadd.s32 $0x100, s14;
	v10 =	vld [tilespmem:s2+$0xFFFFFFD0];
	v11 =	vadd.f32 v16, v11  }
0x126: {  	_ = 	snop  }
0x127: {  	v5 =	vadd.f32 v12, v5  }
0x128: {  	[tilespmem:s2+$0xFFFFFFC0] =	vst v13  }
0x129: {  	v54 =	vld [tilespmem:s0+$0xFFFFFFD0];
	[tilespmem:s2+$0xFFFFFF40] =	vst v5  }
0x12a: {  	v5 =	vld [tilespmem:s0+$0xFFFFFF50];
	_ =	sdelay $0x3  }
0x12b: {  	v10 =	vadd.f32 v54, v10  }
0x12c: {  	v4 =	vadd.f32 v5, v4  }
0x12d: {  	v55 =	vld [tilespmem:s2+$0xFFFFFFE0];
	[tilespmem:s2+$0xFFFFFFD0] =	vst v10  }
0x12e: {  	v56 =	vld [tilespmem:s0+$0xFFFFFFE0];
	[tilespmem:s2+$0xFFFFFF50] =	vst v4  }
0x12f: {  	v4 =	vld [tilespmem:s0+$0xFFFFFF60];
	_ =	sdelay $0x3  }
0x130: {  	v5 =	vadd.f32 v56, v55  }
0x131: {  	v3 =	vadd.f32 v4, v3  }
0x132: {  	v57 =	vld [tilespmem:s2+$0xFFFFFFF0];
	[tilespmem:s2+$0xFFFFFFE0] =	vst v5  }
0x133: {  	v58 =	vld [tilespmem:s0+$0xFFFFFFF0];
	[tilespmem:s2+$0xFFFFFF60] =	vst v3  }
0x134: {  	v3 =	vld [tilespmem:s0+$0xFFFFFF70];
	_ =	sdelay $0x2  }
0x135: {  	v1 =	vadd.f32 v9, v1  }
0x136: {  	v4 =	vadd.f32 v58, v57  }
0x137: {  	v59 =	vld [tilespmem:s2+$0x0];
	[tilespmem:s28+$0xFFFFFF70] =	vst v1;
	v3 =	vadd.f32 v3, v6  }
0x138: {  	v61 =	vld [tilespmem:s29+$0xFFFFFF80];
	[tilespmem:s2+$0xFFFFFFF0] =	vst v4  }
0x139: {  	v60 =	vld [tilespmem:s0+$0x0];
	[tilespmem:s2+$0xFFFFFF70] =	vst v3  }
0x13a: {  	v3 =	vld [tilespmem:s0+$0xFFFFFF80];
	_ =	sdelay $0x1  }
0x13b: {  	v0 =	vadd.f32 v8, v0  }
0x13c: {  	[tilespmem:s28+$0x0] =	vst v11;
	v62 =	vadd.f32 v61, v2  }
0x13d: {  	[tilespmem:s26+$0xFFFFFF80] =	vst v0;
	v1 =	vadd.f32 v60, v59  }
0x13e: {  	[tilespmem:s28+$0xFFFFFF80] =	vst v62;
	v63 =	vadd.f32 v3, v7  }
0x13f: {  	[tilespmem:s2+$0x0] =	vst v1  }
0x140: {  	s26 =	simm.s32 $0x0;
	[tilespmem:s2+$0xFFFFFF80] =	vst v63  }
0x141: {  	[hbm4b:s8+s26] =	stream.linear.scatter [tilespmem:s13], [sflag:$0x3], $0x6400, $0x38;
	[tilespmem:$0x14C00] =	vst v63  }
.LBB2_6:
0x142: {  	_ =	swait.ge [sflag:s22], $0x6400  }
0x143: {  	[sflag:s22] =	ssyncset.done $0x0  }
0x144: {  	s0 =	simm.s32 $0x0;
	[sflag:s22] =	ssyncadd.s32 $0xFFFF9C00  }
0x145: {  	v0 =	vld [tilespmem:s0+$0x8400]  }
0x146: {  	v1 =	vld [tilespmem:s0+$0xE800]  }
0x147: {  	v2 =	vld [tilespmem:s0+$0x8410]  }
0x148: {  	v3 =	vld [tilespmem:s0+$0xE810]  }
0x149: {  	v4 =	vld [tilespmem:s0+$0x8420]  }
0x14a: {  	v5 =	vld [tilespmem:s0+$0xE820]  }
0x14b: {  	v6 =	vld [tilespmem:s0+$0xE830]  }
0x14c: {  	v7 =	vld [tilespmem:s0+$0x84F0]  }
0x14d: {  	v8 =	vld [tilespmem:s0+$0xE8F0]  }
0x14e: {  	v63 =	vld [tilespmem:s0+$0x8470];
	v0 =	vadd.f32 v1, v0  }
0x14f: {  	v1 =	vld [tilespmem:s0+$0x8430]  }
0x150: {  	[tilespmem:s0+$0x8400] =	vst v0;
	v0 =	vadd.f32 v3, v2;
	v2 =	vld [tilespmem:s0+$0x8440]  }
0x151: {  	v3 =	vld [tilespmem:s0+$0xE840]  }
0x152: {  	[tilespmem:s0+$0x8410] =	vst v0;
	v0 =	vadd.f32 v5, v4;
	v4 =	vld [tilespmem:s0+$0x8450]  }
0x153: {  	v5 =	vld [tilespmem:s0+$0xE850]  }
0x154: {  	[tilespmem:s0+$0x8420] =	vst v0;
	v0 =	vadd.f32 v6, v1;
	v6 =	vld [tilespmem:s0+$0x8460]  }
0x155: {  	v1 =	vadd.f32 v8, v7;
	v7 =	vld [tilespmem:s0+$0xE860]  }
0x156: {  	[tilespmem:s0+$0x8430] =	vst v0;
	v0 =	vld [tilespmem:s0+$0x8480]  }
0x157: {  	[tilespmem:s0+$0x84F0] =	vst v1;
	v1 =	vld [tilespmem:s0+$0xE880]  }
0x158: {  	v9 =	vld [tilespmem:s0+$0x8490]  }
0x159: {  	v10 =	vld [tilespmem:s0+$0xE890]  }
0x15a: {  	v11 =	vld [tilespmem:s0+$0x84A0]  }
0x15b: {  	v12 =	vld [tilespmem:s0+$0xE8A0];
	v4 =	vadd.f32 v5, v4;
	v5 =	vadd.f32 v7, v6  }
0x15c: {  	v0 =	vadd.f32 v1, v0;
	v1 =	vadd.f32 v3, v2;
	v3 =	vld [tilespmem:s0+$0xE870]  }
0x15d: {  	v13 =	vld [tilespmem:s0+$0x84B0];
	[tilespmem:s0+$0x8450] =	vst v4  }
0x15e: {  	v14 =	vld [tilespmem:s0+$0xE8B0];
	[tilespmem:s0+$0x8460] =	vst v5  }
0x15f: {  	v2 =	vadd.f32 v10, v9;
	[tilespmem:s0+$0x8480] =	vst v0;
	v0 =	vld [tilespmem:s0+$0x84C0]  }
0x160: {  	v4 =	vadd.f32 v12, v11;
	[tilespmem:s0+$0x8440] =	vst v1;
	v1 =	vld [tilespmem:s0+$0xE8C0]  }
0x161: {  	[tilespmem:s0+$0x8490] =	vst v2;
	v2 =	vld [tilespmem:s0+$0x84D0];
	v5 =	vadd.f32 v3, v63  }
0x162: {  	[tilespmem:s0+$0x84A0] =	vst v4;
	v3 =	vld [tilespmem:s0+$0xE8D0]  }
0x163: {  	s2 =	simm.s32 $0x0;
	s3 =	simm.s32 $0x400;
	v4 =	vld [tilespmem:s0+$0x84E0];
	[tilespmem:s0+$0x8470] =	vst v5;
	v5 =	vadd.f32 v14, v13  }
.LBB2_7:
0x164: {  	s14 =	sshra.s32 s3, $0x2;
	v6 =	vld [tilespmem:s0+$0xE8E0]  }
0x165: {  	s2 =	sadd.s32 $0x2, s2;
	v7 =	vld [tilespmem:s14+$0x84F0];
	[tilespmem:s0+$0x84B0] =	vst v5;
	v0 =	vadd.f32 v1, v0  }
0x166: {  	p0 =	slt.u32 s2, $0x62;
	v1 =	vld [tilespmem:s14+$0xE8F0]  }
0x167: {  	v5 =	vld [tilespmem:s14+$0x8400];
	[tilespmem:s0+$0x84C0] =	vst v0;
	v0 =	vadd.f32 v3, v2  }
0x168: {  	v2 =	vld [tilespmem:s14+$0xE800]  }
0x169: {  	v3 =	vld [tilespmem:s14+$0x8410];
	[tilespmem:s0+$0x84D0] =	vst v0;
	v0 =	vadd.f32 v6, v4  }
0x16a: {  	v4 =	vld [tilespmem:s14+$0xE810]  }
0x16b: {  	v6 =	vld [tilespmem:s14+$0x8420];
	v1 =	vadd.f32 v1, v7;
	[tilespmem:s0+$0x84E0] =	vst v0;
	s0 =	smov.u32 s14  }
0x16c: {  	v0 =	vld [tilespmem:s0+$0xE820]  }
0x16d: {  	v2 =	vadd.f32 v2, v5;
	v5 =	vld [tilespmem:s0+$0x8430];
	[tilespmem:s0+$0x84F0] =	vst v1  }
0x16e: {  	v1 =	vld [tilespmem:s0+$0xE830]  }
0x16f: {  	[tilespmem:s0+$0x8400] =	vst v2;
	v2 =	vadd.f32 v4, v3;
	v3 =	vld [tilespmem:s0+$0x8440]  }
0x170: {  	v4 =	vld [tilespmem:s0+$0xE840]  }
0x171: {  	[tilespmem:s0+$0x8410] =	vst v2;
	v0 =	vadd.f32 v0, v6;
	v2 =	vld [tilespmem:s0+$0x8450]  }
0x172: {  	v6 =	vld [tilespmem:s0+$0xE850]  }
0x173: {  	[tilespmem:s0+$0x8420] =	vst v0;
	v0 =	vadd.f32 v1, v5;
	v1 =	vld [tilespmem:s0+$0x8460]  }
0x174: {  	v5 =	vld [tilespmem:s0+$0xE860]  }
0x175: {  	[tilespmem:s0+$0x8430] =	vst v0;
	v0 =	vadd.f32 v4, v3;
	v3 =	vld [tilespmem:s0+$0x8470]  }
0x176: {  	v4 =	vld [tilespmem:s0+$0xE870]  }
0x177: {  	[tilespmem:s0+$0x8440] =	vst v0;
	v0 =	vadd.f32 v6, v2;
	v2 =	vld [tilespmem:s0+$0x8480]  }
0x178: {  	v6 =	vld [tilespmem:s0+$0xE880]  }
0x179: {  	[tilespmem:s0+$0x8450] =	vst v0;
	v0 =	vadd.f32 v5, v1;
	v1 =	vld [tilespmem:s0+$0x8490]  }
0x17a: {  	v5 =	vld [tilespmem:s0+$0xE890]  }
0x17b: {  	[tilespmem:s0+$0x8460] =	vst v0;
	v0 =	vadd.f32 v4, v3;
	v3 =	vld [tilespmem:s0+$0x84A0]  }
0x17c: {  	v4 =	vld [tilespmem:s0+$0xE8A0]  }
0x17d: {  	[tilespmem:s0+$0x8470] =	vst v0;
	v0 =	vadd.f32 v6, v2;
	v6 =	vld [tilespmem:s0+$0x84B0]  }
0x17e: {  	v7 =	vld [tilespmem:s0+$0xE8B0]  }
.Ltmp2:
0x17f: {  	[tilespmem:s0+$0x8480] =	vst v0;
	v2 =	vadd.f32 v5, v1;
	v0 =	vld [tilespmem:s0+$0x84C0];
	(pc) =	sbr.rel @p0 .LBB2_7-.Ltmp2, $4  }
0x180: {  	v1 =	vld [tilespmem:s0+$0xE8C0]  }
0x181: {  	[tilespmem:s0+$0x8490] =	vst v2;
	v4 =	vadd.f32 v4, v3;
	v2 =	vld [tilespmem:s0+$0x84D0]  }
0x182: {  	v3 =	vld [tilespmem:s0+$0xE8D0]  }
0x183: {  	s3 =	sadd.s32 $0x400, s3;
	[tilespmem:s0+$0x84A0] =	vst v4;
	v5 =	vadd.f32 v7, v6;
	v4 =	vld [tilespmem:s0+$0x84E0]  }
0x184: {  	v6 =	vld [tilespmem:s0+$0xE8E0];
	_ =	sdelay $0x2  }
0x185: {  	v0 =	vadd.f32 v1, v0  }
0x186: {  	[tilespmem:s0+$0x84B0] =	vst v5;
	v1 =	vadd.f32 v3, v2  }
0x187: {  	[tilespmem:s0+$0x84C0] =	vst v0;
	v0 =	vadd.f32 v6, v4  }
0x188: {  	[tilespmem:s0+$0x84D0] =	vst v1  }
0x189: {  	[tilespmem:s0+$0x84E0] =	vst v0;
	s0 =	sshll.u32 s26, $0x1  }
0x18a: {  	_ =	swait.ge [sflag:s23], $0x6400;
	s28 =	sadd.s32 $0x2, s0  }
0x18b: {  	[sflag:s23] =	ssyncset.done $0x0;
	s2 =	sshll.u32 s28, $0x8  }
0x18c: {  	[sflag:s23] =	ssyncadd.s32 $0xFFFF9C00;
	s2 =	sand.u32 $0x3FFFFE00, s2  }
0x18d: {  	[tilespmem:s13], [sflag:$0x1] =	stream.indirect.gather [hbm4b:s1+s12], $0x80, s2, s12, $0xb8;
	[tilespmem:$0x14C00] =	vst v63  }
0x18e: {  	s2 =	sor.u32 $0x80, s2  }
0x18f: {  	[tilespmem:s15], [sflag:$0x1] =	stream.indirect.gather [hbm4b:s1+s12], $0x80, s2, s12, $0xb8;
	[tilespmem:$0x14C00] =	vst v63  }
0x190: {  	s2 =	simm.s32 $0x0  }
0x191: {  	v0 =	vld [tilespmem:s2+$0xB600]  }
0x192: {  	v1 =	vld [tilespmem:s2+$0x11A00]  }
0x193: {  	v2 =	vld [tilespmem:s2+$0xB610]  }
0x194: {  	v3 =	vld [tilespmem:s2+$0x11A10]  }
0x195: {  	v4 =	vld [tilespmem:s2+$0xB620]  }
0x196: {  	v5 =	vld [tilespmem:s2+$0x11A20]  }
0x197: {  	v6 =	vld [tilespmem:s2+$0x11A30]  }
0x198: {  	v7 =	vld [tilespmem:s2+$0xB6F0]  }
0x199: {  	v8 =	vld [tilespmem:s2+$0x11AF0]  }
0x19a: {  	v62 =	vld [tilespmem:s2+$0x11A80]  }
0x19b: {  	v9 =	vld [tilespmem:s2+$0xB690]  }
0x19c: {  	v10 =	vld [tilespmem:s2+$0x11A90]  }
0x19d: {  	v11 =	vld [tilespmem:s2+$0xB6A0];
	v0 =	vadd.f32 v1, v0  }
0x19e: {  	v1 =	vld [tilespmem:s2+$0xB630]  }
0x19f: {  	v12 =	vld [tilespmem:s2+$0x11AA0];
	[tilespmem:s2+$0xB600] =	vst v0;
	v0 =	vadd.f32 v3, v2  }
0x1a0: {  	v2 =	vld [tilespmem:s2+$0xB640]  }
0x1a1: {  	v3 =	vld [tilespmem:s2+$0x11A40];
	[tilespmem:s2+$0xB610] =	vst v0;
	v0 =	vadd.f32 v5, v4  }
0x1a2: {  	v4 =	vld [tilespmem:s2+$0xB650]  }
0x1a3: {  	v5 =	vld [tilespmem:s2+$0x11A50];
	[tilespmem:s2+$0xB620] =	vst v0;
	v0 =	vadd.f32 v6, v1  }
0x1a4: {  	v1 =	vld [tilespmem:s2+$0xB660]  }
0x1a5: {  	[tilespmem:s2+$0xB630] =	vst v0;
	v0 =	vld [tilespmem:s2+$0xB680]  }
0x1a6: {  	v6 =	vadd.f32 v8, v7;
	v7 =	vld [tilespmem:s2+$0x11A60]  }
0x1a7: {  	v9 =	vadd.f32 v10, v9;
	v2 =	vadd.f32 v3, v2;
	v3 =	vld [tilespmem:s2+$0x11A70]  }
0x1a8: {  	[tilespmem:s2+$0xB6F0] =	vst v6;
	v6 =	vld [tilespmem:s2+$0xB670]  }
0x1a9: {  	v63 =	vld [tilespmem:s2+$0xB6B0];
	[tilespmem:s2+$0xB690] =	vst v9;
	v4 =	vadd.f32 v5, v4  }
0x1aa: {  	v13 =	vld [tilespmem:s2+$0x11AB0];
	[tilespmem:s2+$0xB640] =	vst v2;
	v0 =	vadd.f32 v62, v0  }
0x1ab: {  	v2 =	vld [tilespmem:s2+$0x11AC0];
	v5 =	vadd.f32 v7, v1;
	[tilespmem:s2+$0xB650] =	vst v4  }
0x1ac: {  	v4 =	vadd.f32 v12, v11;
	[tilespmem:s2+$0xB680] =	vst v0;
	v0 =	vld [tilespmem:s2+$0xB6C0]  }
0x1ad: {  	v1 =	vld [tilespmem:s2+$0xB6D0];
	[tilespmem:s2+$0xB660] =	vst v5;
	v5 =	vadd.f32 v3, v6  }
0x1ae: {  	v3 =	vld [tilespmem:s2+$0x11AD0];
	[tilespmem:s2+$0xB6A0] =	vst v4  }
0x1af: {  	s3 =	simm.s32 $0x64;
	s14 =	simm.s32 $0x400;
	v4 =	vld [tilespmem:s2+$0xB6E0];
	[tilespmem:s2+$0xB670] =	vst v5;
	v5 =	vadd.f32 v13, v63  }
.LBB2_9:
0x1b0: {  	s16 =	sshra.s32 s14, $0x2;
	v6 =	vld [tilespmem:s2+$0x11AE0]  }
0x1b1: {  	s3 =	sadd.s32 $0x2, s3;
	v7 =	vld [tilespmem:s16+$0xB6F0];
	[tilespmem:s2+$0xB6B0] =	vst v5;
	v0 =	vadd.f32 v2, v0  }
0x1b2: {  	p0 =	slt.u32 s3, $0xC6;
	v2 =	vld [tilespmem:s16+$0x11AF0]  }
0x1b3: {  	v5 =	vld [tilespmem:s16+$0xB600];
	[tilespmem:s2+$0xB6C0] =	vst v0;
	v0 =	vadd.f32 v3, v1  }
0x1b4: {  	v1 =	vld [tilespmem:s16+$0x11A00]  }
0x1b5: {  	v3 =	vld [tilespmem:s16+$0xB610];
	[tilespmem:s2+$0xB6D0] =	vst v0;
	v0 =	vadd.f32 v6, v4  }
0x1b6: {  	v4 =	vld [tilespmem:s16+$0x11A10]  }
0x1b7: {  	v6 =	vld [tilespmem:s16+$0xB620];
	v2 =	vadd.f32 v2, v7;
	[tilespmem:s2+$0xB6E0] =	vst v0;
	s2 =	smov.u32 s16  }
0x1b8: {  	v0 =	vld [tilespmem:s2+$0x11A20]  }
0x1b9: {  	v1 =	vadd.f32 v1, v5;
	v5 =	vld [tilespmem:s2+$0xB630];
	[tilespmem:s2+$0xB6F0] =	vst v2  }
0x1ba: {  	v2 =	vld [tilespmem:s2+$0x11A30]  }
0x1bb: {  	[tilespmem:s2+$0xB600] =	vst v1;
	v1 =	vadd.f32 v4, v3;
	v3 =	vld [tilespmem:s2+$0xB640]  }
0x1bc: {  	v4 =	vld [tilespmem:s2+$0x11A40]  }
0x1bd: {  	[tilespmem:s2+$0xB610] =	vst v1;
	v0 =	vadd.f32 v0, v6;
	v1 =	vld [tilespmem:s2+$0xB650]  }
0x1be: {  	v6 =	vld [tilespmem:s2+$0x11A50]  }
0x1bf: {  	[tilespmem:s2+$0xB620] =	vst v0;
	v0 =	vadd.f32 v2, v5;
	v2 =	vld [tilespmem:s2+$0xB660]  }
0x1c0: {  	v5 =	vld [tilespmem:s2+$0x11A60]  }
0x1c1: {  	[tilespmem:s2+$0xB630] =	vst v0;
	v0 =	vadd.f32 v4, v3;
	v3 =	vld [tilespmem:s2+$0xB670]  }
0x1c2: {  	v4 =	vld [tilespmem:s2+$0x11A70]  }
0x1c3: {  	[tilespmem:s2+$0xB640] =	vst v0;
	v0 =	vadd.f32 v6, v1;
	v1 =	vld [tilespmem:s2+$0xB680]  }
0x1c4: {  	v6 =	vld [tilespmem:s2+$0x11A80]  }
0x1c5: {  	[tilespmem:s2+$0xB650] =	vst v0;
	v0 =	vadd.f32 v5, v2;
	v2 =	vld [tilespmem:s2+$0xB690]  }
0x1c6: {  	v5 =	vld [tilespmem:s2+$0x11A90]  }
0x1c7: {  	[tilespmem:s2+$0xB660] =	vst v0;
	v0 =	vadd.f32 v4, v3;
	v3 =	vld [tilespmem:s2+$0xB6A0]  }
0x1c8: {  	v4 =	vld [tilespmem:s2+$0x11AA0]  }
0x1c9: {  	[tilespmem:s2+$0xB670] =	vst v0;
	v0 =	vadd.f32 v6, v1;
	v6 =	vld [tilespmem:s2+$0xB6B0]  }
0x1ca: {  	v7 =	vld [tilespmem:s2+$0x11AB0]  }
.Ltmp3:
0x1cb: {  	[tilespmem:s2+$0xB680] =	vst v0;
	v1 =	vadd.f32 v5, v2;
	v0 =	vld [tilespmem:s2+$0xB6C0];
	(pc) =	sbr.rel @p0 .LBB2_9-.Ltmp3, $4  }
0x1cc: {  	v2 =	vld [tilespmem:s2+$0x11AC0]  }
0x1cd: {  	[tilespmem:s2+$0xB690] =	vst v1;
	v4 =	vadd.f32 v4, v3;
	v1 =	vld [tilespmem:s2+$0xB6D0]  }
0x1ce: {  	v3 =	vld [tilespmem:s2+$0x11AD0]  }
0x1cf: {  	s14 =	sadd.s32 $0x400, s14;
	[tilespmem:s2+$0xB6A0] =	vst v4;
	v5 =	vadd.f32 v7, v6;
	v4 =	vld [tilespmem:s2+$0xB6E0]  }
0x1d0: {  	v6 =	vld [tilespmem:s2+$0x11AE0];
	_ =	sdelay $0x2  }
0x1d1: {  	s0 =	sadd.s32 s0, s6;
	v0 =	vadd.f32 v2, v0  }
0x1d2: {  	[tilespmem:s2+$0xB6B0] =	vst v5;
	s0 =	smul.u32 $0xC80, s0;
	v1 =	vadd.f32 v3, v1  }
0x1d3: {  	[tilespmem:s2+$0xB6C0] =	vst v0;
	v0 =	vadd.f32 v6, v4  }
0x1d4: {  	s0 =	sadd.s32 s4, s0;
	[tilespmem:s2+$0xB6D0] =	vst v1  }
0x1d5: {  	s0 =	sadd.s32 $0xC80, s0;
	[tilespmem:s2+$0xB6E0] =	vst v0  }
0x1d6: {  	[hbm4b:s0+s5] =	stream.linear.scatter [tilespmem:s19], [sflag:$0x4], $0x6400, $0x38;
	[tilespmem:$0x14C00] =	vst v63  }
0x1d7: {  	_ =	swait.ge [sflag:s17], $0x6400  }
0x1d8: {  	[sflag:s17] =	ssyncset.done $0x0  }
0x1d9: {  	s29 =	simm.s32 $0x2080;
	[sflag:s17] =	ssyncadd.s32 $0xFFFF9C00  }
0x1da: {  	s3 =	simm.s32 $0xE880;
	v0 =	vld [tilespmem:s29+$0x0]  }
0x1db: {  	v1 =	vld [tilespmem:s3+$0x0];
	_ =	sdelay $0x3  }
0x1dc: {  	v2 =	vld [tilespmem:s29+$0xFFFFFF80]  }
0x1dd: {  	v0 =	vadd.f32 v1, v0;
	v1 =	vld [tilespmem:s3+$0xFFFFFF80];
	_ =	sdelay $0x1  }
0x1de: {  	[tilespmem:s29+$0x0] =	vst v0;
	v0 =	vld [tilespmem:s29+$0x10]  }
0x1df: {  	v3 =	vld [tilespmem:s3+$0x10];
	_ =	sdelay $0x1  }
0x1e0: {  	v1 =	vadd.f32 v1, v2;
	_ =	sdelay $0x1  }
0x1e1: {  	v4 =	vld [tilespmem:s29+$0xFFFFFF90];
	[tilespmem:s29+$0xFFFFFF80] =	vst v1  }
0x1e2: {  	v0 =	vadd.f32 v3, v0;
	v1 =	vld [tilespmem:s3+$0xFFFFFF90];
	_ =	sdelay $0x1  }
0x1e3: {  	[tilespmem:s29+$0x10] =	vst v0;
	v0 =	vld [tilespmem:s29+$0x20]  }
0x1e4: {  	v3 =	vld [tilespmem:s3+$0x20]  }
0x1e5: {  	v5 =	vld [tilespmem:s29+$0xFFFFFFB0]  }
0x1e6: {  	s30 =	simm.s32 $0x2180;
	v6 =	vld [tilespmem:s29+$0xFFFFFFD0];
	v1 =	vadd.f32 v1, v4  }
0x1e7: {  	v7 =	vld [tilespmem:s30+$0x0]  }
0x1e8: {  	v2 =	vld [tilespmem:s29+$0xFFFFFFA0];
	[tilespmem:s29+$0xFFFFFF90] =	vst v1  }
0x1e9: {  	v0 =	vadd.f32 v3, v0;
	v1 =	vld [tilespmem:s3+$0xFFFFFFA0]  }
0x1ea: {  	v8 =	vld [tilespmem:s29+$0xFFFFFFE0]  }
0x1eb: {  	[tilespmem:s29+$0x20] =	vst v0;
	v0 =	vld [tilespmem:s29+$0x30]  }
0x1ec: {  	s31 =	simm.s32 $0xE980;
	v3 =	vld [tilespmem:s3+$0x30]  }
0x1ed: {  	v10 =	vld [tilespmem:s31+$0xFFFFFF80]  }
0x1ee: {  	v1 =	vadd.f32 v1, v2;
	v2 =	vld [tilespmem:s31+$0x0]  }
0x1ef: {  	v12 =	vld [tilespmem:s30+$0xFFFFFF90]  }
0x1f0: {  	s0 =	simm.s32 $0xEA80;
	v13 =	vld [tilespmem:s30+$0xFFFFFFD0]  }
0x1f1: {  	v15 =	vld [tilespmem:s0+$0xFFFFFF80];
	v0 =	vadd.f32 v3, v0  }
0x1f2: {  	[tilespmem:s29+$0xFFFFFFA0] =	vst v1;
	v1 =	vld [tilespmem:s29+$0x40]  }
0x1f3: {  	[tilespmem:s29+$0x30] =	vst v0;
	v2 =	vadd.f32 v2, v7;
	v7 =	vld [tilespmem:s30+$0xFFFFFF80]  }
0x1f4: {  	s2 =	simm.s32 $0x2280;
	v9 =	vld [tilespmem:s3+$0x40]  }
0x1f5: {  	v16 =	vld [tilespmem:s2+$0xFFFFFF80]  }
0x1f6: {  	v3 =	vld [tilespmem:s3+$0xFFFFFFB0]  }
0x1f7: {  	v17 =	vld [tilespmem:s30+$0x50]  }
0x1f8: {  	[tilespmem:s30+$0x0] =	vst v2;
	v2 =	vld [tilespmem:s30+$0x10];
	v7 =	vadd.f32 v10, v7  }
0x1f9: {  	v11 =	vld [tilespmem:s31+$0x10];
	v1 =	vadd.f32 v9, v1  }
0x1fa: {  	v9 =	vld [tilespmem:s29+$0x50];
	[tilespmem:s30+$0xFFFFFF80] =	vst v7  }
0x1fb: {  	[tilespmem:s29+$0x40] =	vst v1;
	v1 =	vadd.f32 v3, v5;
	v5 =	vld [tilespmem:s31+$0xFFFFFF90]  }
0x1fc: {  	v3 =	vld [tilespmem:s3+$0x50]  }
0x1fd: {  	v60 =	vld [tilespmem:s2+$0xFFFFFFA0]  }
0x1fe: {  	v4 =	vld [tilespmem:s29+$0xFFFFFFC0];
	v2 =	vadd.f32 v11, v2;
	[tilespmem:s29+$0xFFFFFFB0] =	vst v1  }
0x1ff: {  	v1 =	vld [tilespmem:s3+$0xFFFFFFC0]  }
0x200: {  	[tilespmem:s30+$0x10] =	vst v2;
	v2 =	vld [tilespmem:s30+$0x20]  }
0x201: {  	v5 =	vadd.f32 v5, v12;
	v3 =	vadd.f32 v3, v9;
	v9 =	vld [tilespmem:s31+$0x20]  }
0x202: {  	v18 =	vld [tilespmem:s30+$0x60];
	v15 =	vadd.f32 v15, v16  }
0x203: {  	v10 =	vld [tilespmem:s30+$0xFFFFFFA0];
	[tilespmem:s30+$0xFFFFFF90] =	vst v5  }
0x204: {  	[tilespmem:s2+$0xFFFFFF80] =	vst v15;
	v1 =	vadd.f32 v1, v4;
	v4 =	vld [tilespmem:s31+$0xFFFFFFA0]  }
0x205: {  	v15 =	vld [tilespmem:s0+$0xFFFFFF90]  }
0x206: {  	v0 =	vld [tilespmem:s29+$0xFFFFFFF0];
	[tilespmem:s29+$0xFFFFFFC0] =	vst v1;
	v1 =	vadd.f32 v9, v2  }
0x207: {  	v7 =	vld [tilespmem:s30+$0xFFFFFFB0]  }
0x208: {  	v5 =	vld [tilespmem:s30+$0x30];
	[tilespmem:s30+$0x20] =	vst v1  }
0x209: {  	v4 =	vadd.f32 v4, v10;
	v10 =	vld [tilespmem:s31+$0x30]  }
0x20a: {  	v2 =	vld [tilespmem:s3+$0xFFFFFFD0]  }
0x20b: {  	v11 =	vld [tilespmem:s29+$0x60]  }
0x20c: {  	v12 =	vld [tilespmem:s30+$0xFFFFFFC0];
	[tilespmem:s29+$0x50] =	vst v3  }
0x20d: {  	v3 =	vld [tilespmem:s3+$0x60]  }
0x20e: {  	[tilespmem:s30+$0xFFFFFFA0] =	vst v4;
	v4 =	vld [tilespmem:s2+$0x0];
	v5 =	vadd.f32 v10, v5  }
0x20f: {  	v2 =	vadd.f32 v2, v6;
	v6 =	vld [tilespmem:s0+$0x0]  }
0x210: {  	v10 =	vld [tilespmem:s30+$0x40];
	[tilespmem:s30+$0x30] =	vst v5  }
0x211: {  	v5 =	vld [tilespmem:s31+$0x40]  }
0x212: {  	v9 =	vld [tilespmem:s29+$0x70];
	v3 =	vadd.f32 v3, v11  }
0x213: {  	v1 =	vld [tilespmem:s30+$0xFFFFFFE0]  }
0x214: {  	[tilespmem:s29+$0x60] =	vst v3;
	v3 =	vld [tilespmem:s31+$0xFFFFFFB0];
	v4 =	vadd.f32 v6, v4  }
0x215: {  	v6 =	vld [tilespmem:s2+$0xFFFFFF90]  }
0x216: {  	[tilespmem:s2+$0x0] =	vst v4;
	v4 =	vld [tilespmem:s2+$0x10];
	v5 =	vadd.f32 v5, v10  }
0x217: {  	v10 =	vld [tilespmem:s0+$0x10]  }
0x218: {  	v11 =	vld [tilespmem:s3+$0x70];
	[tilespmem:s30+$0x40] =	vst v5  }
0x219: {  	v3 =	vadd.f32 v3, v7;
	v7 =	vld [tilespmem:s31+$0x50]  }
0x21a: {  	[tilespmem:s29+$0xFFFFFFD0] =	vst v2;
	v2 =	vld [tilespmem:s30+$0xFFFFFFF0]  }
0x21b: {  	v14 =	vld [tilespmem:s3+$0xFFFFFFE0];
	[tilespmem:s30+$0xFFFFFFB0] =	vst v3;
	v6 =	vadd.f32 v15, v6  }
0x21c: {  	v3 =	vadd.f32 v10, v4;
	v10 =	vld [tilespmem:s31+$0xFFFFFFC0]  }
0x21d: {  	[tilespmem:s2+$0xFFFFFF90] =	vst v6;
	v6 =	vld [tilespmem:s2+$0xFFFFFFE0]  }
0x21e: {  	v5 =	vld [tilespmem:s2+$0xFFFFFFB0];
	[tilespmem:s2+$0x10] =	vst v3;
	v3 =	vadd.f32 v7, v17  }
0x21f: {  	v7 =	vld [tilespmem:s2+$0x20]  }
0x220: {  	v15 =	vld [tilespmem:s0+$0x20];
	[tilespmem:s30+$0x50] =	vst v3  }
0x221: {  	v10 =	vadd.f32 v10, v12;
	v12 =	vld [tilespmem:s31+$0x60]  }
0x222: {  	v61 =	vld [tilespmem:s0+$0xFFFFFFA0]  }
0x223: {  	v4 =	vld [tilespmem:s2+$0xFFFFFFC0];
	[tilespmem:s30+$0xFFFFFFC0] =	vst v10  }
0x224: {  	v10 =	vld [tilespmem:s31+$0xFFFFFFD0]  }
0x225: {  	v3 =	vld [tilespmem:s2+$0xFFFFFFD0];
	v7 =	vadd.f32 v15, v7  }
0x226: {  	v15 =	vld [tilespmem:s30+$0x70];
	v12 =	vadd.f32 v12, v18  }
0x227: {  	[tilespmem:s2+$0x20] =	vst v7;
	v7 =	vadd.f32 v14, v8;
	v14 =	vld [tilespmem:s2+$0x30]  }
0x228: {  	v8 =	vadd.f32 v61, v60;
	v62 =	vld [tilespmem:s0+$0x30];
	[tilespmem:s30+$0x60] =	vst v12  }
0x229: {  	[tilespmem:s29+$0xFFFFFFE0] =	vst v7;
	v7 =	vadd.f32 v10, v13;
	v63 =	vld [tilespmem:s31+$0x70]  }
0x22a: {  	[tilespmem:s2+$0xFFFFFFA0] =	vst v8;
	v8 =	vld [tilespmem:s3+$0xFFFFFFF0]  }
0x22b: {  	v12 =	vld [tilespmem:s0+$0xFFFFFFB0];
	[tilespmem:s30+$0xFFFFFFD0] =	vst v7  }
0x22c: {  	v10 =	vadd.f32 v11, v9;
	v9 =	vld [tilespmem:s31+$0xFFFFFFE0]  }
0x22d: {  	v7 =	vld [tilespmem:s2+$0xFFFFFFF0];
	v13 =	vadd.f32 v62, v14  }
0x22e: {  	s14 =	simm.s32 $0x4;
	s16 =	simm.s32 $0x2380;
	s3 =	simm.s32 $0xEA80;
	[tilespmem:s29+$0x70] =	vst v10;
	v10 =	vld [tilespmem:s2+$0x40];
	v11 =	vadd.f32 v63, v15  }
.LBB2_11:
0x22f: {  	v14 =	vld [tilespmem:s16+$0x0];
	[tilespmem:s2+$0x30] =	vst v13;
	s0 =	sadd.s32 $0x100, s0;
	v8 =	vadd.f32 v8, v0;
	v0 =	vmov v2  }
0x230: {  	v13 =	vld [tilespmem:s0+$0x0];
	v12 =	vadd.f32 v12, v5;
	[tilespmem:s30+$0x70] =	vst v11  }
0x231: {  	s14 =	sadd.s32 $0x2, s14;
	v5 =	vld [tilespmem:s3+$0x40];
	v9 =	vadd.f32 v9, v1;
	[tilespmem:s29+$0xFFFFFFF0] =	vst v8;
	v1 =	vmov v6;
	s29 =	smov.u32 s30;
	s30 =	smov.u32 s2  }
0x232: {  	p0 =	slt.u32 s14, $0x62;
	s2 =	smov.u32 s16;
	v6 =	vld [tilespmem:s0+$0xFFFFFF80];
	[tilespmem:s30+$0xFFFFFFB0] =	vst v12;
	v2 =	vmov v7  }
0x233: {  	v7 =	vld [tilespmem:s16+$0xFFFFFF80];
	[tilespmem:s29+$0xFFFFFFE0] =	vst v9  }
0x234: {  	v8 =	vld [tilespmem:s16+$0xFFFFFF90]  }
0x235: {  	v9 =	vld [tilespmem:s16+$0xFFFFFFA0];
	v11 =	vadd.f32 v13, v14  }
0x236: {  	v5 =	vadd.f32 v5, v10;
	v10 =	vld [tilespmem:s30+$0x50]  }
0x237: {  	[tilespmem:s16+$0x0] =	vst v11;
	v11 =	vld [tilespmem:s16+$0x10]  }
0x238: {  	v6 =	vadd.f32 v6, v7;
	v7 =	vld [tilespmem:s0+$0x10];
	[tilespmem:s30+$0x40] =	vst v5  }
0x239: {  	v12 =	vld [tilespmem:s3+$0x50]  }
0x23a: {  	[tilespmem:s16+$0xFFFFFF80] =	vst v6;
	v5 =	vld [tilespmem:s16+$0xFFFFFFB0]  }
0x23b: {  	v6 =	vld [tilespmem:s0+$0xFFFFFF90]  }
0x23c: {  	v13 =	vld [tilespmem:s3+$0xFFFFFFC0]  }
0x23d: {  	v14 =	vld [tilespmem:s16+$0xFFFFFFC0];
	v7 =	vadd.f32 v7, v11  }
0x23e: {  	v10 =	vadd.f32 v12, v10;
	v11 =	vld [tilespmem:s30+$0x60]  }
0x23f: {  	[tilespmem:s16+$0x10] =	vst v7;
	v7 =	vld [tilespmem:s16+$0x20]  }
0x240: {  	v6 =	vadd.f32 v6, v8;
	v8 =	vld [tilespmem:s0+$0x20];
	[tilespmem:s30+$0x50] =	vst v10  }
0x241: {  	v10 =	vadd.f32 v13, v4;
	v12 =	vld [tilespmem:s3+$0x60]  }
0x242: {  	[tilespmem:s16+$0xFFFFFF90] =	vst v6;
	v13 =	vld [tilespmem:s16+$0xFFFFFFD0];
	v4 =	vmov v14  }
0x243: {  	v14 =	vld [tilespmem:s0+$0xFFFFFFA0];
	[tilespmem:s30+$0xFFFFFFC0] =	vst v10  }
0x244: {  	v10 =	vld [tilespmem:s3+$0xFFFFFFD0]  }
0x245: {  	v6 =	vld [tilespmem:s16+$0xFFFFFFE0];
	v7 =	vadd.f32 v8, v7  }
0x246: {  	v8 =	vadd.f32 v12, v11;
	v11 =	vld [tilespmem:s30+$0x70]  }
0x247: {  	[tilespmem:s16+$0x20] =	vst v7;
	v15 =	vld [tilespmem:s16+$0x30]  }
0x248: {  	v7 =	vadd.f32 v14, v9;
	v14 =	vld [tilespmem:s0+$0x30];
	[tilespmem:s30+$0x60] =	vst v8  }
0x249: {  	v9 =	vadd.f32 v10, v3;
	v16 =	vld [tilespmem:s3+$0x70];
	v3 =	vmov v13  }
.Ltmp4:
0x24a: {  	[tilespmem:s16+$0xFFFFFFA0] =	vst v7;
	v8 =	vld [tilespmem:s31+$0xFFFFFFF0];
	s31 =	smov.u32 s3;
	s3 =	smov.u32 s0;
	(pc) =	sbr.rel @p0 .LBB2_11-.Ltmp4, $4  }
0x24b: {  	v12 =	vld [tilespmem:s0+$0xFFFFFFB0];
	[tilespmem:s30+$0xFFFFFFD0] =	vst v9  }
0x24c: {  	v9 =	vld [tilespmem:s31+$0xFFFFFFE0]  }
0x24d: {  	v7 =	vld [tilespmem:s16+$0xFFFFFFF0];
	v13 =	vadd.f32 v14, v15  }
0x24e: {  	s16 =	sadd.s32 $0x100, s16;
	v10 =	vld [tilespmem:s2+$0x40];
	v11 =	vadd.f32 v16, v11  }
0x24f: {  	_ = 	snop  }
0x250: {  	[tilespmem:s2+$0x30] =	vst v13;
	v5 =	vadd.f32 v12, v5  }
0x251: {  	v12 =	vld [tilespmem:s3+$0x40]  }
0x252: {  	[tilespmem:s2+$0xFFFFFFB0] =	vst v5  }
0x253: {  	v5 =	vld [tilespmem:s3+$0xFFFFFFC0];
	_ =	sdelay $0x2  }
0x254: {  	v10 =	vadd.f32 v12, v10;
	_ =	sdelay $0x1  }
0x255: {  	v12 =	vld [tilespmem:s2+$0x50];
	[tilespmem:s2+$0x40] =	vst v10;
	v4 =	vadd.f32 v5, v4  }
0x256: {  	v5 =	vld [tilespmem:s3+$0x50]  }
0x257: {  	[tilespmem:s2+$0xFFFFFFC0] =	vst v4  }
0x258: {  	v4 =	vld [tilespmem:s3+$0xFFFFFFD0];
	_ =	sdelay $0x2  }
0x259: {  	v5 =	vadd.f32 v5, v12;
	_ =	sdelay $0x1  }
0x25a: {  	v10 =	vld [tilespmem:s2+$0x60];
	[tilespmem:s2+$0x50] =	vst v5;
	v3 =	vadd.f32 v4, v3  }
0x25b: {  	v4 =	vld [tilespmem:s3+$0x60]  }
0x25c: {  	[tilespmem:s2+$0xFFFFFFD0] =	vst v3  }
0x25d: {  	v3 =	vld [tilespmem:s3+$0xFFFFFFE0];
	_ =	sdelay $0x2  }
0x25e: {  	v4 =	vadd.f32 v4, v10  }
0x25f: {  	v1 =	vadd.f32 v9, v1  }
0x260: {  	v5 =	vld [tilespmem:s2+$0x70];
	[tilespmem:s2+$0x60] =	vst v4;
	v3 =	vadd.f32 v3, v6  }
0x261: {  	[tilespmem:s30+$0xFFFFFFE0] =	vst v1;
	v1 =	vld [tilespmem:s3+$0x70]  }
0x262: {  	v4 =	vld [tilespmem:s31+$0xFFFFFFF0];
	[tilespmem:s2+$0xFFFFFFE0] =	vst v3  }
0x263: {  	v3 =	vld [tilespmem:s3+$0xFFFFFFF0];
	_ =	sdelay $0x1  }
0x264: {  	v0 =	vadd.f32 v8, v0  }
0x265: {  	[tilespmem:s30+$0x70] =	vst v11;
	v1 =	vadd.f32 v1, v5  }
0x266: {  	[tilespmem:s29+$0xFFFFFFF0] =	vst v0;
	v0 =	vadd.f32 v4, v2  }
0x267: {  	[tilespmem:s2+$0x70] =	vst v1;
	v1 =	vadd.f32 v3, v7  }
0x268: {  	[tilespmem:s30+$0xFFFFFFF0] =	vst v0  }
0x269: {  	[tilespmem:s2+$0xFFFFFFF0] =	vst v1  }
0x26a: {  	s0 =	sshll.u32 s26, $0x9;
	_ =	swait.ge [sflag:s24], $0x6400  }
0x26b: {  	s0 =	sand.u32 $0x3FFFFE00, s0;
	[sflag:s24] =	ssyncset.done $0x0  }
0x26c: {  	s14 =	sadd.s32 $0x300, s0;
	[sflag:s24] =	ssyncadd.s32 $0xFFFF9C00  }
0x26d: {  	[tilespmem:s19], [sflag:$0x2] =	stream.indirect.gather [hbm4b:s1+s12], $0x80, s14, s12, $0xb8;
	[tilespmem:$0x14C00] =	vst v63  }
0x26e: {  	s0 =	sadd.s32 $0x380, s0;
	s29 =	simm.s32 $0x52F0  }
0x26f: {  	[tilespmem:s21], [sflag:$0x2] =	stream.indirect.gather [hbm4b:s1+s12], $0x80, s0, s12, $0xb8;
	[tilespmem:$0x14C00] =	vst v63  }
0x270: {  	s16 =	simm.s32 $0x11AF0;
	v0 =	vld [tilespmem:s29+$0xFFFFFF90]  }
0x271: {  	v1 =	vld [tilespmem:s16+$0xFFFFFF90];
	_ =	sdelay $0x3  }
0x272: {  	v2 =	vld [tilespmem:s29+$0xFFFFFF10]  }
0x273: {  	v0 =	vadd.f32 v1, v0;
	v1 =	vld [tilespmem:s16+$0xFFFFFF10];
	_ =	sdelay $0x1  }
0x274: {  	[tilespmem:s29+$0xFFFFFF90] =	vst v0;
	v0 =	vld [tilespmem:s29+$0xFFFFFFA0]  }
0x275: {  	v3 =	vld [tilespmem:s16+$0xFFFFFFA0];
	_ =	sdelay $0x1  }
0x276: {  	v1 =	vadd.f32 v1, v2;
	_ =	sdelay $0x1  }
0x277: {  	v4 =	vld [tilespmem:s29+$0xFFFFFF20];
	[tilespmem:s29+$0xFFFFFF10] =	vst v1  }
0x278: {  	v0 =	vadd.f32 v3, v0;
	v1 =	vld [tilespmem:s16+$0xFFFFFF20];
	_ =	sdelay $0x1  }
0x279: {  	[tilespmem:s29+$0xFFFFFFA0] =	vst v0;
	v0 =	vld [tilespmem:s29+$0xFFFFFFB0]  }
0x27a: {  	v3 =	vld [tilespmem:s16+$0xFFFFFFB0]  }
0x27b: {  	v5 =	vld [tilespmem:s29+$0xFFFFFF40]  }
0x27c: {  	s30 =	simm.s32 $0x53F0;
	v6 =	vld [tilespmem:s29+$0xFFFFFF60];
	v1 =	vadd.f32 v1, v4  }
0x27d: {  	v7 =	vld [tilespmem:s30+$0xFFFFFF90]  }
0x27e: {  	v2 =	vld [tilespmem:s29+$0xFFFFFF30];
	[tilespmem:s29+$0xFFFFFF20] =	vst v1  }
0x27f: {  	v0 =	vadd.f32 v3, v0;
	v1 =	vld [tilespmem:s16+$0xFFFFFF30]  }
0x280: {  	v8 =	vld [tilespmem:s29+$0xFFFFFF70]  }
0x281: {  	[tilespmem:s29+$0xFFFFFFB0] =	vst v0;
	v0 =	vld [tilespmem:s29+$0xFFFFFFC0]  }
0x282: {  	s31 =	simm.s32 $0x11BF0;
	v3 =	vld [tilespmem:s16+$0xFFFFFFC0]  }
0x283: {  	v10 =	vld [tilespmem:s31+$0xFFFFFF10]  }
0x284: {  	v1 =	vadd.f32 v1, v2;
	v2 =	vld [tilespmem:s31+$0xFFFFFF90]  }
0x285: {  	v12 =	vld [tilespmem:s30+$0xFFFFFF20]  }
0x286: {  	s0 =	simm.s32 $0x11CF0;
	v13 =	vld [tilespmem:s30+$0xFFFFFF60]  }
0x287: {  	v15 =	vld [tilespmem:s0+$0xFFFFFF10];
	v0 =	vadd.f32 v3, v0  }
0x288: {  	[tilespmem:s29+$0xFFFFFF30] =	vst v1;
	v1 =	vld [tilespmem:s29+$0xFFFFFFD0]  }
0x289: {  	[tilespmem:s29+$0xFFFFFFC0] =	vst v0;
	v2 =	vadd.f32 v2, v7;
	v7 =	vld [tilespmem:s30+$0xFFFFFF10]  }
0x28a: {  	s2 =	simm.s32 $0x54F0;
	v9 =	vld [tilespmem:s16+$0xFFFFFFD0]  }
0x28b: {  	v16 =	vld [tilespmem:s2+$0xFFFFFF10]  }
0x28c: {  	v3 =	vld [tilespmem:s16+$0xFFFFFF40]  }
0x28d: {  	v17 =	vld [tilespmem:s30+$0xFFFFFFE0]  }
0x28e: {  	[tilespmem:s30+$0xFFFFFF90] =	vst v2;
	v2 =	vld [tilespmem:s30+$0xFFFFFFA0];
	v7 =	vadd.f32 v10, v7  }
0x28f: {  	v11 =	vld [tilespmem:s31+$0xFFFFFFA0];
	v1 =	vadd.f32 v9, v1  }
0x290: {  	v9 =	vld [tilespmem:s29+$0xFFFFFFE0];
	[tilespmem:s30+$0xFFFFFF10] =	vst v7  }
0x291: {  	[tilespmem:s29+$0xFFFFFFD0] =	vst v1;
	v1 =	vadd.f32 v3, v5;
	v5 =	vld [tilespmem:s31+$0xFFFFFF20]  }
0x292: {  	v3 =	vld [tilespmem:s16+$0xFFFFFFE0]  }
0x293: {  	v60 =	vld [tilespmem:s2+$0xFFFFFF30]  }
0x294: {  	v4 =	vld [tilespmem:s29+$0xFFFFFF50];
	v2 =	vadd.f32 v11, v2;
	[tilespmem:s29+$0xFFFFFF40] =	vst v1  }
0x295: {  	v1 =	vld [tilespmem:s16+$0xFFFFFF50]  }
0x296: {  	[tilespmem:s30+$0xFFFFFFA0] =	vst v2;
	v2 =	vld [tilespmem:s30+$0xFFFFFFB0]  }
0x297: {  	v5 =	vadd.f32 v5, v12;
	v3 =	vadd.f32 v3, v9;
	v9 =	vld [tilespmem:s31+$0xFFFFFFB0]  }
0x298: {  	v18 =	vld [tilespmem:s30+$0xFFFFFFF0];
	v15 =	vadd.f32 v15, v16  }
0x299: {  	v10 =	vld [tilespmem:s30+$0xFFFFFF30];
	[tilespmem:s30+$0xFFFFFF20] =	vst v5  }
0x29a: {  	[tilespmem:s2+$0xFFFFFF10] =	vst v15;
	v1 =	vadd.f32 v1, v4;
	v4 =	vld [tilespmem:s31+$0xFFFFFF30]  }
0x29b: {  	v15 =	vld [tilespmem:s0+$0xFFFFFF20]  }
0x29c: {  	v0 =	vld [tilespmem:s29+$0xFFFFFF80];
	[tilespmem:s29+$0xFFFFFF50] =	vst v1;
	v1 =	vadd.f32 v9, v2  }
0x29d: {  	v7 =	vld [tilespmem:s30+$0xFFFFFF40]  }
0x29e: {  	v5 =	vld [tilespmem:s30+$0xFFFFFFC0];
	[tilespmem:s30+$0xFFFFFFB0] =	vst v1  }
0x29f: {  	v4 =	vadd.f32 v4, v10;
	v10 =	vld [tilespmem:s31+$0xFFFFFFC0]  }
0x2a0: {  	v2 =	vld [tilespmem:s16+$0xFFFFFF60]  }
0x2a1: {  	v11 =	vld [tilespmem:s29+$0xFFFFFFF0]  }
0x2a2: {  	v12 =	vld [tilespmem:s30+$0xFFFFFF50];
	[tilespmem:s29+$0xFFFFFFE0] =	vst v3  }
0x2a3: {  	v3 =	vld [tilespmem:s16+$0xFFFFFFF0]  }
0x2a4: {  	[tilespmem:s30+$0xFFFFFF30] =	vst v4;
	v4 =	vld [tilespmem:s2+$0xFFFFFF90];
	v5 =	vadd.f32 v10, v5  }
0x2a5: {  	v2 =	vadd.f32 v2, v6;
	v6 =	vld [tilespmem:s0+$0xFFFFFF90]  }
0x2a6: {  	v10 =	vld [tilespmem:s30+$0xFFFFFFD0];
	[tilespmem:s30+$0xFFFFFFC0] =	vst v5  }
0x2a7: {  	v5 =	vld [tilespmem:s31+$0xFFFFFFD0]  }
0x2a8: {  	v9 =	vld [tilespmem:s29+$0x0];
	v3 =	vadd.f32 v3, v11  }
0x2a9: {  	v1 =	vld [tilespmem:s30+$0xFFFFFF70]  }
0x2aa: {  	[tilespmem:s29+$0xFFFFFFF0] =	vst v3;
	v3 =	vld [tilespmem:s31+$0xFFFFFF40];
	v4 =	vadd.f32 v6, v4  }
0x2ab: {  	v6 =	vld [tilespmem:s2+$0xFFFFFF20]  }
0x2ac: {  	[tilespmem:s2+$0xFFFFFF90] =	vst v4;
	v4 =	vld [tilespmem:s2+$0xFFFFFFA0];
	v5 =	vadd.f32 v5, v10  }
0x2ad: {  	v10 =	vld [tilespmem:s0+$0xFFFFFFA0]  }
0x2ae: {  	v11 =	vld [tilespmem:s16+$0x0];
	[tilespmem:s30+$0xFFFFFFD0] =	vst v5  }
0x2af: {  	v3 =	vadd.f32 v3, v7;
	v7 =	vld [tilespmem:s31+$0xFFFFFFE0]  }
0x2b0: {  	[tilespmem:s29+$0xFFFFFF60] =	vst v2;
	v2 =	vld [tilespmem:s30+$0xFFFFFF80]  }
0x2b1: {  	v14 =	vld [tilespmem:s16+$0xFFFFFF70];
	[tilespmem:s30+$0xFFFFFF40] =	vst v3;
	v6 =	vadd.f32 v15, v6  }
0x2b2: {  	v3 =	vadd.f32 v10, v4;
	v10 =	vld [tilespmem:s31+$0xFFFFFF50]  }
0x2b3: {  	[tilespmem:s2+$0xFFFFFF20] =	vst v6;
	v6 =	vld [tilespmem:s2+$0xFFFFFF70]  }
0x2b4: {  	v5 =	vld [tilespmem:s2+$0xFFFFFF40];
	[tilespmem:s2+$0xFFFFFFA0] =	vst v3;
	v3 =	vadd.f32 v7, v17  }
0x2b5: {  	v7 =	vld [tilespmem:s2+$0xFFFFFFB0]  }
0x2b6: {  	v15 =	vld [tilespmem:s0+$0xFFFFFFB0];
	[tilespmem:s30+$0xFFFFFFE0] =	vst v3  }
0x2b7: {  	v10 =	vadd.f32 v10, v12;
	v12 =	vld [tilespmem:s31+$0xFFFFFFF0]  }
0x2b8: {  	v61 =	vld [tilespmem:s0+$0xFFFFFF30]  }
0x2b9: {  	v4 =	vld [tilespmem:s2+$0xFFFFFF50];
	[tilespmem:s30+$0xFFFFFF50] =	vst v10  }
0x2ba: {  	v10 =	vld [tilespmem:s31+$0xFFFFFF60]  }
0x2bb: {  	v3 =	vld [tilespmem:s2+$0xFFFFFF60];
	v7 =	vadd.f32 v15, v7  }
0x2bc: {  	v15 =	vld [tilespmem:s30+$0x0];
	v12 =	vadd.f32 v12, v18  }
0x2bd: {  	[tilespmem:s2+$0xFFFFFFB0] =	vst v7;
	v7 =	vadd.f32 v14, v8;
	v14 =	vld [tilespmem:s2+$0xFFFFFFC0]  }
0x2be: {  	v8 =	vadd.f32 v61, v60;
	v62 =	vld [tilespmem:s0+$0xFFFFFFC0];
	[tilespmem:s30+$0xFFFFFFF0] =	vst v12  }
0x2bf: {  	[tilespmem:s29+$0xFFFFFF70] =	vst v7;
	v7 =	vadd.f32 v10, v13;
	v63 =	vld [tilespmem:s31+$0x0]  }
0x2c0: {  	[tilespmem:s2+$0xFFFFFF30] =	vst v8;
	v8 =	vld [tilespmem:s16+$0xFFFFFF80]  }
0x2c1: {  	v12 =	vld [tilespmem:s0+$0xFFFFFF40];
	[tilespmem:s30+$0xFFFFFF60] =	vst v7  }
0x2c2: {  	v10 =	vadd.f32 v11, v9;
	v9 =	vld [tilespmem:s31+$0xFFFFFF70]  }
0x2c3: {  	v7 =	vld [tilespmem:s2+$0xFFFFFF80];
	v13 =	vadd.f32 v62, v14  }
0x2c4: {  	s3 =	simm.s32 $0x11CF0;
	s14 =	simm.s32 $0x68;
	s16 =	simm.s32 $0x55F0;
	[tilespmem:s29+$0x0] =	vst v10;
	v10 =	vld [tilespmem:s2+$0xFFFFFFD0];
	v11 =	vadd.f32 v63, v15  }
.LBB2_13:
0x2c5: {  	v14 =	vld [tilespmem:s16+$0xFFFFFF90];
	[tilespmem:s2+$0xFFFFFFC0] =	vst v13;
	s0 =	sadd.s32 $0x100, s0;
	v8 =	vadd.f32 v8, v0;
	v0 =	vmov v2  }
0x2c6: {  	v13 =	vld [tilespmem:s0+$0xFFFFFF90];
	v12 =	vadd.f32 v12, v5;
	[tilespmem:s30+$0x0] =	vst v11  }
0x2c7: {  	s14 =	sadd.s32 $0x2, s14;
	v5 =	vld [tilespmem:s3+$0xFFFFFFD0];
	v9 =	vadd.f32 v9, v1;
	[tilespmem:s29+$0xFFFFFF80] =	vst v8;
	v1 =	vmov v6;
	s29 =	smov.u32 s30;
	s30 =	smov.u32 s2  }
0x2c8: {  	p0 =	slt.u32 s14, $0xC6;
	s2 =	smov.u32 s16;
	v6 =	vld [tilespmem:s0+$0xFFFFFF10];
	[tilespmem:s30+$0xFFFFFF40] =	vst v12;
	v2 =	vmov v7  }
0x2c9: {  	v7 =	vld [tilespmem:s16+$0xFFFFFF10];
	[tilespmem:s29+$0xFFFFFF70] =	vst v9  }
0x2ca: {  	v8 =	vld [tilespmem:s16+$0xFFFFFF20]  }
0x2cb: {  	v9 =	vld [tilespmem:s16+$0xFFFFFF30];
	v11 =	vadd.f32 v13, v14  }
0x2cc: {  	v5 =	vadd.f32 v5, v10;
	v10 =	vld [tilespmem:s30+$0xFFFFFFE0]  }
0x2cd: {  	[tilespmem:s16+$0xFFFFFF90] =	vst v11;
	v11 =	vld [tilespmem:s16+$0xFFFFFFA0]  }
0x2ce: {  	v6 =	vadd.f32 v6, v7;
	v7 =	vld [tilespmem:s0+$0xFFFFFFA0];
	[tilespmem:s30+$0xFFFFFFD0] =	vst v5  }
0x2cf: {  	v12 =	vld [tilespmem:s3+$0xFFFFFFE0]  }
0x2d0: {  	[tilespmem:s16+$0xFFFFFF10] =	vst v6;
	v5 =	vld [tilespmem:s16+$0xFFFFFF40]  }
0x2d1: {  	v6 =	vld [tilespmem:s0+$0xFFFFFF20]  }
0x2d2: {  	v13 =	vld [tilespmem:s3+$0xFFFFFF50]  }
0x2d3: {  	v14 =	vld [tilespmem:s16+$0xFFFFFF50];
	v7 =	vadd.f32 v7, v11  }
0x2d4: {  	v10 =	vadd.f32 v12, v10;
	v11 =	vld [tilespmem:s30+$0xFFFFFFF0]  }
0x2d5: {  	[tilespmem:s16+$0xFFFFFFA0] =	vst v7;
	v7 =	vld [tilespmem:s16+$0xFFFFFFB0]  }
0x2d6: {  	v6 =	vadd.f32 v6, v8;
	v8 =	vld [tilespmem:s0+$0xFFFFFFB0];
	[tilespmem:s30+$0xFFFFFFE0] =	vst v10  }
0x2d7: {  	v10 =	vadd.f32 v13, v4;
	v12 =	vld [tilespmem:s3+$0xFFFFFFF0]  }
0x2d8: {  	[tilespmem:s16+$0xFFFFFF20] =	vst v6;
	v13 =	vld [tilespmem:s16+$0xFFFFFF60];
	v4 =	vmov v14  }
0x2d9: {  	v14 =	vld [tilespmem:s0+$0xFFFFFF30];
	[tilespmem:s30+$0xFFFFFF50] =	vst v10  }
0x2da: {  	v10 =	vld [tilespmem:s3+$0xFFFFFF60]  }
0x2db: {  	v6 =	vld [tilespmem:s16+$0xFFFFFF70];
	v7 =	vadd.f32 v8, v7  }
0x2dc: {  	v8 =	vadd.f32 v12, v11;
	v11 =	vld [tilespmem:s30+$0x0]  }
0x2dd: {  	[tilespmem:s16+$0xFFFFFFB0] =	vst v7;
	v15 =	vld [tilespmem:s16+$0xFFFFFFC0]  }
0x2de: {  	v7 =	vadd.f32 v14, v9;
	v14 =	vld [tilespmem:s0+$0xFFFFFFC0];
	[tilespmem:s30+$0xFFFFFFF0] =	vst v8  }
0x2df: {  	v9 =	vadd.f32 v10, v3;
	v16 =	vld [tilespmem:s3+$0x0];
	v3 =	vmov v13  }
.Ltmp5:
0x2e0: {  	[tilespmem:s16+$0xFFFFFF30] =	vst v7;
	v8 =	vld [tilespmem:s31+$0xFFFFFF80];
	s31 =	smov.u32 s3;
	s3 =	smov.u32 s0;
	(pc) =	sbr.rel @p0 .LBB2_13-.Ltmp5, $4  }
0x2e1: {  	v12 =	vld [tilespmem:s0+$0xFFFFFF40];
	[tilespmem:s30+$0xFFFFFF60] =	vst v9  }
0x2e2: {  	v9 =	vld [tilespmem:s31+$0xFFFFFF70]  }
0x2e3: {  	v7 =	vld [tilespmem:s16+$0xFFFFFF80];
	v13 =	vadd.f32 v14, v15  }
0x2e4: {  	s16 =	sadd.s32 $0x100, s16;
	v10 =	vld [tilespmem:s2+$0xFFFFFFD0];
	v11 =	vadd.f32 v16, v11  }
0x2e5: {  	_ = 	snop  }
0x2e6: {  	v5 =	vadd.f32 v12, v5  }
0x2e7: {  	[tilespmem:s2+$0xFFFFFFC0] =	vst v13  }
0x2e8: {  	v54 =	vld [tilespmem:s3+$0xFFFFFFD0];
	[tilespmem:s2+$0xFFFFFF40] =	vst v5  }
0x2e9: {  	v5 =	vld [tilespmem:s3+$0xFFFFFF50];
	_ =	sdelay $0x3  }
0x2ea: {  	v10 =	vadd.f32 v54, v10  }
0x2eb: {  	v4 =	vadd.f32 v5, v4  }
0x2ec: {  	v55 =	vld [tilespmem:s2+$0xFFFFFFE0];
	[tilespmem:s2+$0xFFFFFFD0] =	vst v10  }
0x2ed: {  	v56 =	vld [tilespmem:s3+$0xFFFFFFE0];
	[tilespmem:s2+$0xFFFFFF50] =	vst v4  }
0x2ee: {  	v4 =	vld [tilespmem:s3+$0xFFFFFF60];
	_ =	sdelay $0x3  }
0x2ef: {  	v5 =	vadd.f32 v56, v55  }
0x2f0: {  	v3 =	vadd.f32 v4, v3  }
0x2f1: {  	v57 =	vld [tilespmem:s2+$0xFFFFFFF0];
	[tilespmem:s2+$0xFFFFFFE0] =	vst v5  }
0x2f2: {  	v58 =	vld [tilespmem:s3+$0xFFFFFFF0];
	[tilespmem:s2+$0xFFFFFF60] =	vst v3  }
0x2f3: {  	v3 =	vld [tilespmem:s3+$0xFFFFFF70];
	_ =	sdelay $0x2  }
0x2f4: {  	v1 =	vadd.f32 v9, v1  }
0x2f5: {  	v4 =	vadd.f32 v58, v57  }
0x2f6: {  	v59 =	vld [tilespmem:s2+$0x0];
	[tilespmem:s30+$0xFFFFFF70] =	vst v1;
	v3 =	vadd.f32 v3, v6  }
0x2f7: {  	v61 =	vld [tilespmem:s31+$0xFFFFFF80];
	[tilespmem:s2+$0xFFFFFFF0] =	vst v4  }
0x2f8: {  	v60 =	vld [tilespmem:s3+$0x0];
	[tilespmem:s2+$0xFFFFFF70] =	vst v3  }
0x2f9: {  	v3 =	vld [tilespmem:s3+$0xFFFFFF80];
	_ =	sdelay $0x1  }
0x2fa: {  	v0 =	vadd.f32 v8, v0;
	s26 =	sadd.s32 $0x1, s26  }
0x2fb: {  	[tilespmem:s30+$0x0] =	vst v11;
	p0 =	sne.s32 s26, $0xF;
	v62 =	vadd.f32 v61, v2  }
.Ltmp6:
0x2fc: {  	s0 =	sadd.s32 s6, s28;
	[tilespmem:s29+$0xFFFFFF80] =	vst v0;
	v1 =	vadd.f32 v60, v59;
	(pc) =	sbr.rel @p0 .LBB2_6-.Ltmp6, $4  }
0x2fd: {  	s0 =	smul.u32 $0xC80, s0;
	[tilespmem:s30+$0xFFFFFF80] =	vst v62;
	v63 =	vadd.f32 v3, v7  }
0x2fe: {  	[tilespmem:s2+$0x0] =	vst v1  }
0x2ff: {  	s0 =	sadd.s32 s4, s0;
	[tilespmem:s2+$0xFFFFFF80] =	vst v63  }
0x300: {  	[hbm4b:s0+s5] =	stream.linear.scatter [tilespmem:s13], [sflag:$0x3], $0x6400, $0x38;
	[tilespmem:$0x14C00] =	vst v63  }
0x301: {  	_ =	swait.ge [sflag:s22], $0x6400  }
0x302: {  	[sflag:s22] =	ssyncset.done $0x0  }
0x303: {  	s0 =	simm.s32 $0x0;
	[sflag:s22] =	ssyncadd.s32 $0xFFFF9C00  }
0x304: {  	v0 =	vld [tilespmem:s0+$0x8400]  }
0x305: {  	v1 =	vld [tilespmem:s0+$0xE800]  }
0x306: {  	v2 =	vld [tilespmem:s0+$0x8410]  }
0x307: {  	v3 =	vld [tilespmem:s0+$0xE810]  }
0x308: {  	v4 =	vld [tilespmem:s0+$0x8420]  }
0x309: {  	v5 =	vld [tilespmem:s0+$0xE820]  }
0x30a: {  	v6 =	vld [tilespmem:s0+$0xE830]  }
0x30b: {  	v7 =	vld [tilespmem:s0+$0x84F0]  }
0x30c: {  	v8 =	vld [tilespmem:s0+$0xE8F0]  }
0x30d: {  	v63 =	vld [tilespmem:s0+$0x8470];
	v0 =	vadd.f32 v1, v0  }
0x30e: {  	v1 =	vld [tilespmem:s0+$0x8430]  }
0x30f: {  	[tilespmem:s0+$0x8400] =	vst v0;
	v0 =	vadd.f32 v3, v2;
	v2 =	vld [tilespmem:s0+$0x8440]  }
0x310: {  	v3 =	vld [tilespmem:s0+$0xE840]  }
0x311: {  	[tilespmem:s0+$0x8410] =	vst v0;
	v0 =	vadd.f32 v5, v4;
	v4 =	vld [tilespmem:s0+$0x8450]  }
0x312: {  	v5 =	vld [tilespmem:s0+$0xE850]  }
0x313: {  	[tilespmem:s0+$0x8420] =	vst v0;
	v0 =	vadd.f32 v6, v1;
	v6 =	vld [tilespmem:s0+$0x8460]  }
0x314: {  	v1 =	vadd.f32 v8, v7;
	v7 =	vld [tilespmem:s0+$0xE860]  }
0x315: {  	[tilespmem:s0+$0x8430] =	vst v0;
	v0 =	vld [tilespmem:s0+$0x8480]  }
0x316: {  	[tilespmem:s0+$0x84F0] =	vst v1;
	v1 =	vld [tilespmem:s0+$0xE880]  }
0x317: {  	v9 =	vld [tilespmem:s0+$0x8490]  }
0x318: {  	v10 =	vld [tilespmem:s0+$0xE890]  }
0x319: {  	v11 =	vld [tilespmem:s0+$0x84A0]  }
0x31a: {  	v12 =	vld [tilespmem:s0+$0xE8A0];
	v4 =	vadd.f32 v5, v4;
	v5 =	vadd.f32 v7, v6  }
0x31b: {  	v0 =	vadd.f32 v1, v0;
	v1 =	vadd.f32 v3, v2;
	v3 =	vld [tilespmem:s0+$0xE870]  }
0x31c: {  	v13 =	vld [tilespmem:s0+$0x84B0];
	[tilespmem:s0+$0x8450] =	vst v4  }
0x31d: {  	v14 =	vld [tilespmem:s0+$0xE8B0];
	[tilespmem:s0+$0x8460] =	vst v5  }
0x31e: {  	v2 =	vadd.f32 v10, v9;
	[tilespmem:s0+$0x8480] =	vst v0;
	v0 =	vld [tilespmem:s0+$0x84C0]  }
0x31f: {  	v4 =	vadd.f32 v12, v11;
	[tilespmem:s0+$0x8440] =	vst v1;
	v1 =	vld [tilespmem:s0+$0xE8C0]  }
0x320: {  	[tilespmem:s0+$0x8490] =	vst v2;
	v2 =	vld [tilespmem:s0+$0x84D0];
	v5 =	vadd.f32 v3, v63  }
0x321: {  	[tilespmem:s0+$0x84A0] =	vst v4;
	v3 =	vld [tilespmem:s0+$0xE8D0]  }
0x322: {  	s2 =	simm.s32 $0x0;
	s3 =	simm.s32 $0x400;
	v4 =	vld [tilespmem:s0+$0x84E0];
	[tilespmem:s0+$0x8470] =	vst v5;
	v5 =	vadd.f32 v14, v13  }
.LBB2_16:
0x323: {  	s14 =	sshra.s32 s3, $0x2;
	v6 =	vld [tilespmem:s0+$0xE8E0]  }
0x324: {  	s2 =	sadd.s32 $0x2, s2;
	v7 =	vld [tilespmem:s14+$0x84F0];
	[tilespmem:s0+$0x84B0] =	vst v5;
	v0 =	vadd.f32 v1, v0  }
0x325: {  	p0 =	slt.u32 s2, $0xC6;
	v1 =	vld [tilespmem:s14+$0xE8F0]  }
0x326: {  	v5 =	vld [tilespmem:s14+$0x8400];
	[tilespmem:s0+$0x84C0] =	vst v0;
	v0 =	vadd.f32 v3, v2  }
0x327: {  	v2 =	vld [tilespmem:s14+$0xE800]  }
0x328: {  	v3 =	vld [tilespmem:s14+$0x8410];
	[tilespmem:s0+$0x84D0] =	vst v0;
	v0 =	vadd.f32 v6, v4  }
0x329: {  	v4 =	vld [tilespmem:s14+$0xE810]  }
0x32a: {  	v6 =	vld [tilespmem:s14+$0x8420];
	v1 =	vadd.f32 v1, v7;
	[tilespmem:s0+$0x84E0] =	vst v0;
	s0 =	smov.u32 s14  }
0x32b: {  	v0 =	vld [tilespmem:s0+$0xE820]  }
0x32c: {  	v2 =	vadd.f32 v2, v5;
	v5 =	vld [tilespmem:s0+$0x8430];
	[tilespmem:s0+$0x84F0] =	vst v1  }
0x32d: {  	v1 =	vld [tilespmem:s0+$0xE830]  }
0x32e: {  	[tilespmem:s0+$0x8400] =	vst v2;
	v2 =	vadd.f32 v4, v3;
	v3 =	vld [tilespmem:s0+$0x8440]  }
0x32f: {  	v4 =	vld [tilespmem:s0+$0xE840]  }
0x330: {  	[tilespmem:s0+$0x8410] =	vst v2;
	v0 =	vadd.f32 v0, v6;
	v2 =	vld [tilespmem:s0+$0x8450]  }
0x331: {  	v6 =	vld [tilespmem:s0+$0xE850]  }
0x332: {  	[tilespmem:s0+$0x8420] =	vst v0;
	v0 =	vadd.f32 v1, v5;
	v1 =	vld [tilespmem:s0+$0x8460]  }
0x333: {  	v5 =	vld [tilespmem:s0+$0xE860]  }
0x334: {  	[tilespmem:s0+$0x8430] =	vst v0;
	v0 =	vadd.f32 v4, v3;
	v3 =	vld [tilespmem:s0+$0x8470]  }
0x335: {  	v4 =	vld [tilespmem:s0+$0xE870]  }
0x336: {  	[tilespmem:s0+$0x8440] =	vst v0;
	v0 =	vadd.f32 v6, v2;
	v2 =	vld [tilespmem:s0+$0x8480]  }
0x337: {  	v6 =	vld [tilespmem:s0+$0xE880]  }
0x338: {  	[tilespmem:s0+$0x8450] =	vst v0;
	v0 =	vadd.f32 v5, v1;
	v1 =	vld [tilespmem:s0+$0x8490]  }
0x339: {  	v5 =	vld [tilespmem:s0+$0xE890]  }
0x33a: {  	[tilespmem:s0+$0x8460] =	vst v0;
	v0 =	vadd.f32 v4, v3;
	v3 =	vld [tilespmem:s0+$0x84A0]  }
0x33b: {  	v4 =	vld [tilespmem:s0+$0xE8A0]  }
0x33c: {  	[tilespmem:s0+$0x8470] =	vst v0;
	v0 =	vadd.f32 v6, v2;
	v6 =	vld [tilespmem:s0+$0x84B0]  }
0x33d: {  	v7 =	vld [tilespmem:s0+$0xE8B0]  }
.Ltmp7:
0x33e: {  	[tilespmem:s0+$0x8480] =	vst v0;
	v2 =	vadd.f32 v5, v1;
	v0 =	vld [tilespmem:s0+$0x84C0];
	(pc) =	sbr.rel @p0 .LBB2_16-.Ltmp7, $4  }
0x33f: {  	v1 =	vld [tilespmem:s0+$0xE8C0]  }
0x340: {  	[tilespmem:s0+$0x8490] =	vst v2;
	v4 =	vadd.f32 v4, v3;
	v2 =	vld [tilespmem:s0+$0x84D0]  }
0x341: {  	v3 =	vld [tilespmem:s0+$0xE8D0]  }
0x342: {  	s3 =	sadd.s32 $0x400, s3;
	[tilespmem:s0+$0x84A0] =	vst v4;
	v5 =	vadd.f32 v7, v6;
	v4 =	vld [tilespmem:s0+$0x84E0]  }
0x343: {  	v6 =	vld [tilespmem:s0+$0xE8E0];
	_ =	sdelay $0x2  }
0x344: {  	v0 =	vadd.f32 v1, v0  }
0x345: {  	[tilespmem:s0+$0x84B0] =	vst v5;
	v62 =	vadd.f32 v3, v2  }
0x346: {  	[tilespmem:s0+$0x84C0] =	vst v0;
	v63 =	vadd.f32 v6, v4  }
0x347: {  	[tilespmem:s0+$0x84D0] =	vst v62  }
0x348: {  	s25 =	sadd.s32 $0x1, s25;
	[tilespmem:s0+$0x84E0] =	vst v63  }
0x349: {  	[hbm4b:s9+s5] =	stream.linear.scatter [tilespmem:s19], [sflag:$0x4], $0x6400, $0x38;
	[tilespmem:$0x14C00] =	vst v63  }
0x34a: {  	p0 =	sne.s32 s25, s10;
	_ =	swait.ge [sflag:s23], $0x6400  }
.Ltmp8:
0x34b: {  	[sflag:s23] =	ssyncset.done $0x0;
	(pc) =	sbr.rel @p0 .LBB2_1-.Ltmp8, $4  }
0x34c: {  	[sflag:s23] =	ssyncadd.s32 $0xFFFF9C00  }
0x34d: {  	_ =	swait.ge [sflag:s24], $0x6400  }
0x34e: {  	[sflag:s24] =	ssyncset.done $0x0  }
0x34f: {  	[sflag:s24] =	ssyncadd.s32 $0xFFFF9C00  }
0x350: {  	_ =	sfence.sel $0x180000  }
0x351: {  	[bflag:$0x0] =	sbarrier.arrive $0xFFFF  }
0x352: {  	_ =	strace $0x90000047  }
0x353: {  	s0 =	stileid.u32;
	[bflag:$0x2] =	sbarrier.arrive $0xFFFF  }
0x354: {  	p0 =	sne.s32 s0, $0x0;
	s0 =	rddreg [dreg:$0x4]  }
0x355: {  	s0 =	sadd.s32 @!p0 $0x100000, s0  }
0x356: {  	[sflag:s0] =	ssyncadd.tile.s32 @!p0 $0x1;
	_ =	shalt  }
.Lfunc_end2:
_tile_overlayer_lowered:
.L_overlay_start_2:
0x357: {  	(tag) =	ssettag $0x2  }
0x358: {  	s0 =	rddreg [dreg:$0x0];
	s2 =	stileid.u32  }
0x359: {  	s1 =	rddreg [dreg:$0x1];
	p0 =	sne.s32 s2, $0x0  }
0x35a: {  	s3 =	rddreg [dreg:$0x2];
	[bflag:$0x3] =	sbarrier.arrive $0xFFFF;
	s2 =	simm.s32 @!p0 $0x1C05  }
0x35b: {  	[timem:s3], [sflag:s2] =	dma.local @!p0 [hbm:s0], s1  }
0x35c: {  	s0 =	simm.s32 @!p0 $0x5  }
0x35d: {  	_ =	swait.ge @!p0 [sflag:s0], s1  }
0x35e: {  	s1 =	ssub.s32 @!p0 $0x0, s1;
	[sflag:s0] =	ssyncset.done @!p0 $0x0  }
0x35f: {  	[sflag:s0] =	ssyncadd.s32 @!p0 s1  }
0x360: {  	[bflag:$0x3] =	sbarrier.arrive $0xFFFF  }
0x361: {  	_ =	shalt  }

</sc_bundles>
